<compile_context>
chip_gen: v7x
topology: tpu7x:2x2x1
jax: 0.10.2.dev20260603
libtpu: 0.0.44.dev20260713+nightly
codegen_flags: <defaults>
</compile_context>

<pallas_src>
import functools

import jax
import jax.numpy as jnp
from jax import lax
from jax.experimental import pallas as pl
from jax.experimental.pallas import tpu as pltpu
from jax.experimental.pallas import tpu_sc as plsc

N = 10000
E = 320000
D = 128
G = 64

NC = 2
NS = 16
NW = NC * NS
EPW = E // NW
CH = 80
NCHUNK = EPW // CH
NP = 10240
RPT = NP // NS
ZR = 32

_sc_mesh = plsc.VectorSubcoreMesh(core_axis_name="c", subcore_axis_name="s")


@functools.partial(
    pl.kernel,
    out_type=jax.ShapeDtypeStruct((NC, NP, D), jnp.float32),
    mesh=_sc_mesh,
    scratch_types=[
        pltpu.VMEM((NCHUNK, CH), jnp.int32),
        pltpu.VMEM((NCHUNK, CH), jnp.int32),
        pltpu.VMEM((CH, D), jnp.float32),
        pltpu.VMEM((ZR, D), jnp.float32),
        pltpu.VMEM_SHARED((NP, D), jnp.float32),
        pltpu.SemaphoreType.DMA,
    ],
)
def _sc_aggregate(h_hbm, src_hbm, dst_hbm, out_hbm, sidx, didx, rows, zbuf, agg_sh, sem):
    c = lax.axis_index("c")
    s = lax.axis_index("s")
    w = c * NS + s

    zeros16 = jnp.zeros((16,), jnp.float32)

    def _zrow(i, carry):
        for j in range(D // 16):
            zbuf[i, pl.ds(j * 16, 16)] = zeros16
        return carry

    lax.fori_loop(0, ZR, _zrow, 0)

    def _zcopy(r, carry):
        pltpu.sync_copy(zbuf, agg_sh.at[pl.ds(s * RPT + r * ZR, ZR)])
        return carry

    lax.fori_loop(0, RPT // ZR, _zcopy, 0)

    pltpu.sync_copy(src_hbm.at[w], sidx)
    pltpu.sync_copy(dst_hbm.at[w], didx)

    plsc.subcore_barrier()

    def _chunk(g, carry):
        pltpu.async_copy(h_hbm.at[sidx.at[g]], rows, sem).wait()
        pltpu.sync_copy(rows, agg_sh.at[didx.at[g]], add=True)
        return carry

    lax.fori_loop(0, NCHUNK, _chunk, 0)

    plsc.subcore_barrier()

    pltpu.sync_copy(agg_sh.at[pl.ds(s * RPT, RPT)], out_hbm.at[c, pl.ds(s * RPT, RPT)])


R_MLP = 2000


def _mlp_body(scale_ref, h_ref, a0_ref, a1_ref, w1_ref, b1_ref, w2_ref, b2_ref, o_ref):
    z = h_ref[...] * scale_ref[0, 0] + a0_ref[0] + a1_ref[0]
    z = jnp.dot(z, w1_ref[...], preferred_element_type=jnp.float32) + b1_ref[...]
    z = jnp.maximum(z, 0.0)
    z = jnp.dot(z, w2_ref[...], preferred_element_type=jnp.float32) + b2_ref[...]
    o_ref[...] = jnp.maximum(z, 0.0)


def _tc_mlp(scale, h, agg, W1i, b1i, W2i, b2i):
    return pl.pallas_call(
        _mlp_body,
        grid=(N // R_MLP,),
        in_specs=[
            pl.BlockSpec((1, 1), lambda i: (0, 0)),
            pl.BlockSpec((R_MLP, D), lambda i: (i, 0)),
            pl.BlockSpec((1, R_MLP, D), lambda i: (0, i, 0)),
            pl.BlockSpec((1, R_MLP, D), lambda i: (1, i, 0)),
            pl.BlockSpec((D, D), lambda i: (0, 0)),
            pl.BlockSpec((1, D), lambda i: (0, 0)),
            pl.BlockSpec((D, D), lambda i: (0, 0)),
            pl.BlockSpec((1, D), lambda i: (0, 0)),
        ],
        out_specs=pl.BlockSpec((R_MLP, D), lambda i: (i, 0)),
        out_shape=jax.ShapeDtypeStruct((N, D), jnp.float32),
    )(scale, h, agg, agg, W1i, b1i, W2i, b2i)


R_HEAD = 1000


def _head_body(h_ref, batch_ref, wn_ref, bn_ref, wp_ref, bp_ref, o_ref, acc_ref):
    i = pl.program_id(0)
    hn = jnp.dot(h_ref[...], wn_ref[...], preferred_element_type=jnp.float32) + bn_ref[...]
    hn = jnp.maximum(hn, 0.0)
    onehot = (batch_ref[...] == lax.broadcasted_iota(jnp.int32, (1, G), 1)).astype(jnp.float32)
    hn_ext = jnp.concatenate([hn, jnp.ones_like(hn)], axis=1)
    blk = lax.dot_general(onehot, hn_ext, (((0,), (0,)), ((), ())))

    @pl.when(i == 0)
    def _():
        acc_ref[...] = blk

    @pl.when(i > 0)
    def _():
        acc_ref[...] = acc_ref[...] + blk

    @pl.when(i == (N // R_HEAD) - 1)
    def _():
        sums = acc_ref[:, :D]
        cnts = acc_ref[:, D:]
        h_graph = sums / jnp.maximum(cnts, 1.0)
        o_ref[...] = jnp.dot(h_graph, wp_ref[...], preferred_element_type=jnp.float32) + bp_ref[...]


def _tc_head(h, batch2d, Wn, bn, Wp_pad, bp_pad):
    return pl.pallas_call(
        _head_body,
        grid=(N // R_HEAD,),
        in_specs=[
            pl.BlockSpec((R_HEAD, D), lambda i: (i, 0)),
            pl.BlockSpec((R_HEAD, 1), lambda i: (i, 0)),
            pl.BlockSpec((D, D), lambda i: (0, 0)),
            pl.BlockSpec((1, D), lambda i: (0, 0)),
            pl.BlockSpec((D, D), lambda i: (0, 0)),
            pl.BlockSpec((1, D), lambda i: (0, 0)),
        ],
        out_specs=pl.BlockSpec((G, D), lambda i: (0, 0)),
        out_shape=jax.ShapeDtypeStruct((G, D), jnp.float32),
        scratch_shapes=[pltpu.VMEM((G, 2 * D), jnp.float32)],
    )(h, batch2d, Wn, bn, Wp_pad, bp_pad)


def kernel(x, edge_index, batch, W1, b1, W2, b2, eps, Wn, bn, Wp, bp):
    L = W1.shape[0]
    T = Wp.shape[1]
    src = edge_index[0].astype(jnp.int32).reshape(NW, NCHUNK, CH)
    dst = edge_index[1].astype(jnp.int32).reshape(NW, NCHUNK, CH)
    batch2d = batch.astype(jnp.int32).reshape(N, 1)

    h = x
    for i in range(L):
        agg = _sc_aggregate(h, src, dst)
        scale = (1.0 + eps[i]).reshape(1, 1)
        h = _tc_mlp(scale, h, agg, W1[i], b1[i].reshape(1, D), W2[i], b2[i].reshape(1, D))

    Wp_pad = jnp.zeros((D, D), jnp.float32).at[:, :T].set(Wp)
    bp_pad = jnp.zeros((1, D), jnp.float32).at[0, :T].set(bp)
    out = _tc_head(h, batch2d, Wn, bn.reshape(1, D), Wp_pad, bp_pad)
    return out[:, :T]

# --- scband reference (transcript-rebuilt; emitter-appended) ---
"""Pipeline reference for scband-gnn-25838523253003 (READ-ONLY COPY).

The authoritative reference and input builder live on the scoring server;
editing this copy changes nothing except your own understanding.
"""

import jax, jax.numpy as jnp
import numpy as np

N = 10000
E = 320000
D = 128
L = 5
T = 10
G = 64

def setup_inputs(seed: int = 0) -> dict:
    key = jax.random.key(seed)
    ks = jax.random.split(key, 16)
    x = jax.random.normal(ks[0], (N, D), dtype=jnp.float32)
    edge_index = jax.random.randint(ks[1], (2, E), 0, N, dtype=jnp.int64)
    batch = jnp.sort(jax.random.randint(ks[2], (N,), 0, G, dtype=jnp.int64))
    s = 1.0 / np.sqrt(D)
    W1 = jax.random.normal(ks[3], (L, D, D), dtype=jnp.float32) * s
    b1 = jnp.zeros((L, D), dtype=jnp.float32)
    W2 = jax.random.normal(ks[4], (L, D, D), dtype=jnp.float32) * s
    b2 = jnp.zeros((L, D), dtype=jnp.float32)
    eps = jnp.zeros((L,), dtype=jnp.float32)
    Wn = jax.random.normal(ks[5], (D, D), dtype=jnp.float32) * s
    bn = jnp.zeros((D,), dtype=jnp.float32)
    Wp = jax.random.normal(ks[6], (D, T), dtype=jnp.float32) * s
    bp = jnp.zeros((T,), dtype=jnp.float32)
    return {"x": x, "edge_index": edge_index, "batch": batch, "W1": W1, "b1": b1, "W2": W2, "b2": b2, "eps": eps, "Wn": Wn, "bn": bn, "Wp": Wp, "bp": bp}

def reference(x, edge_index, batch, W1, b1, W2, b2, eps, Wn, bn, Wp, bp):
    src = edge_index[0]
    dst = edge_index[1]
    h = x
    n_layers = W1.shape[0]
    for i in range(n_layers):
        # GIN message passing: sum-aggregate neighbor features (gather + scatter-add)
        msgs = jnp.take(h, src, axis=0)
        agg = jax.ops.segment_sum(msgs, dst, num_segments=h.shape[0])
        z = (1.0 + eps[i]) * h + agg
        # 2-layer GIN MLP
        z = jax.nn.relu(z @ W1[i] + b1[i])
        h = jax.nn.relu(z @ W2[i] + b2[i])
    # node2node MLP (1 layer, tailact=True)
    h = jax.nn.relu(h @ Wn + bn)
    # mean graph pooling over batch segment ids
    sums = jax.ops.segment_sum(h, batch, num_segments=G)
    counts = jax.ops.segment_sum(jnp.ones((h.shape[0], 1), dtype=h.dtype), batch, num_segments=G)
    h_graph = sums / jnp.maximum(counts, 1.0)
    # prediction head (outlayer=1 linear, ln_out=False -> Identity)
    return h_graph @ Wp + bp

if __name__ == "__main__":
    import jax
    _d = setup_inputs()
    print(jax.jit(kernel)(*tuple(_d.values())))

</pallas_src>

<mosaic_0001>
#map = affine_map<(d0, d1) -> (0, 0)>
#map1 = affine_map<(d0, d1) -> (0, 0, 0)>
module attributes {stable_mosaic.version = 14 : i64} {
  func.func @_sc_aggregate(%arg0: i32, %arg1: i32, %arg2: memref<10000x128xf32, #tpu.memory_space<hbm>>, %arg3: memref<32x125x80xi32, #tpu.memory_space<hbm>>, %arg4: memref<32x125x80xi32, #tpu.memory_space<hbm>>, %arg5: memref<2x10240x128xf32, #tpu.memory_space<hbm>>, %arg6: memref<125x80xi32, #tpu.memory_space<vmem>>, %arg7: memref<125x80xi32, #tpu.memory_space<vmem>>, %arg8: memref<80x128xf32, #tpu.memory_space<vmem>>, %arg9: memref<32x128xf32, #tpu.memory_space<vmem>>, %arg10: memref<10240x128xf32, #tpu.memory_space<vmem_shared>>, %arg11: memref<!tpu.dma_semaphore, #tpu.memory_space<semaphore_mem>>) attributes {dimension_semantics = [#tpu.dimension_semantics<core_parallel>, #tpu.dimension_semantics<subcore_parallel>], iteration_bounds = array<i64: 2, 16>, scalar_prefetch = 0 : i64, scratch_operands = 6 : i64, tpu.core_type = #tpu.core_type<sc_vector_subcore>, window_params = [{transform_indices = #map}, {transform_indices = #map1}, {transform_indices = #map1}, {transform_indices = #map1}]} {
    %mul3A = arith.constant 16 : i32
    %mul3A_0 = arith.muli %arg0, %mul3A : i32
    %add3A = arith.addi %mul3A_0, %arg1 : i32
    %broadcast_in_dim3A = arith.constant 0.000000e+00 : f32
    %broadcast_in_dim3A_1 = vector.broadcast %broadcast_in_dim3A : f32 to vector<16xf32>
    %scan3A = arith.constant 0 : i32
    %scan3A_2 = arith.constant 0 : i32
    %scan3A_3 = arith.constant 32 : i32
    %scan3A_4 = arith.addi %scan3A_2, %scan3A_3 : i32
    %scan3A_5 = arith.constant 1 : i32
    scf.for %scan3A_24 = %scan3A_2 to %scan3A_4 step %scan3A_5  : i32 {
      %swap3A = arith.index_cast %scan3A_24 : i32 to index
      %swap3A_25 = arith.constant 0 : index
      %swap3A_26 = tpu.vector_load %arg9[%swap3A, %swap3A_25] {strides = array<i32>} : memref<32x128xf32, #tpu.memory_space<vmem>>, vector<1x16xf32>,
      %swap3A_27 = vector.shape_cast %swap3A_26 : vector<1x16xf32> to vector<16xf32>
      %swap3A_28 = vector.shape_cast %broadcast_in_dim3A_1 : vector<16xf32> to vector<1x16xf32>
      tpu.vector_store %arg9[%swap3A, %swap3A_25], %swap3A_28 {strides = array<i32>} : memref<32x128xf32, #tpu.memory_space<vmem>>, vector<1x16xf32>,
      %swap3A_29 = arith.index_cast %scan3A_24 : i32 to index
      %swap3A_30 = arith.constant 16 : index
      %swap3A_31 = tpu.vector_load %arg9[%swap3A_29, %swap3A_30] {strides = array<i32>} : memref<32x128xf32, #tpu.memory_space<vmem>>, vector<1x16xf32>,
      %swap3A_32 = vector.shape_cast %swap3A_31 : vector<1x16xf32> to vector<16xf32>
      %swap3A_33 = vector.shape_cast %broadcast_in_dim3A_1 : vector<16xf32> to vector<1x16xf32>
      tpu.vector_store %arg9[%swap3A_29, %swap3A_30], %swap3A_33 {strides = array<i32>} : memref<32x128xf32, #tpu.memory_space<vmem>>, vector<1x16xf32>,
      %swap3A_34 = arith.index_cast %scan3A_24 : i32 to index
      %swap3A_35 = arith.constant 32 : index
      %swap3A_36 = tpu.vector_load %arg9[%swap3A_34, %swap3A_35] {strides = array<i32>} : memref<32x128xf32, #tpu.memory_space<vmem>>, vector<1x16xf32>,
      %swap3A_37 = vector.shape_cast %swap3A_36 : vector<1x16xf32> to vector<16xf32>
      %swap3A_38 = vector.shape_cast %broadcast_in_dim3A_1 : vector<16xf32> to vector<1x16xf32>
      tpu.vector_store %arg9[%swap3A_34, %swap3A_35], %swap3A_38 {strides = array<i32>} : memref<32x128xf32, #tpu.memory_space<vmem>>, vector<1x16xf32>,
      %swap3A_39 = arith.index_cast %scan3A_24 : i32 to index
      %swap3A_40 = arith.constant 48 : index
      %swap3A_41 = tpu.vector_load %arg9[%swap3A_39, %swap3A_40] {strides = array<i32>} : memref<32x128xf32, #tpu.memory_space<vmem>>, vector<1x16xf32>,
      %swap3A_42 = vector.shape_cast %swap3A_41 : vector<1x16xf32> to vector<16xf32>
      %swap3A_43 = vector.shape_cast %broadcast_in_dim3A_1 : vector<16xf32> to vector<1x16xf32>
      tpu.vector_store %arg9[%swap3A_39, %swap3A_40], %swap3A_43 {strides = array<i32>} : memref<32x128xf32, #tpu.memory_space<vmem>>, vector<1x16xf32>,
      %swap3A_44 = arith.index_cast %scan3A_24 : i32 to index
      %swap3A_45 = arith.constant 64 : index
      %swap3A_46 = tpu.vector_load %arg9[%swap3A_44, %swap3A_45] {strides = array<i32>} : memref<32x128xf32, #tpu.memory_space<vmem>>, vector<1x16xf32>,
      %swap3A_47 = vector.shape_cast %swap3A_46 : vector<1x16xf32> to vector<16xf32>
      %swap3A_48 = vector.shape_cast %broadcast_in_dim3A_1 : vector<16xf32> to vector<1x16xf32>
      tpu.vector_store %arg9[%swap3A_44, %swap3A_45], %swap3A_48 {strides = array<i32>} : memref<32x128xf32, #tpu.memory_space<vmem>>, vector<1x16xf32>,
      %swap3A_49 = arith.index_cast %scan3A_24 : i32 to index
      %swap3A_50 = arith.constant 80 : index
      %swap3A_51 = tpu.vector_load %arg9[%swap3A_49, %swap3A_50] {strides = array<i32>} : memref<32x128xf32, #tpu.memory_space<vmem>>, vector<1x16xf32>,
      %swap3A_52 = vector.shape_cast %swap3A_51 : vector<1x16xf32> to vector<16xf32>
      %swap3A_53 = vector.shape_cast %broadcast_in_dim3A_1 : vector<16xf32> to vector<1x16xf32>
      tpu.vector_store %arg9[%swap3A_49, %swap3A_50], %swap3A_53 {strides = array<i32>} : memref<32x128xf32, #tpu.memory_space<vmem>>, vector<1x16xf32>,
      %swap3A_54 = arith.index_cast %scan3A_24 : i32 to index
      %swap3A_55 = arith.constant 96 : index
      %swap3A_56 = tpu.vector_load %arg9[%swap3A_54, %swap3A_55] {strides = array<i32>} : memref<32x128xf32, #tpu.memory_space<vmem>>, vector<1x16xf32>,
      %swap3A_57 = vector.shape_cast %swap3A_56 : vector<1x16xf32> to vector<16xf32>
      %swap3A_58 = vector.shape_cast %broadcast_in_dim3A_1 : vector<16xf32> to vector<1x16xf32>
      tpu.vector_store %arg9[%swap3A_54, %swap3A_55], %swap3A_58 {strides = array<i32>} : memref<32x128xf32, #tpu.memory_space<vmem>>, vector<1x16xf32>,
      %swap3A_59 = arith.index_cast %scan3A_24 : i32 to index
      %swap3A_60 = arith.constant 112 : index
      %swap3A_61 = tpu.vector_load %arg9[%swap3A_59, %swap3A_60] {strides = array<i32>} : memref<32x128xf32, #tpu.memory_space<vmem>>, vector<1x16xf32>,
      %swap3A_62 = vector.shape_cast %swap3A_61 : vector<1x16xf32> to vector<16xf32>
      %swap3A_63 = vector.shape_cast %broadcast_in_dim3A_1 : vector<16xf32> to vector<1x16xf32>
      tpu.vector_store %arg9[%swap3A_59, %swap3A_60], %swap3A_63 {strides = array<i32>} : memref<32x128xf32, #tpu.memory_space<vmem>>, vector<1x16xf32>,
    }
    %scan3A_6 = arith.constant 32 : i32
    %scan3A_7 = arith.constant 0 : i32
    %scan3A_8 = arith.constant 0 : i32
    %scan3A_9 = arith.constant 20 : i32
    %scan3A_10 = arith.addi %scan3A_8, %scan3A_9 : i32
    %scan3A_11 = arith.constant 1 : i32
    scf.for %scan3A_24 = %scan3A_8 to %scan3A_10 step %scan3A_11  : i32 {
      %mul3A_25 = arith.constant 640 : i32
      %mul3A_26 = arith.muli %arg1, %mul3A_25 : i32
      %mul3A_27 = arith.constant 32 : i32
      %mul3A_28 = arith.muli %scan3A_24, %mul3A_27 : i32
      %add3A_29 = arith.addi %mul3A_26, %mul3A_28 : i32
      "tpu.region"() ({
        %run_scoped3A = tpu.sem_alloc : memref<!tpu.dma_semaphore, #tpu.memory_space<semaphore_mem>>
        %dma_start3A = arith.constant 0 : i32
        %dma_start3A_30 = tpu.memref_slice %arg10[%add3A_29, %dma_start3A] : memref<10240x128xf32, #tpu.memory_space<vmem_shared>> -> memref<32x128xf32, #tpu.memory_space<vmem_shared>>
        %dma_start3A_31 = arith.constant 0 : i32
        %dma_start3A_32 = tpu.memref_slice %arg10[%add3A_29, %dma_start3A_31] : memref<10240x128xf32, #tpu.memory_space<vmem_shared>> -> memref<32x128xf32, #tpu.memory_space<vmem_shared>>
        tpu.enqueue_dma source(%arg9 : memref<32x128xf32, #tpu.memory_space<vmem>>) target(%dma_start3A_32 : memref<32x128xf32, #tpu.memory_space<vmem_shared>>) target_semaphore(%run_scoped3A : memref<!tpu.dma_semaphore, #tpu.memory_space<semaphore_mem>>)
        %dma_wait3A = arith.constant 0 : i32
        %dma_wait3A_33 = tpu.memref_slice %arg10[%add3A_29, %dma_wait3A] : memref<10240x128xf32, #tpu.memory_space<vmem_shared>> -> memref<32x128xf32, #tpu.memory_space<vmem_shared>>
        %dma_wait3A_34 = arith.constant 0 : i32
        %dma_wait3A_35 = tpu.memref_slice %arg10[%add3A_29, %dma_wait3A_34] : memref<10240x128xf32, #tpu.memory_space<vmem_shared>> -> memref<32x128xf32, #tpu.memory_space<vmem_shared>>
        tpu.wait_dma2 semaphore(%run_scoped3A : memref<!tpu.dma_semaphore, #tpu.memory_space<semaphore_mem>>) src(%arg9 : memref<32x128xf32, #tpu.memory_space<vmem>>) dst(%dma_wait3A_35 : memref<32x128xf32, #tpu.memory_space<vmem_shared>>)
        tpu.yield
      }) : () -> ()
    }
    %scan3A_12 = arith.constant 20 : i32
    "tpu.region"() ({
      %run_scoped3A = tpu.sem_alloc : memref<!tpu.dma_semaphore, #tpu.memory_space<semaphore_mem>>
      %dma_start3A = arith.constant 0 : i32
      %dma_start3A_24 = arith.constant 0 : i32
      %dma_start3A_25 = tpu.memref_slice %arg3[%add3A, %dma_start3A, %dma_start3A_24] : memref<32x125x80xi32, #tpu.memory_space<hbm>> -> memref<1x125x80xi32, #tpu.memory_space<hbm>>
      %dma_start3A_26 = tpu.memref_squeeze %dma_start3A_25 : memref<1x125x80xi32, #tpu.memory_space<hbm>> -> memref<125x80xi32, #tpu.memory_space<hbm>>
      %dma_start3A_27 = arith.constant 0 : i32
      %dma_start3A_28 = arith.constant 0 : i32
      %dma_start3A_29 = tpu.memref_slice %arg3[%add3A, %dma_start3A_27, %dma_start3A_28] : memref<32x125x80xi32, #tpu.memory_space<hbm>> -> memref<1x125x80xi32, #tpu.memory_space<hbm>>
      %dma_start3A_30 = tpu.memref_squeeze %dma_start3A_29 : memref<1x125x80xi32, #tpu.memory_space<hbm>> -> memref<125x80xi32, #tpu.memory_space<hbm>>
      tpu.enqueue_dma source(%dma_start3A_30 : memref<125x80xi32, #tpu.memory_space<hbm>>) target(%arg6 : memref<125x80xi32, #tpu.memory_space<vmem>>) target_semaphore(%run_scoped3A : memref<!tpu.dma_semaphore, #tpu.memory_space<semaphore_mem>>)
      %dma_wait3A = arith.constant 0 : i32
      %dma_wait3A_31 = arith.constant 0 : i32
      %dma_wait3A_32 = tpu.memref_slice %arg3[%add3A, %dma_wait3A, %dma_wait3A_31] : memref<32x125x80xi32, #tpu.memory_space<hbm>> -> memref<1x125x80xi32, #tpu.memory_space<hbm>>
      %dma_wait3A_33 = tpu.memref_squeeze %dma_wait3A_32 : memref<1x125x80xi32, #tpu.memory_space<hbm>> -> memref<125x80xi32, #tpu.memory_space<hbm>>
      %dma_wait3A_34 = arith.constant 0 : i32
      %dma_wait3A_35 = arith.constant 0 : i32
      %dma_wait3A_36 = tpu.memref_slice %arg3[%add3A, %dma_wait3A_34, %dma_wait3A_35] : memref<32x125x80xi32, #tpu.memory_space<hbm>> -> memref<1x125x80xi32, #tpu.memory_space<hbm>>
      %dma_wait3A_37 = tpu.memref_squeeze %dma_wait3A_36 : memref<1x125x80xi32, #tpu.memory_space<hbm>> -> memref<125x80xi32, #tpu.memory_space<hbm>>
      tpu.wait_dma2 semaphore(%run_scoped3A : memref<!tpu.dma_semaphore, #tpu.memory_space<semaphore_mem>>) src(%dma_wait3A_37 : memref<125x80xi32, #tpu.memory_space<hbm>>) dst(%arg6 : memref<125x80xi32, #tpu.memory_space<vmem>>)
      tpu.yield
    }) : () -> ()
    "tpu.region"() ({
      %run_scoped3A = tpu.sem_alloc : memref<!tpu.dma_semaphore, #tpu.memory_space<semaphore_mem>>
      %dma_start3A = arith.constant 0 : i32
      %dma_start3A_24 = arith.constant 0 : i32
      %dma_start3A_25 = tpu.memref_slice %arg4[%add3A, %dma_start3A, %dma_start3A_24] : memref<32x125x80xi32, #tpu.memory_space<hbm>> -> memref<1x125x80xi32, #tpu.memory_space<hbm>>
      %dma_start3A_26 = tpu.memref_squeeze %dma_start3A_25 : memref<1x125x80xi32, #tpu.memory_space<hbm>> -> memref<125x80xi32, #tpu.memory_space<hbm>>
      %dma_start3A_27 = arith.constant 0 : i32
      %dma_start3A_28 = arith.constant 0 : i32
      %dma_start3A_29 = tpu.memref_slice %arg4[%add3A, %dma_start3A_27, %dma_start3A_28] : memref<32x125x80xi32, #tpu.memory_space<hbm>> -> memref<1x125x80xi32, #tpu.memory_space<hbm>>
      %dma_start3A_30 = tpu.memref_squeeze %dma_start3A_29 : memref<1x125x80xi32, #tpu.memory_space<hbm>> -> memref<125x80xi32, #tpu.memory_space<hbm>>
      tpu.enqueue_dma source(%dma_start3A_30 : memref<125x80xi32, #tpu.memory_space<hbm>>) target(%arg7 : memref<125x80xi32, #tpu.memory_space<vmem>>) target_semaphore(%run_scoped3A : memref<!tpu.dma_semaphore, #tpu.memory_space<semaphore_mem>>)
      %dma_wait3A = arith.constant 0 : i32
      %dma_wait3A_31 = arith.constant 0 : i32
      %dma_wait3A_32 = tpu.memref_slice %arg4[%add3A, %dma_wait3A, %dma_wait3A_31] : memref<32x125x80xi32, #tpu.memory_space<hbm>> -> memref<1x125x80xi32, #tpu.memory_space<hbm>>
      %dma_wait3A_33 = tpu.memref_squeeze %dma_wait3A_32 : memref<1x125x80xi32, #tpu.memory_space<hbm>> -> memref<125x80xi32, #tpu.memory_space<hbm>>
      %dma_wait3A_34 = arith.constant 0 : i32
      %dma_wait3A_35 = arith.constant 0 : i32
      %dma_wait3A_36 = tpu.memref_slice %arg4[%add3A, %dma_wait3A_34, %dma_wait3A_35] : memref<32x125x80xi32, #tpu.memory_space<hbm>> -> memref<1x125x80xi32, #tpu.memory_space<hbm>>
      %dma_wait3A_37 = tpu.memref_squeeze %dma_wait3A_36 : memref<1x125x80xi32, #tpu.memory_space<hbm>> -> memref<125x80xi32, #tpu.memory_space<hbm>>
      tpu.wait_dma2 semaphore(%run_scoped3A : memref<!tpu.dma_semaphore, #tpu.memory_space<semaphore_mem>>) src(%dma_wait3A_37 : memref<125x80xi32, #tpu.memory_space<hbm>>) dst(%arg7 : memref<125x80xi32, #tpu.memory_space<vmem>>)
      tpu.yield
    }) : () -> ()
    %barrier3A = arith.constant 0 : index
    tpu.barrier barrier_id(%barrier3A)
    %scan3A_13 = arith.constant 0 : i32
    %scan3A_14 = arith.constant 0 : i32
    %scan3A_15 = arith.constant 125 : i32
    %scan3A_16 = arith.addi %scan3A_14, %scan3A_15 : i32
    %scan3A_17 = arith.constant 1 : i32
    scf.for %scan3A_24 = %scan3A_14 to %scan3A_16 step %scan3A_17  : i32 {
      %dma_start3A = arith.constant 0 : i32
      %dma_start3A_25 = tpu.memref_slice %arg6[%scan3A_24, %dma_start3A] : memref<125x80xi32, #tpu.memory_space<vmem>> -> memref<1x80xi32, #tpu.memory_space<vmem>>
      %dma_start3A_26 = tpu.memref_squeeze %dma_start3A_25 : memref<1x80xi32, #tpu.memory_space<vmem>> -> memref<80xi32, #tpu.memory_space<vmem>>
      %dma_start3A_27 = arith.constant 0 : i32
      %dma_start3A_28 = arith.constant 0 : i32
      %dma_start3A_29 = tpu.memref_slice %arg2[%dma_start3A_27, %dma_start3A_28] : memref<10000x128xf32, #tpu.memory_space<hbm>> -> memref<10000x128xf32, #tpu.memory_space<hbm>>
      tpu.enqueue_indirect_dma source(%dma_start3A_29 : memref<10000x128xf32, #tpu.memory_space<hbm>>) target(%arg8 : memref<80x128xf32, #tpu.memory_space<vmem>>) offsets(%dma_start3A_26 : memref<80xi32, #tpu.memory_space<vmem>>) semaphore(%arg11 : memref<!tpu.dma_semaphore, #tpu.memory_space<semaphore_mem>>)
      %dma_wait3A = arith.constant 0 : i32
      %dma_wait3A_30 = tpu.memref_slice %arg6[%scan3A_24, %dma_wait3A] : memref<125x80xi32, #tpu.memory_space<vmem>> -> memref<1x80xi32, #tpu.memory_space<vmem>>
      %dma_wait3A_31 = tpu.memref_squeeze %dma_wait3A_30 : memref<1x80xi32, #tpu.memory_space<vmem>> -> memref<80xi32, #tpu.memory_space<vmem>>
      %dma_wait3A_32 = arith.constant 0 : i32
      %dma_wait3A_33 = arith.constant 0 : i32
      %dma_wait3A_34 = tpu.memref_slice %arg2[%dma_wait3A_32, %dma_wait3A_33] : memref<10000x128xf32, #tpu.memory_space<hbm>> -> memref<10000x128xf32, #tpu.memory_space<hbm>>
      tpu.wait_indirect_dma semaphore(%arg11 : memref<!tpu.dma_semaphore, #tpu.memory_space<semaphore_mem>>) src(%dma_wait3A_34 : memref<10000x128xf32, #tpu.memory_space<hbm>>) dst(%arg8 : memref<80x128xf32, #tpu.memory_space<vmem>>)
      "tpu.region"() ({
        %run_scoped3A = tpu.sem_alloc : memref<!tpu.dma_semaphore, #tpu.memory_space<semaphore_mem>>
        %dma_start3A_35 = arith.constant 0 : i32
        %dma_start3A_36 = tpu.memref_slice %arg7[%scan3A_24, %dma_start3A_35] : memref<125x80xi32, #tpu.memory_space<vmem>> -> memref<1x80xi32, #tpu.memory_space<vmem>>
        %dma_start3A_37 = tpu.memref_squeeze %dma_start3A_36 : memref<1x80xi32, #tpu.memory_space<vmem>> -> memref<80xi32, #tpu.memory_space<vmem>>
        %dma_start3A_38 = arith.constant 0 : i32
        %dma_start3A_39 = arith.constant 0 : i32
        %dma_start3A_40 = tpu.memref_slice %arg10[%dma_start3A_38, %dma_start3A_39] : memref<10240x128xf32, #tpu.memory_space<vmem_shared>> -> memref<10240x128xf32, #tpu.memory_space<vmem_shared>>
        tpu.enqueue_indirect_dma source(%arg8 : memref<80x128xf32, #tpu.memory_space<vmem>>) target(%dma_start3A_40 : memref<10240x128xf32, #tpu.memory_space<vmem_shared>>) offsets(%dma_start3A_37 : memref<80xi32, #tpu.memory_space<vmem>>) semaphore(%run_scoped3A : memref<!tpu.dma_semaphore, #tpu.memory_space<semaphore_mem>>) {add = true}
        %dma_wait3A_41 = arith.constant 0 : i32
        %dma_wait3A_42 = tpu.memref_slice %arg7[%scan3A_24, %dma_wait3A_41] : memref<125x80xi32, #tpu.memory_space<vmem>> -> memref<1x80xi32, #tpu.memory_space<vmem>>
        %dma_wait3A_43 = tpu.memref_squeeze %dma_wait3A_42 : memref<1x80xi32, #tpu.memory_space<vmem>> -> memref<80xi32, #tpu.memory_space<vmem>>
        %dma_wait3A_44 = arith.constant 0 : i32
        %dma_wait3A_45 = arith.constant 0 : i32
        %dma_wait3A_46 = tpu.memref_slice %arg10[%dma_wait3A_44, %dma_wait3A_45] : memref<10240x128xf32, #tpu.memory_space<vmem_shared>> -> memref<10240x128xf32, #tpu.memory_space<vmem_shared>>
        tpu.wait_indirect_dma semaphore(%run_scoped3A : memref<!tpu.dma_semaphore, #tpu.memory_space<semaphore_mem>>) src(%arg8 : memref<80x128xf32, #tpu.memory_space<vmem>>) dst(%dma_wait3A_46 : memref<10240x128xf32, #tpu.memory_space<vmem_shared>>)
        tpu.yield
      }) : () -> ()
    }
    %scan3A_18 = arith.constant 125 : i32
    %barrier3A_19 = arith.constant 0 : index
    tpu.barrier barrier_id(%barrier3A_19)
    %mul3A_20 = arith.constant 640 : i32
    %mul3A_21 = arith.muli %arg1, %mul3A_20 : i32
    %mul3A_22 = arith.constant 640 : i32
    %mul3A_23 = arith.muli %arg1, %mul3A_22 : i32
    "tpu.region"() ({
      %run_scoped3A = tpu.sem_alloc : memref<!tpu.dma_semaphore, #tpu.memory_space<semaphore_mem>>
      %dma_start3A = arith.constant 0 : i32
      %dma_start3A_24 = tpu.memref_slice %arg5[%arg0, %mul3A_23, %dma_start3A] : memref<2x10240x128xf32, #tpu.memory_space<hbm>> -> memref<1x640x128xf32, #tpu.memory_space<hbm>>
      %dma_start3A_25 = tpu.memref_squeeze %dma_start3A_24 : memref<1x640x128xf32, #tpu.memory_space<hbm>> -> memref<640x128xf32, #tpu.memory_space<hbm>>
      %dma_start3A_26 = arith.constant 0 : i32
      %dma_start3A_27 = tpu.memref_slice %arg10[%mul3A_21, %dma_start3A_26] : memref<10240x128xf32, #tpu.memory_space<vmem_shared>> -> memref<640x128xf32, #tpu.memory_space<vmem_shared>>
      tpu.enqueue_dma source(%dma_start3A_27 : memref<640x128xf32, #tpu.memory_space<vmem_shared>>) target(%dma_start3A_25 : memref<640x128xf32, #tpu.memory_space<hbm>>) target_semaphore(%run_scoped3A : memref<!tpu.dma_semaphore, #tpu.memory_space<semaphore_mem>>)
      %dma_wait3A = arith.constant 0 : i32
      %dma_wait3A_28 = tpu.memref_slice %arg5[%arg0, %mul3A_23, %dma_wait3A] : memref<2x10240x128xf32, #tpu.memory_space<hbm>> -> memref<1x640x128xf32, #tpu.memory_space<hbm>>
      %dma_wait3A_29 = tpu.memref_squeeze %dma_wait3A_28 : memref<1x640x128xf32, #tpu.memory_space<hbm>> -> memref<640x128xf32, #tpu.memory_space<hbm>>
      %dma_wait3A_30 = arith.constant 0 : i32
      %dma_wait3A_31 = tpu.memref_slice %arg10[%mul3A_21, %dma_wait3A_30] : memref<10240x128xf32, #tpu.memory_space<vmem_shared>> -> memref<640x128xf32, #tpu.memory_space<vmem_shared>>
      tpu.wait_dma2 semaphore(%run_scoped3A : memref<!tpu.dma_semaphore, #tpu.memory_space<semaphore_mem>>) src(%dma_wait3A_31 : memref<640x128xf32, #tpu.memory_space<vmem_shared>>) dst(%dma_wait3A_29 : memref<640x128xf32, #tpu.memory_space<hbm>>)
      tpu.yield
    }) : () -> ()
    return
  }
}

#map = affine_map<(d0, d1) -> (0, 0)>
#map1 = affine_map<(d0, d1) -> (0, 0, 0)>
module attributes {stable_mosaic.version = 14 : i64} {
  func.func @_sc_aggregate(%arg0: i32, %arg1: i32, %arg2: memref<10000x128xf32, #tpu.memory_space<hbm>>, %arg3: memref<32x125x80xi32, #tpu.memory_space<hbm>>, %arg4: memref<32x125x80xi32, #tpu.memory_space<hbm>>, %arg5: memref<2x10240x128xf32, #tpu.memory_space<hbm>>, %arg6: memref<125x80xi32, #tpu.memory_space<vmem>>, %arg7: memref<125x80xi32, #tpu.memory_space<vmem>>, %arg8: memref<80x128xf32, #tpu.memory_space<vmem>>, %arg9: memref<32x128xf32, #tpu.memory_space<vmem>>, %arg10: memref<10240x128xf32, #tpu.memory_space<vmem_shared>>, %arg11: memref<!tpu.dma_semaphore, #tpu.memory_space<semaphore_mem>>) attributes {dimension_semantics = [#tpu.dimension_semantics<core_parallel>, #tpu.dimension_semantics<subcore_parallel>], iteration_bounds = array<i64: 2, 16>, scalar_prefetch = 0 : i64, scratch_operands = 6 : i64, tpu.core_type = #tpu.core_type<sc_vector_subcore>, window_params = [{transform_indices = #map}, {transform_indices = #map1}, {transform_indices = #map1}, {transform_indices = #map1}]} {
    %mul3A = arith.constant 16 : i32
    %mul3A_0 = arith.muli %arg0, %mul3A : i32
    %add3A = arith.addi %mul3A_0, %arg1 : i32
    %broadcast_in_dim3A = arith.constant 0.000000e+00 : f32
    %broadcast_in_dim3A_1 = vector.broadcast %broadcast_in_dim3A : f32 to vector<16xf32>
    %scan3A = arith.constant 0 : i32
    %scan3A_2 = arith.constant 0 : i32
    %scan3A_3 = arith.constant 32 : i32
    %scan3A_4 = arith.addi %scan3A_2, %scan3A_3 : i32
    %scan3A_5 = arith.constant 1 : i32
    scf.for %scan3A_24 = %scan3A_2 to %scan3A_4 step %scan3A_5  : i32 {
      %swap3A = arith.index_cast %scan3A_24 : i32 to index
      %swap3A_25 = arith.constant 0 : index
      %swap3A_26 = tpu.vector_load %arg9[%swap3A, %swap3A_25] {strides = array<i32>} : memref<32x128xf32, #tpu.memory_space<vmem>>, vector<1x16xf32>,
      %swap3A_27 = vector.shape_cast %swap3A_26 : vector<1x16xf32> to vector<16xf32>
      %swap3A_28 = vector.shape_cast %broadcast_in_dim3A_1 : vector<16xf32> to vector<1x16xf32>
      tpu.vector_store %arg9[%swap3A, %swap3A_25], %swap3A_28 {strides = array<i32>} : memref<32x128xf32, #tpu.memory_space<vmem>>, vector<1x16xf32>,
      %swap3A_29 = arith.index_cast %scan3A_24 : i32 to index
      %swap3A_30 = arith.constant 16 : index
      %swap3A_31 = tpu.vector_load %arg9[%swap3A_29, %swap3A_30] {strides = array<i32>} : memref<32x128xf32, #tpu.memory_space<vmem>>, vector<1x16xf32>,
      %swap3A_32 = vector.shape_cast %swap3A_31 : vector<1x16xf32> to vector<16xf32>
      %swap3A_33 = vector.shape_cast %broadcast_in_dim3A_1 : vector<16xf32> to vector<1x16xf32>
      tpu.vector_store %arg9[%swap3A_29, %swap3A_30], %swap3A_33 {strides = array<i32>} : memref<32x128xf32, #tpu.memory_space<vmem>>, vector<1x16xf32>,
      %swap3A_34 = arith.index_cast %scan3A_24 : i32 to index
      %swap3A_35 = arith.constant 32 : index
      %swap3A_36 = tpu.vector_load %arg9[%swap3A_34, %swap3A_35] {strides = array<i32>} : memref<32x128xf32, #tpu.memory_space<vmem>>, vector<1x16xf32>,
      %swap3A_37 = vector.shape_cast %swap3A_36 : vector<1x16xf32> to vector<16xf32>
      %swap3A_38 = vector.shape_cast %broadcast_in_dim3A_1 : vector<16xf32> to vector<1x16xf32>
      tpu.vector_store %arg9[%swap3A_34, %swap3A_35], %swap3A_38 {strides = array<i32>} : memref<32x128xf32, #tpu.memory_space<vmem>>, vector<1x16xf32>,
      %swap3A_39 = arith.index_cast %scan3A_24 : i32 to index
      %swap3A_40 = arith.constant 48 : index
      %swap3A_41 = tpu.vector_load %arg9[%swap3A_39, %swap3A_40] {strides = array<i32>} : memref<32x128xf32, #tpu.memory_space<vmem>>, vector<1x16xf32>,
      %swap3A_42 = vector.shape_cast %swap3A_41 : vector<1x16xf32> to vector<16xf32>
      %swap3A_43 = vector.shape_cast %broadcast_in_dim3A_1 : vector<16xf32> to vector<1x16xf32>
      tpu.vector_store %arg9[%swap3A_39, %swap3A_40], %swap3A_43 {strides = array<i32>} : memref<32x128xf32, #tpu.memory_space<vmem>>, vector<1x16xf32>,
      %swap3A_44 = arith.index_cast %scan3A_24 : i32 to index
      %swap3A_45 = arith.constant 64 : index
      %swap3A_46 = tpu.vector_load %arg9[%swap3A_44, %swap3A_45] {strides = array<i32>} : memref<32x128xf32, #tpu.memory_space<vmem>>, vector<1x16xf32>,
      %swap3A_47 = vector.shape_cast %swap3A_46 : vector<1x16xf32> to vector<16xf32>
      %swap3A_48 = vector.shape_cast %broadcast_in_dim3A_1 : vector<16xf32> to vector<1x16xf32>
      tpu.vector_store %arg9[%swap3A_44, %swap3A_45], %swap3A_48 {strides = array<i32>} : memref<32x128xf32, #tpu.memory_space<vmem>>, vector<1x16xf32>,
      %swap3A_49 = arith.index_cast %scan3A_24 : i32 to index
      %swap3A_50 = arith.constant 80 : index
      %swap3A_51 = tpu.vector_load %arg9[%swap3A_49, %swap3A_50] {strides = array<i32>} : memref<32x128xf32, #tpu.memory_space<vmem>>, vector<1x16xf32>,
      %swap3A_52 = vector.shape_cast %swap3A_51 : vector<1x16xf32> to vector<16xf32>
      %swap3A_53 = vector.shape_cast %broadcast_in_dim3A_1 : vector<16xf32> to vector<1x16xf32>
      tpu.vector_store %arg9[%swap3A_49, %swap3A_50], %swap3A_53 {strides = array<i32>} : memref<32x128xf32, #tpu.memory_space<vmem>>, vector<1x16xf32>,
      %swap3A_54 = arith.index_cast %scan3A_24 : i32 to index
      %swap3A_55 = arith.constant 96 : index
      %swap3A_56 = tpu.vector_load %arg9[%swap3A_54, %swap3A_55] {strides = array<i32>} : memref<32x128xf32, #tpu.memory_space<vmem>>, vector<1x16xf32>,
      %swap3A_57 = vector.shape_cast %swap3A_56 : vector<1x16xf32> to vector<16xf32>
      %swap3A_58 = vector.shape_cast %broadcast_in_dim3A_1 : vector<16xf32> to vector<1x16xf32>
      tpu.vector_store %arg9[%swap3A_54, %swap3A_55], %swap3A_58 {strides = array<i32>} : memref<32x128xf32, #tpu.memory_space<vmem>>, vector<1x16xf32>,
      %swap3A_59 = arith.index_cast %scan3A_24 : i32 to index
      %swap3A_60 = arith.constant 112 : index
      %swap3A_61 = tpu.vector_load %arg9[%swap3A_59, %swap3A_60] {strides = array<i32>} : memref<32x128xf32, #tpu.memory_space<vmem>>, vector<1x16xf32>,
      %swap3A_62 = vector.shape_cast %swap3A_61 : vector<1x16xf32> to vector<16xf32>
      %swap3A_63 = vector.shape_cast %broadcast_in_dim3A_1 : vector<16xf32> to vector<1x16xf32>
      tpu.vector_store %arg9[%swap3A_59, %swap3A_60], %swap3A_63 {strides = array<i32>} : memref<32x128xf32, #tpu.memory_space<vmem>>, vector<1x16xf32>,
    }
    %scan3A_6 = arith.constant 32 : i32
    %scan3A_7 = arith.constant 0 : i32
    %scan3A_8 = arith.constant 0 : i32
    %scan3A_9 = arith.constant 20 : i32
    %scan3A_10 = arith.addi %scan3A_8, %scan3A_9 : i32
    %scan3A_11 = arith.constant 1 : i32
    scf.for %scan3A_24 = %scan3A_8 to %scan3A_10 step %scan3A_11  : i32 {
      %mul3A_25 = arith.constant 640 : i32
      %mul3A_26 = arith.muli %arg1, %mul3A_25 : i32
      %mul3A_27 = arith.constant 32 : i32
      %mul3A_28 = arith.muli %scan3A_24, %mul3A_27 : i32
      %add3A_29 = arith.addi %mul3A_26, %mul3A_28 : i32
      "tpu.region"() ({
        %run_scoped3A = tpu.sem_alloc : memref<!tpu.dma_semaphore, #tpu.memory_space<semaphore_mem>>
        %dma_start3A = arith.constant 0 : i32
        %dma_start3A_30 = tpu.memref_slice %arg10[%add3A_29, %dma_start3A] : memref<10240x128xf32, #tpu.memory_space<vmem_shared>> -> memref<32x128xf32, #tpu.memory_space<vmem_shared>>
        %dma_start3A_31 = arith.constant 0 : i32
        %dma_start3A_32 = tpu.memref_slice %arg10[%add3A_29, %dma_start3A_31] : memref<10240x128xf32, #tpu.memory_space<vmem_shared>> -> memref<32x128xf32, #tpu.memory_space<vmem_shared>>
        tpu.enqueue_dma source(%arg9 : memref<32x128xf32, #tpu.memory_space<vmem>>) target(%dma_start3A_32 : memref<32x128xf32, #tpu.memory_space<vmem_shared>>) target_semaphore(%run_scoped3A : memref<!tpu.dma_semaphore, #tpu.memory_space<semaphore_mem>>)
        %dma_wait3A = arith.constant 0 : i32
        %dma_wait3A_33 = tpu.memref_slice %arg10[%add3A_29, %dma_wait3A] : memref<10240x128xf32, #tpu.memory_space<vmem_shared>> -> memref<32x128xf32, #tpu.memory_space<vmem_shared>>
        %dma_wait3A_34 = arith.constant 0 : i32
        %dma_wait3A_35 = tpu.memref_slice %arg10[%add3A_29, %dma_wait3A_34] : memref<10240x128xf32, #tpu.memory_space<vmem_shared>> -> memref<32x128xf32, #tpu.memory_space<vmem_shared>>
        tpu.wait_dma2 semaphore(%run_scoped3A : memref<!tpu.dma_semaphore, #tpu.memory_space<semaphore_mem>>) src(%arg9 : memref<32x128xf32, #tpu.memory_space<vmem>>) dst(%dma_wait3A_35 : memref<32x128xf32, #tpu.memory_space<vmem_shared>>)
        tpu.yield
      }) : () -> ()
    }
    %scan3A_12 = arith.constant 20 : i32
    "tpu.region"() ({
      %run_scoped3A = tpu.sem_alloc : memref<!tpu.dma_semaphore, #tpu.memory_space<semaphore_mem>>
      %dma_start3A = arith.constant 0 : i32
      %dma_start3A_24 = arith.constant 0 : i32
      %dma_start3A_25 = tpu.memref_slice %arg3[%add3A, %dma_start3A, %dma_start3A_24] : memref<32x125x80xi32, #tpu.memory_space<hbm>> -> memref<1x125x80xi32, #tpu.memory_space<hbm>>
      %dma_start3A_26 = tpu.memref_squeeze %dma_start3A_25 : memref<1x125x80xi32, #tpu.memory_space<hbm>> -> memref<125x80xi32, #tpu.memory_space<hbm>>
      %dma_start3A_27 = arith.constant 0 : i32
      %dma_start3A_28 = arith.constant 0 : i32
      %dma_start3A_29 = tpu.memref_slice %arg3[%add3A, %dma_start3A_27, %dma_start3A_28] : memref<32x125x80xi32, #tpu.memory_space<hbm>> -> memref<1x125x80xi32, #tpu.memory_space<hbm>>
      %dma_start3A_30 = tpu.memref_squeeze %dma_start3A_29 : memref<1x125x80xi32, #tpu.memory_space<hbm>> -> memref<125x80xi32, #tpu.memory_space<hbm>>
      tpu.enqueue_dma source(%dma_start3A_30 : memref<125x80xi32, #tpu.memory_space<hbm>>) target(%arg6 : memref<125x80xi32, #tpu.memory_space<vmem>>) target_semaphore(%run_scoped3A : memref<!tpu.dma_semaphore, #tpu.memory_space<semaphore_mem>>)
      %dma_wait3A = arith.constant 0 : i32
      %dma_wait3A_31 = arith.constant 0 : i32
      %dma_wait3A_32 = tpu.memref_slice %arg3[%add3A, %dma_wait3A, %dma_wait3A_31] : memref<32x125x80xi32, #tpu.memory_space<hbm>> -> memref<1x125x80xi32, #tpu.memory_space<hbm>>
      %dma_wait3A_33 = tpu.memref_squeeze %dma_wait3A_32 : memref<1x125x80xi32, #tpu.memory_space<hbm>> -> memref<125x80xi32, #tpu.memory_space<hbm>>
      %dma_wait3A_34 = arith.constant 0 : i32
      %dma_wait3A_35 = arith.constant 0 : i32
      %dma_wait3A_36 = tpu.memref_slice %arg3[%add3A, %dma_wait3A_34, %dma_wait3A_35] : memref<32x125x80xi32, #tpu.memory_space<hbm>> -> memref<1x125x80xi32, #tpu.memory_space<hbm>>
      %dma_wait3A_37 = tpu.memref_squeeze %dma_wait3A_36 : memref<1x125x80xi32, #tpu.memory_space<hbm>> -> memref<125x80xi32, #tpu.memory_space<hbm>>
      tpu.wait_dma2 semaphore(%run_scoped3A : memref<!tpu.dma_semaphore, #tpu.memory_space<semaphore_mem>>) src(%dma_wait3A_37 : memref<125x80xi32, #tpu.memory_space<hbm>>) dst(%arg6 : memref<125x80xi32, #tpu.memory_space<vmem>>)
      tpu.yield
    }) : () -> ()
    "tpu.region"() ({
      %run_scoped3A = tpu.sem_alloc : memref<!tpu.dma_semaphore, #tpu.memory_space<semaphore_mem>>
      %dma_start3A = arith.constant 0 : i32
      %dma_start3A_24 = arith.constant 0 : i32
      %dma_start3A_25 = tpu.memref_slice %arg4[%add3A, %dma_start3A, %dma_start3A_24] : memref<32x125x80xi32, #tpu.memory_space<hbm>> -> memref<1x125x80xi32, #tpu.memory_space<hbm>>
      %dma_start3A_26 = tpu.memref_squeeze %dma_start3A_25 : memref<1x125x80xi32, #tpu.memory_space<hbm>> -> memref<125x80xi32, #tpu.memory_space<hbm>>
      %dma_start3A_27 = arith.constant 0 : i32
      %dma_start3A_28 = arith.constant 0 : i32
      %dma_start3A_29 = tpu.memref_slice %arg4[%add3A, %dma_start3A_27, %dma_start3A_28] : memref<32x125x80xi32, #tpu.memory_space<hbm>> -> memref<1x125x80xi32, #tpu.memory_space<hbm>>
      %dma_start3A_30 = tpu.memref_squeeze %dma_start3A_29 : memref<1x125x80xi32, #tpu.memory_space<hbm>> -> memref<125x80xi32, #tpu.memory_space<hbm>>
      tpu.enqueue_dma source(%dma_start3A_30 : memref<125x80xi32, #tpu.memory_space<hbm>>) target(%arg7 : memref<125x80xi32, #tpu.memory_space<vmem>>) target_semaphore(%run_scoped3A : memref<!tpu.dma_semaphore, #tpu.memory_space<semaphore_mem>>)
      %dma_wait3A = arith.constant 0 : i32
      %dma_wait3A_31 = arith.constant 0 : i32
      %dma_wait3A_32 = tpu.memref_slice %arg4[%add3A, %dma_wait3A, %dma_wait3A_31] : memref<32x125x80xi32, #tpu.memory_space<hbm>> -> memref<1x125x80xi32, #tpu.memory_space<hbm>>
      %dma_wait3A_33 = tpu.memref_squeeze %dma_wait3A_32 : memref<1x125x80xi32, #tpu.memory_space<hbm>> -> memref<125x80xi32, #tpu.memory_space<hbm>>
      %dma_wait3A_34 = arith.constant 0 : i32
      %dma_wait3A_35 = arith.constant 0 : i32
      %dma_wait3A_36 = tpu.memref_slice %arg4[%add3A, %dma_wait3A_34, %dma_wait3A_35] : memref<32x125x80xi32, #tpu.memory_space<hbm>> -> memref<1x125x80xi32, #tpu.memory_space<hbm>>
      %dma_wait3A_37 = tpu.memref_squeeze %dma_wait3A_36 : memref<1x125x80xi32, #tpu.memory_space<hbm>> -> memref<125x80xi32, #tpu.memory_space<hbm>>
      tpu.wait_dma2 semaphore(%run_scoped3A : memref<!tpu.dma_semaphore, #tpu.memory_space<semaphore_mem>>) src(%dma_wait3A_37 : memref<125x80xi32, #tpu.memory_space<hbm>>) dst(%arg7 : memref<125x80xi32, #tpu.memory_space<vmem>>)
      tpu.yield
    }) : () -> ()
    %barrier3A = arith.constant 0 : index
    tpu.barrier barrier_id(%barrier3A)
    %scan3A_13 = arith.constant 0 : i32
    %scan3A_14 = arith.constant 0 : i32
    %scan3A_15 = arith.constant 125 : i32
    %scan3A_16 = arith.addi %scan3A_14, %scan3A_15 : i32
    %scan3A_17 = arith.constant 1 : i32
    scf.for %scan3A_24 = %scan3A_14 to %scan3A_16 step %scan3A_17  : i32 {
      %dma_start3A = arith.constant 0 : i32
      %dma_start3A_25 = tpu.memref_slice %arg6[%scan3A_24, %dma_start3A] : memref<125x80xi32, #tpu.memory_space<vmem>> -> memref<1x80xi32, #tpu.memory_space<vmem>>
      %dma_start3A_26 = tpu.memref_squeeze %dma_start3A_25 : memref<1x80xi32, #tpu.memory_space<vmem>> -> memref<80xi32, #tpu.memory_space<vmem>>
      %dma_start3A_27 = arith.constant 0 : i32
      %dma_start3A_28 = arith.constant 0 : i32
      %dma_start3A_29 = tpu.memref_slice %arg2[%dma_start3A_27, %dma_start3A_28] : memref<10000x128xf32, #tpu.memory_space<hbm>> -> memref<10000x128xf32, #tpu.memory_space<hbm>>
      tpu.enqueue_indirect_dma source(%dma_start3A_29 : memref<10000x128xf32, #tpu.memory_space<hbm>>) target(%arg8 : memref<80x128xf32, #tpu.memory_space<vmem>>) offsets(%dma_start3A_26 : memref<80xi32, #tpu.memory_space<vmem>>) semaphore(%arg11 : memref<!tpu.dma_semaphore, #tpu.memory_space<semaphore_mem>>)
      %dma_wait3A = arith.constant 0 : i32
      %dma_wait3A_30 = tpu.memref_slice %arg6[%scan3A_24, %dma_wait3A] : memref<125x80xi32, #tpu.memory_space<vmem>> -> memref<1x80xi32, #tpu.memory_space<vmem>>
      %dma_wait3A_31 = tpu.memref_squeeze %dma_wait3A_30 : memref<1x80xi32, #tpu.memory_space<vmem>> -> memref<80xi32, #tpu.memory_space<vmem>>
      %dma_wait3A_32 = arith.constant 0 : i32
      %dma_wait3A_33 = arith.constant 0 : i32
      %dma_wait3A_34 = tpu.memref_slice %arg2[%dma_wait3A_32, %dma_wait3A_33] : memref<10000x128xf32, #tpu.memory_space<hbm>> -> memref<10000x128xf32, #tpu.memory_space<hbm>>
      tpu.wait_indirect_dma semaphore(%arg11 : memref<!tpu.dma_semaphore, #tpu.memory_space<semaphore_mem>>) src(%dma_wait3A_34 : memref<10000x128xf32, #tpu.memory_space<hbm>>) dst(%arg8 : memref<80x128xf32, #tpu.memory_space<vmem>>)
      "tpu.region"() ({
        %run_scoped3A = tpu.sem_alloc : memref<!tpu.dma_semaphore, #tpu.memory_space<semaphore_mem>>
        %dma_start3A_35 = arith.constant 0 : i32
        %dma_start3A_36 = tpu.memref_slice %arg7[%scan3A_24, %dma_start3A_35] : memref<125x80xi32, #tpu.memory_space<vmem>> -> memref<1x80xi32, #tpu.memory_space<vmem>>
        %dma_start3A_37 = tpu.memref_squeeze %dma_start3A_36 : memref<1x80xi32, #tpu.memory_space<vmem>> -> memref<80xi32, #tpu.memory_space<vmem>>
        %dma_start3A_38 = arith.constant 0 : i32
        %dma_start3A_39 = arith.constant 0 : i32
        %dma_start3A_40 = tpu.memref_slice %arg10[%dma_start3A_38, %dma_start3A_39] : memref<10240x128xf32, #tpu.memory_space<vmem_shared>> -> memref<10240x128xf32, #tpu.memory_space<vmem_shared>>
        tpu.enqueue_indirect_dma source(%arg8 : memref<80x128xf32, #tpu.memory_space<vmem>>) target(%dma_start3A_40 : memref<10240x128xf32, #tpu.memory_space<vmem_shared>>) offsets(%dma_start3A_37 : memref<80xi32, #tpu.memory_space<vmem>>) semaphore(%run_scoped3A : memref<!tpu.dma_semaphore, #tpu.memory_space<semaphore_mem>>) {add = true}
        %dma_wait3A_41 = arith.constant 0 : i32
        %dma_wait3A_42 = tpu.memref_slice %arg7[%scan3A_24, %dma_wait3A_41] : memref<125x80xi32, #tpu.memory_space<vmem>> -> memref<1x80xi32, #tpu.memory_space<vmem>>
        %dma_wait3A_43 = tpu.memref_squeeze %dma_wait3A_42 : memref<1x80xi32, #tpu.memory_space<vmem>> -> memref<80xi32, #tpu.memory_space<vmem>>
        %dma_wait3A_44 = arith.constant 0 : i32
        %dma_wait3A_45 = arith.constant 0 : i32
        %dma_wait3A_46 = tpu.memref_slice %arg10[%dma_wait3A_44, %dma_wait3A_45] : memref<10240x128xf32, #tpu.memory_space<vmem_shared>> -> memref<10240x128xf32, #tpu.memory_space<vmem_shared>>
        tpu.wait_indirect_dma semaphore(%run_scoped3A : memref<!tpu.dma_semaphore, #tpu.memory_space<semaphore_mem>>) src(%arg8 : memref<80x128xf32, #tpu.memory_space<vmem>>) dst(%dma_wait3A_46 : memref<10240x128xf32, #tpu.memory_space<vmem_shared>>)
        tpu.yield
      }) : () -> ()
    }
    %scan3A_18 = arith.constant 125 : i32
    %barrier3A_19 = arith.constant 0 : index
    tpu.barrier barrier_id(%barrier3A_19)
    %mul3A_20 = arith.constant 640 : i32
    %mul3A_21 = arith.muli %arg1, %mul3A_20 : i32
    %mul3A_22 = arith.constant 640 : i32
    %mul3A_23 = arith.muli %arg1, %mul3A_22 : i32
    "tpu.region"() ({
      %run_scoped3A = tpu.sem_alloc : memref<!tpu.dma_semaphore, #tpu.memory_space<semaphore_mem>>
      %dma_start3A = arith.constant 0 : i32
      %dma_start3A_24 = tpu.memref_slice %arg5[%arg0, %mul3A_23, %dma_start3A] : memref<2x10240x128xf32, #tpu.memory_space<hbm>> -> memref<1x640x128xf32, #tpu.memory_space<hbm>>
      %dma_start3A_25 = tpu.memref_squeeze %dma_start3A_24 : memref<1x640x128xf32, #tpu.memory_space<hbm>> -> memref<640x128xf32, #tpu.memory_space<hbm>>
      %dma_start3A_26 = arith.constant 0 : i32
      %dma_start3A_27 = tpu.memref_slice %arg10[%mul3A_21, %dma_start3A_26] : memref<10240x128xf32, #tpu.memory_space<vmem_shared>> -> memref<640x128xf32, #tpu.memory_space<vmem_shared>>
      tpu.enqueue_dma source(%dma_start3A_27 : memref<640x128xf32, #tpu.memory_space<vmem_shared>>) target(%dma_start3A_25 : memref<640x128xf32, #tpu.memory_space<hbm>>) target_semaphore(%run_scoped3A : memref<!tpu.dma_semaphore, #tpu.memory_space<semaphore_mem>>)
      %dma_wait3A = arith.constant 0 : i32
      %dma_wait3A_28 = tpu.memref_slice %arg5[%arg0, %mul3A_23, %dma_wait3A] : memref<2x10240x128xf32, #tpu.memory_space<hbm>> -> memref<1x640x128xf32, #tpu.memory_space<hbm>>
      %dma_wait3A_29 = tpu.memref_squeeze %dma_wait3A_28 : memref<1x640x128xf32, #tpu.memory_space<hbm>> -> memref<640x128xf32, #tpu.memory_space<hbm>>
      %dma_wait3A_30 = arith.constant 0 : i32
      %dma_wait3A_31 = tpu.memref_slice %arg10[%mul3A_21, %dma_wait3A_30] : memref<10240x128xf32, #tpu.memory_space<vmem_shared>> -> memref<640x128xf32, #tpu.memory_space<vmem_shared>>
      tpu.wait_dma2 semaphore(%run_scoped3A : memref<!tpu.dma_semaphore, #tpu.memory_space<semaphore_mem>>) src(%dma_wait3A_31 : memref<640x128xf32, #tpu.memory_space<vmem_shared>>) dst(%dma_wait3A_29 : memref<640x128xf32, #tpu.memory_space<hbm>>)
      tpu.yield
    }) : () -> ()
    return
  }
}

#map = affine_map<(d0, d1) -> (0, 0)>
#map1 = affine_map<(d0, d1) -> (0, 0, 0)>
module attributes {stable_mosaic.version = 14 : i64} {
  func.func @_sc_aggregate(%arg0: i32, %arg1: i32, %arg2: memref<10000x128xf32, #tpu.memory_space<hbm>>, %arg3: memref<32x125x80xi32, #tpu.memory_space<hbm>>, %arg4: memref<32x125x80xi32, #tpu.memory_space<hbm>>, %arg5: memref<2x10240x128xf32, #tpu.memory_space<hbm>>, %arg6: memref<125x80xi32, #tpu.memory_space<vmem>>, %arg7: memref<125x80xi32, #tpu.memory_space<vmem>>, %arg8: memref<80x128xf32, #tpu.memory_space<vmem>>, %arg9: memref<32x128xf32, #tpu.memory_space<vmem>>, %arg10: memref<10240x128xf32, #tpu.memory_space<vmem_shared>>, %arg11: memref<!tpu.dma_semaphore, #tpu.memory_space<semaphore_mem>>) attributes {dimension_semantics = [#tpu.dimension_semantics<core_parallel>, #tpu.dimension_semantics<subcore_parallel>], iteration_bounds = array<i64: 2, 16>, scalar_prefetch = 0 : i64, scratch_operands = 6 : i64, tpu.core_type = #tpu.core_type<sc_vector_subcore>, window_params = [{transform_indices = #map}, {transform_indices = #map1}, {transform_indices = #map1}, {transform_indices = #map1}]} {
    %mul3A = arith.constant 16 : i32
    %mul3A_0 = arith.muli %arg0, %mul3A : i32
    %add3A = arith.addi %mul3A_0, %arg1 : i32
    %broadcast_in_dim3A = arith.constant 0.000000e+00 : f32
    %broadcast_in_dim3A_1 = vector.broadcast %broadcast_in_dim3A : f32 to vector<16xf32>
    %scan3A = arith.constant 0 : i32
    %scan3A_2 = arith.constant 0 : i32
    %scan3A_3 = arith.constant 32 : i32
    %scan3A_4 = arith.addi %scan3A_2, %scan3A_3 : i32
    %scan3A_5 = arith.constant 1 : i32
    scf.for %scan3A_24 = %scan3A_2 to %scan3A_4 step %scan3A_5  : i32 {
      %swap3A = arith.index_cast %scan3A_24 : i32 to index
      %swap3A_25 = arith.constant 0 : index
      %swap3A_26 = tpu.vector_load %arg9[%swap3A, %swap3A_25] {strides = array<i32>} : memref<32x128xf32, #tpu.memory_space<vmem>>, vector<1x16xf32>,
      %swap3A_27 = vector.shape_cast %swap3A_26 : vector<1x16xf32> to vector<16xf32>
      %swap3A_28 = vector.shape_cast %broadcast_in_dim3A_1 : vector<16xf32> to vector<1x16xf32>
      tpu.vector_store %arg9[%swap3A, %swap3A_25], %swap3A_28 {strides = array<i32>} : memref<32x128xf32, #tpu.memory_space<vmem>>, vector<1x16xf32>,
      %swap3A_29 = arith.index_cast %scan3A_24 : i32 to index
      %swap3A_30 = arith.constant 16 : index
      %swap3A_31 = tpu.vector_load %arg9[%swap3A_29, %swap3A_30] {strides = array<i32>} : memref<32x128xf32, #tpu.memory_space<vmem>>, vector<1x16xf32>,
      %swap3A_32 = vector.shape_cast %swap3A_31 : vector<1x16xf32> to vector<16xf32>
      %swap3A_33 = vector.shape_cast %broadcast_in_dim3A_1 : vector<16xf32> to vector<1x16xf32>
      tpu.vector_store %arg9[%swap3A_29, %swap3A_30], %swap3A_33 {strides = array<i32>} : memref<32x128xf32, #tpu.memory_space<vmem>>, vector<1x16xf32>,
      %swap3A_34 = arith.index_cast %scan3A_24 : i32 to index
      %swap3A_35 = arith.constant 32 : index
      %swap3A_36 = tpu.vector_load %arg9[%swap3A_34, %swap3A_35] {strides = array<i32>} : memref<32x128xf32, #tpu.memory_space<vmem>>, vector<1x16xf32>,
      %swap3A_37 = vector.shape_cast %swap3A_36 : vector<1x16xf32> to vector<16xf32>
      %swap3A_38 = vector.shape_cast %broadcast_in_dim3A_1 : vector<16xf32> to vector<1x16xf32>
      tpu.vector_store %arg9[%swap3A_34, %swap3A_35], %swap3A_38 {strides = array<i32>} : memref<32x128xf32, #tpu.memory_space<vmem>>, vector<1x16xf32>,
      %swap3A_39 = arith.index_cast %scan3A_24 : i32 to index
      %swap3A_40 = arith.constant 48 : index
      %swap3A_41 = tpu.vector_load %arg9[%swap3A_39, %swap3A_40] {strides = array<i32>} : memref<32x128xf32, #tpu.memory_space<vmem>>, vector<1x16xf32>,
      %swap3A_42 = vector.shape_cast %swap3A_41 : vector<1x16xf32> to vector<16xf32>
      %swap3A_43 = vector.shape_cast %broadcast_in_dim3A_1 : vector<16xf32> to vector<1x16xf32>
      tpu.vector_store %arg9[%swap3A_39, %swap3A_40], %swap3A_43 {strides = array<i32>} : memref<32x128xf32, #tpu.memory_space<vmem>>, vector<1x16xf32>,
      %swap3A_44 = arith.index_cast %scan3A_24 : i32 to index
      %swap3A_45 = arith.constant 64 : index
      %swap3A_46 = tpu.vector_load %arg9[%swap3A_44, %swap3A_45] {strides = array<i32>} : memref<32x128xf32, #tpu.memory_space<vmem>>, vector<1x16xf32>,
      %swap3A_47 = vector.shape_cast %swap3A_46 : vector<1x16xf32> to vector<16xf32>
      %swap3A_48 = vector.shape_cast %broadcast_in_dim3A_1 : vector<16xf32> to vector<1x16xf32>
      tpu.vector_store %arg9[%swap3A_44, %swap3A_45], %swap3A_48 {strides = array<i32>} : memref<32x128xf32, #tpu.memory_space<vmem>>, vector<1x16xf32>,
      %swap3A_49 = arith.index_cast %scan3A_24 : i32 to index
      %swap3A_50 = arith.constant 80 : index
      %swap3A_51 = tpu.vector_load %arg9[%swap3A_49, %swap3A_50] {strides = array<i32>} : memref<32x128xf32, #tpu.memory_space<vmem>>, vector<1x16xf32>,
      %swap3A_52 = vector.shape_cast %swap3A_51 : vector<1x16xf32> to vector<16xf32>
      %swap3A_53 = vector.shape_cast %broadcast_in_dim3A_1 : vector<16xf32> to vector<1x16xf32>
      tpu.vector_store %arg9[%swap3A_49, %swap3A_50], %swap3A_53 {strides = array<i32>} : memref<32x128xf32, #tpu.memory_space<vmem>>, vector<1x16xf32>,
      %swap3A_54 = arith.index_cast %scan3A_24 : i32 to index
      %swap3A_55 = arith.constant 96 : index
      %swap3A_56 = tpu.vector_load %arg9[%swap3A_54, %swap3A_55] {strides = array<i32>} : memref<32x128xf32, #tpu.memory_space<vmem>>, vector<1x16xf32>,
      %swap3A_57 = vector.shape_cast %swap3A_56 : vector<1x16xf32> to vector<16xf32>
      %swap3A_58 = vector.shape_cast %broadcast_in_dim3A_1 : vector<16xf32> to vector<1x16xf32>
      tpu.vector_store %arg9[%swap3A_54, %swap3A_55], %swap3A_58 {strides = array<i32>} : memref<32x128xf32, #tpu.memory_space<vmem>>, vector<1x16xf32>,
      %swap3A_59 = arith.index_cast %scan3A_24 : i32 to index
      %swap3A_60 = arith.constant 112 : index
      %swap3A_61 = tpu.vector_load %arg9[%swap3A_59, %swap3A_60] {strides = array<i32>} : memref<32x128xf32, #tpu.memory_space<vmem>>, vector<1x16xf32>,
      %swap3A_62 = vector.shape_cast %swap3A_61 : vector<1x16xf32> to vector<16xf32>
      %swap3A_63 = vector.shape_cast %broadcast_in_dim3A_1 : vector<16xf32> to vector<1x16xf32>
      tpu.vector_store %arg9[%swap3A_59, %swap3A_60], %swap3A_63 {strides = array<i32>} : memref<32x128xf32, #tpu.memory_space<vmem>>, vector<1x16xf32>,
    }
    %scan3A_6 = arith.constant 32 : i32
    %scan3A_7 = arith.constant 0 : i32
    %scan3A_8 = arith.constant 0 : i32
    %scan3A_9 = arith.constant 20 : i32
    %scan3A_10 = arith.addi %scan3A_8, %scan3A_9 : i32
    %scan3A_11 = arith.constant 1 : i32
    scf.for %scan3A_24 = %scan3A_8 to %scan3A_10 step %scan3A_11  : i32 {
      %mul3A_25 = arith.constant 640 : i32
      %mul3A_26 = arith.muli %arg1, %mul3A_25 : i32
      %mul3A_27 = arith.constant 32 : i32
      %mul3A_28 = arith.muli %scan3A_24, %mul3A_27 : i32
      %add3A_29 = arith.addi %mul3A_26, %mul3A_28 : i32
      "tpu.region"() ({
        %run_scoped3A = tpu.sem_alloc : memref<!tpu.dma_semaphore, #tpu.memory_space<semaphore_mem>>
        %dma_start3A = arith.constant 0 : i32
        %dma_start3A_30 = tpu.memref_slice %arg10[%add3A_29, %dma_start3A] : memref<10240x128xf32, #tpu.memory_space<vmem_shared>> -> memref<32x128xf32, #tpu.memory_space<vmem_shared>>
        %dma_start3A_31 = arith.constant 0 : i32
        %dma_start3A_32 = tpu.memref_slice %arg10[%add3A_29, %dma_start3A_31] : memref<10240x128xf32, #tpu.memory_space<vmem_shared>> -> memref<32x128xf32, #tpu.memory_space<vmem_shared>>
        tpu.enqueue_dma source(%arg9 : memref<32x128xf32, #tpu.memory_space<vmem>>) target(%dma_start3A_32 : memref<32x128xf32, #tpu.memory_space<vmem_shared>>) target_semaphore(%run_scoped3A : memref<!tpu.dma_semaphore, #tpu.memory_space<semaphore_mem>>)
        %dma_wait3A = arith.constant 0 : i32
        %dma_wait3A_33 = tpu.memref_slice %arg10[%add3A_29, %dma_wait3A] : memref<10240x128xf32, #tpu.memory_space<vmem_shared>> -> memref<32x128xf32, #tpu.memory_space<vmem_shared>>
        %dma_wait3A_34 = arith.constant 0 : i32
        %dma_wait3A_35 = tpu.memref_slice %arg10[%add3A_29, %dma_wait3A_34] : memref<10240x128xf32, #tpu.memory_space<vmem_shared>> -> memref<32x128xf32, #tpu.memory_space<vmem_shared>>
        tpu.wait_dma2 semaphore(%run_scoped3A : memref<!tpu.dma_semaphore, #tpu.memory_space<semaphore_mem>>) src(%arg9 : memref<32x128xf32, #tpu.memory_space<vmem>>) dst(%dma_wait3A_35 : memref<32x128xf32, #tpu.memory_space<vmem_shared>>)
        tpu.yield
      }) : () -> ()
    }
    %scan3A_12 = arith.constant 20 : i32
    "tpu.region"() ({
      %run_scoped3A = tpu.sem_alloc : memref<!tpu.dma_semaphore, #tpu.memory_space<semaphore_mem>>
      %dma_start3A = arith.constant 0 : i32
      %dma_start3A_24 = arith.constant 0 : i32
      %dma_start3A_25 = tpu.memref_slice %arg3[%add3A, %dma_start3A, %dma_start3A_24] : memref<32x125x80xi32, #tpu.memory_space<hbm>> -> memref<1x125x80xi32, #tpu.memory_space<hbm>>
      %dma_start3A_26 = tpu.memref_squeeze %dma_start3A_25 : memref<1x125x80xi32, #tpu.memory_space<hbm>> -> memref<125x80xi32, #tpu.memory_space<hbm>>
      %dma_start3A_27 = arith.constant 0 : i32
      %dma_start3A_28 = arith.constant 0 : i32
      %dma_start3A_29 = tpu.memref_slice %arg3[%add3A, %dma_start3A_27, %dma_start3A_28] : memref<32x125x80xi32, #tpu.memory_space<hbm>> -> memref<1x125x80xi32, #tpu.memory_space<hbm>>
      %dma_start3A_30 = tpu.memref_squeeze %dma_start3A_29 : memref<1x125x80xi32, #tpu.memory_space<hbm>> -> memref<125x80xi32, #tpu.memory_space<hbm>>
      tpu.enqueue_dma source(%dma_start3A_30 : memref<125x80xi32, #tpu.memory_space<hbm>>) target(%arg6 : memref<125x80xi32, #tpu.memory_space<vmem>>) target_semaphore(%run_scoped3A : memref<!tpu.dma_semaphore, #tpu.memory_space<semaphore_mem>>)
      %dma_wait3A = arith.constant 0 : i32
      %dma_wait3A_31 = arith.constant 0 : i32
      %dma_wait3A_32 = tpu.memref_slice %arg3[%add3A, %dma_wait3A, %dma_wait3A_31] : memref<32x125x80xi32, #tpu.memory_space<hbm>> -> memref<1x125x80xi32, #tpu.memory_space<hbm>>
      %dma_wait3A_33 = tpu.memref_squeeze %dma_wait3A_32 : memref<1x125x80xi32, #tpu.memory_space<hbm>> -> memref<125x80xi32, #tpu.memory_space<hbm>>
      %dma_wait3A_34 = arith.constant 0 : i32
      %dma_wait3A_35 = arith.constant 0 : i32
      %dma_wait3A_36 = tpu.memref_slice %arg3[%add3A, %dma_wait3A_34, %dma_wait3A_35] : memref<32x125x80xi32, #tpu.memory_space<hbm>> -> memref<1x125x80xi32, #tpu.memory_space<hbm>>
      %dma_wait3A_37 = tpu.memref_squeeze %dma_wait3A_36 : memref<1x125x80xi32, #tpu.memory_space<hbm>> -> memref<125x80xi32, #tpu.memory_space<hbm>>
      tpu.wait_dma2 semaphore(%run_scoped3A : memref<!tpu.dma_semaphore, #tpu.memory_space<semaphore_mem>>) src(%dma_wait3A_37 : memref<125x80xi32, #tpu.memory_space<hbm>>) dst(%arg6 : memref<125x80xi32, #tpu.memory_space<vmem>>)
      tpu.yield
    }) : () -> ()
    "tpu.region"() ({
      %run_scoped3A = tpu.sem_alloc : memref<!tpu.dma_semaphore, #tpu.memory_space<semaphore_mem>>
      %dma_start3A = arith.constant 0 : i32
      %dma_start3A_24 = arith.constant 0 : i32
      %dma_start3A_25 = tpu.memref_slice %arg4[%add3A, %dma_start3A, %dma_start3A_24] : memref<32x125x80xi32, #tpu.memory_space<hbm>> -> memref<1x125x80xi32, #tpu.memory_space<hbm>>
      %dma_start3A_26 = tpu.memref_squeeze %dma_start3A_25 : memref<1x125x80xi32, #tpu.memory_space<hbm>> -> memref<125x80xi32, #tpu.memory_space<hbm>>
      %dma_start3A_27 = arith.constant 0 : i32
      %dma_start3A_28 = arith.constant 0 : i32
      %dma_start3A_29 = tpu.memref_slice %arg4[%add3A, %dma_start3A_27, %dma_start3A_28] : memref<32x125x80xi32, #tpu.memory_space<hbm>> -> memref<1x125x80xi32, #tpu.memory_space<hbm>>
      %dma_start3A_30 = tpu.memref_squeeze %dma_start3A_29 : memref<1x125x80xi32, #tpu.memory_space<hbm>> -> memref<125x80xi32, #tpu.memory_space<hbm>>
      tpu.enqueue_dma source(%dma_start3A_30 : memref<125x80xi32, #tpu.memory_space<hbm>>) target(%arg7 : memref<125x80xi32, #tpu.memory_space<vmem>>) target_semaphore(%run_scoped3A : memref<!tpu.dma_semaphore, #tpu.memory_space<semaphore_mem>>)
      %dma_wait3A = arith.constant 0 : i32
      %dma_wait3A_31 = arith.constant 0 : i32
      %dma_wait3A_32 = tpu.memref_slice %arg4[%add3A, %dma_wait3A, %dma_wait3A_31] : memref<32x125x80xi32, #tpu.memory_space<hbm>> -> memref<1x125x80xi32, #tpu.memory_space<hbm>>
      %dma_wait3A_33 = tpu.memref_squeeze %dma_wait3A_32 : memref<1x125x80xi32, #tpu.memory_space<hbm>> -> memref<125x80xi32, #tpu.memory_space<hbm>>
      %dma_wait3A_34 = arith.constant 0 : i32
      %dma_wait3A_35 = arith.constant 0 : i32
      %dma_wait3A_36 = tpu.memref_slice %arg4[%add3A, %dma_wait3A_34, %dma_wait3A_35] : memref<32x125x80xi32, #tpu.memory_space<hbm>> -> memref<1x125x80xi32, #tpu.memory_space<hbm>>
      %dma_wait3A_37 = tpu.memref_squeeze %dma_wait3A_36 : memref<1x125x80xi32, #tpu.memory_space<hbm>> -> memref<125x80xi32, #tpu.memory_space<hbm>>
      tpu.wait_dma2 semaphore(%run_scoped3A : memref<!tpu.dma_semaphore, #tpu.memory_space<semaphore_mem>>) src(%dma_wait3A_37 : memref<125x80xi32, #tpu.memory_space<hbm>>) dst(%arg7 : memref<125x80xi32, #tpu.memory_space<vmem>>)
      tpu.yield
    }) : () -> ()
    %barrier3A = arith.constant 0 : index
    tpu.barrier barrier_id(%barrier3A)
    %scan3A_13 = arith.constant 0 : i32
    %scan3A_14 = arith.constant 0 : i32
    %scan3A_15 = arith.constant 125 : i32
    %scan3A_16 = arith.addi %scan3A_14, %scan3A_15 : i32
    %scan3A_17 = arith.constant 1 : i32
    scf.for %scan3A_24 = %scan3A_14 to %scan3A_16 step %scan3A_17  : i32 {
      %dma_start3A = arith.constant 0 : i32
      %dma_start3A_25 = tpu.memref_slice %arg6[%scan3A_24, %dma_start3A] : memref<125x80xi32, #tpu.memory_space<vmem>> -> memref<1x80xi32, #tpu.memory_space<vmem>>
      %dma_start3A_26 = tpu.memref_squeeze %dma_start3A_25 : memref<1x80xi32, #tpu.memory_space<vmem>> -> memref<80xi32, #tpu.memory_space<vmem>>
      %dma_start3A_27 = arith.constant 0 : i32
      %dma_start3A_28 = arith.constant 0 : i32
      %dma_start3A_29 = tpu.memref_slice %arg2[%dma_start3A_27, %dma_start3A_28] : memref<10000x128xf32, #tpu.memory_space<hbm>> -> memref<10000x128xf32, #tpu.memory_space<hbm>>
      tpu.enqueue_indirect_dma source(%dma_start3A_29 : memref<10000x128xf32, #tpu.memory_space<hbm>>) target(%arg8 : memref<80x128xf32, #tpu.memory_space<vmem>>) offsets(%dma_start3A_26 : memref<80xi32, #tpu.memory_space<vmem>>) semaphore(%arg11 : memref<!tpu.dma_semaphore, #tpu.memory_space<semaphore_mem>>)
      %dma_wait3A = arith.constant 0 : i32
      %dma_wait3A_30 = tpu.memref_slice %arg6[%scan3A_24, %dma_wait3A] : memref<125x80xi32, #tpu.memory_space<vmem>> -> memref<1x80xi32, #tpu.memory_space<vmem>>
      %dma_wait3A_31 = tpu.memref_squeeze %dma_wait3A_30 : memref<1x80xi32, #tpu.memory_space<vmem>> -> memref<80xi32, #tpu.memory_space<vmem>>
      %dma_wait3A_32 = arith.constant 0 : i32
      %dma_wait3A_33 = arith.constant 0 : i32
      %dma_wait3A_34 = tpu.memref_slice %arg2[%dma_wait3A_32, %dma_wait3A_33] : memref<10000x128xf32, #tpu.memory_space<hbm>> -> memref<10000x128xf32, #tpu.memory_space<hbm>>
      tpu.wait_indirect_dma semaphore(%arg11 : memref<!tpu.dma_semaphore, #tpu.memory_space<semaphore_mem>>) src(%dma_wait3A_34 : memref<10000x128xf32, #tpu.memory_space<hbm>>) dst(%arg8 : memref<80x128xf32, #tpu.memory_space<vmem>>)
      "tpu.region"() ({
        %run_scoped3A = tpu.sem_alloc : memref<!tpu.dma_semaphore, #tpu.memory_space<semaphore_mem>>
        %dma_start3A_35 = arith.constant 0 : i32
        %dma_start3A_36 = tpu.memref_slice %arg7[%scan3A_24, %dma_start3A_35] : memref<125x80xi32, #tpu.memory_space<vmem>> -> memref<1x80xi32, #tpu.memory_space<vmem>>
        %dma_start3A_37 = tpu.memref_squeeze %dma_start3A_36 : memref<1x80xi32, #tpu.memory_space<vmem>> -> memref<80xi32, #tpu.memory_space<vmem>>
        %dma_start3A_38 = arith.constant 0 : i32
        %dma_start3A_39 = arith.constant 0 : i32
        %dma_start3A_40 = tpu.memref_slice %arg10[%dma_start3A_38, %dma_start3A_39] : memref<10240x128xf32, #tpu.memory_space<vmem_shared>> -> memref<10240x128xf32, #tpu.memory_space<vmem_shared>>
        tpu.enqueue_indirect_dma source(%arg8 : memref<80x128xf32, #tpu.memory_space<vmem>>) target(%dma_start3A_40 : memref<10240x128xf32, #tpu.memory_space<vmem_shared>>) offsets(%dma_start3A_37 : memref<80xi32, #tpu.memory_space<vmem>>) semaphore(%run_scoped3A : memref<!tpu.dma_semaphore, #tpu.memory_space<semaphore_mem>>) {add = true}
        %dma_wait3A_41 = arith.constant 0 : i32
        %dma_wait3A_42 = tpu.memref_slice %arg7[%scan3A_24, %dma_wait3A_41] : memref<125x80xi32, #tpu.memory_space<vmem>> -> memref<1x80xi32, #tpu.memory_space<vmem>>
        %dma_wait3A_43 = tpu.memref_squeeze %dma_wait3A_42 : memref<1x80xi32, #tpu.memory_space<vmem>> -> memref<80xi32, #tpu.memory_space<vmem>>
        %dma_wait3A_44 = arith.constant 0 : i32
        %dma_wait3A_45 = arith.constant 0 : i32
        %dma_wait3A_46 = tpu.memref_slice %arg10[%dma_wait3A_44, %dma_wait3A_45] : memref<10240x128xf32, #tpu.memory_space<vmem_shared>> -> memref<10240x128xf32, #tpu.memory_space<vmem_shared>>
        tpu.wait_indirect_dma semaphore(%run_scoped3A : memref<!tpu.dma_semaphore, #tpu.memory_space<semaphore_mem>>) src(%arg8 : memref<80x128xf32, #tpu.memory_space<vmem>>) dst(%dma_wait3A_46 : memref<10240x128xf32, #tpu.memory_space<vmem_shared>>)
        tpu.yield
      }) : () -> ()
    }
    %scan3A_18 = arith.constant 125 : i32
    %barrier3A_19 = arith.constant 0 : index
    tpu.barrier barrier_id(%barrier3A_19)
    %mul3A_20 = arith.constant 640 : i32
    %mul3A_21 = arith.muli %arg1, %mul3A_20 : i32
    %mul3A_22 = arith.constant 640 : i32
    %mul3A_23 = arith.muli %arg1, %mul3A_22 : i32
    "tpu.region"() ({
      %run_scoped3A = tpu.sem_alloc : memref<!tpu.dma_semaphore, #tpu.memory_space<semaphore_mem>>
      %dma_start3A = arith.constant 0 : i32
      %dma_start3A_24 = tpu.memref_slice %arg5[%arg0, %mul3A_23, %dma_start3A] : memref<2x10240x128xf32, #tpu.memory_space<hbm>> -> memref<1x640x128xf32, #tpu.memory_space<hbm>>
      %dma_start3A_25 = tpu.memref_squeeze %dma_start3A_24 : memref<1x640x128xf32, #tpu.memory_space<hbm>> -> memref<640x128xf32, #tpu.memory_space<hbm>>
      %dma_start3A_26 = arith.constant 0 : i32
      %dma_start3A_27 = tpu.memref_slice %arg10[%mul3A_21, %dma_start3A_26] : memref<10240x128xf32, #tpu.memory_space<vmem_shared>> -> memref<640x128xf32, #tpu.memory_space<vmem_shared>>
      tpu.enqueue_dma source(%dma_start3A_27 : memref<640x128xf32, #tpu.memory_space<vmem_shared>>) target(%dma_start3A_25 : memref<640x128xf32, #tpu.memory_space<hbm>>) target_semaphore(%run_scoped3A : memref<!tpu.dma_semaphore, #tpu.memory_space<semaphore_mem>>)
      %dma_wait3A = arith.constant 0 : i32
      %dma_wait3A_28 = tpu.memref_slice %arg5[%arg0, %mul3A_23, %dma_wait3A] : memref<2x10240x128xf32, #tpu.memory_space<hbm>> -> memref<1x640x128xf32, #tpu.memory_space<hbm>>
      %dma_wait3A_29 = tpu.memref_squeeze %dma_wait3A_28 : memref<1x640x128xf32, #tpu.memory_space<hbm>> -> memref<640x128xf32, #tpu.memory_space<hbm>>
      %dma_wait3A_30 = arith.constant 0 : i32
      %dma_wait3A_31 = tpu.memref_slice %arg10[%mul3A_21, %dma_wait3A_30] : memref<10240x128xf32, #tpu.memory_space<vmem_shared>> -> memref<640x128xf32, #tpu.memory_space<vmem_shared>>
      tpu.wait_dma2 semaphore(%run_scoped3A : memref<!tpu.dma_semaphore, #tpu.memory_space<semaphore_mem>>) src(%dma_wait3A_31 : memref<640x128xf32, #tpu.memory_space<vmem_shared>>) dst(%dma_wait3A_29 : memref<640x128xf32, #tpu.memory_space<hbm>>)
      tpu.yield
    }) : () -> ()
    return
  }
}

#map = affine_map<(d0, d1) -> (0, 0)>
#map1 = affine_map<(d0, d1) -> (0, 0, 0)>
module attributes {stable_mosaic.version = 14 : i64} {
  func.func @_sc_aggregate(%arg0: i32, %arg1: i32, %arg2: memref<10000x128xf32, #tpu.memory_space<hbm>>, %arg3: memref<32x125x80xi32, #tpu.memory_space<hbm>>, %arg4: memref<32x125x80xi32, #tpu.memory_space<hbm>>, %arg5: memref<2x10240x128xf32, #tpu.memory_space<hbm>>, %arg6: memref<125x80xi32, #tpu.memory_space<vmem>>, %arg7: memref<125x80xi32, #tpu.memory_space<vmem>>, %arg8: memref<80x128xf32, #tpu.memory_space<vmem>>, %arg9: memref<32x128xf32, #tpu.memory_space<vmem>>, %arg10: memref<10240x128xf32, #tpu.memory_space<vmem_shared>>, %arg11: memref<!tpu.dma_semaphore, #tpu.memory_space<semaphore_mem>>) attributes {dimension_semantics = [#tpu.dimension_semantics<core_parallel>, #tpu.dimension_semantics<subcore_parallel>], iteration_bounds = array<i64: 2, 16>, scalar_prefetch = 0 : i64, scratch_operands = 6 : i64, tpu.core_type = #tpu.core_type<sc_vector_subcore>, window_params = [{transform_indices = #map}, {transform_indices = #map1}, {transform_indices = #map1}, {transform_indices = #map1}]} {
    %mul3A = arith.constant 16 : i32
    %mul3A_0 = arith.muli %arg0, %mul3A : i32
    %add3A = arith.addi %mul3A_0, %arg1 : i32
    %broadcast_in_dim3A = arith.constant 0.000000e+00 : f32
    %broadcast_in_dim3A_1 = vector.broadcast %broadcast_in_dim3A : f32 to vector<16xf32>
    %scan3A = arith.constant 0 : i32
    %scan3A_2 = arith.constant 0 : i32
    %scan3A_3 = arith.constant 32 : i32
    %scan3A_4 = arith.addi %scan3A_2, %scan3A_3 : i32
    %scan3A_5 = arith.constant 1 : i32
    scf.for %scan3A_24 = %scan3A_2 to %scan3A_4 step %scan3A_5  : i32 {
      %swap3A = arith.index_cast %scan3A_24 : i32 to index
      %swap3A_25 = arith.constant 0 : index
      %swap3A_26 = tpu.vector_load %arg9[%swap3A, %swap3A_25] {strides = array<i32>} : memref<32x128xf32, #tpu.memory_space<vmem>>, vector<1x16xf32>,
      %swap3A_27 = vector.shape_cast %swap3A_26 : vector<1x16xf32> to vector<16xf32>
      %swap3A_28 = vector.shape_cast %broadcast_in_dim3A_1 : vector<16xf32> to vector<1x16xf32>
      tpu.vector_store %arg9[%swap3A, %swap3A_25], %swap3A_28 {strides = array<i32>} : memref<32x128xf32, #tpu.memory_space<vmem>>, vector<1x16xf32>,
      %swap3A_29 = arith.index_cast %scan3A_24 : i32 to index
      %swap3A_30 = arith.constant 16 : index
      %swap3A_31 = tpu.vector_load %arg9[%swap3A_29, %swap3A_30] {strides = array<i32>} : memref<32x128xf32, #tpu.memory_space<vmem>>, vector<1x16xf32>,
      %swap3A_32 = vector.shape_cast %swap3A_31 : vector<1x16xf32> to vector<16xf32>
      %swap3A_33 = vector.shape_cast %broadcast_in_dim3A_1 : vector<16xf32> to vector<1x16xf32>
      tpu.vector_store %arg9[%swap3A_29, %swap3A_30], %swap3A_33 {strides = array<i32>} : memref<32x128xf32, #tpu.memory_space<vmem>>, vector<1x16xf32>,
      %swap3A_34 = arith.index_cast %scan3A_24 : i32 to index
      %swap3A_35 = arith.constant 32 : index
      %swap3A_36 = tpu.vector_load %arg9[%swap3A_34, %swap3A_35] {strides = array<i32>} : memref<32x128xf32, #tpu.memory_space<vmem>>, vector<1x16xf32>,
      %swap3A_37 = vector.shape_cast %swap3A_36 : vector<1x16xf32> to vector<16xf32>
      %swap3A_38 = vector.shape_cast %broadcast_in_dim3A_1 : vector<16xf32> to vector<1x16xf32>
      tpu.vector_store %arg9[%swap3A_34, %swap3A_35], %swap3A_38 {strides = array<i32>} : memref<32x128xf32, #tpu.memory_space<vmem>>, vector<1x16xf32>,
      %swap3A_39 = arith.index_cast %scan3A_24 : i32 to index
      %swap3A_40 = arith.constant 48 : index
      %swap3A_41 = tpu.vector_load %arg9[%swap3A_39, %swap3A_40] {strides = array<i32>} : memref<32x128xf32, #tpu.memory_space<vmem>>, vector<1x16xf32>,
      %swap3A_42 = vector.shape_cast %swap3A_41 : vector<1x16xf32> to vector<16xf32>
      %swap3A_43 = vector.shape_cast %broadcast_in_dim3A_1 : vector<16xf32> to vector<1x16xf32>
      tpu.vector_store %arg9[%swap3A_39, %swap3A_40], %swap3A_43 {strides = array<i32>} : memref<32x128xf32, #tpu.memory_space<vmem>>, vector<1x16xf32>,
      %swap3A_44 = arith.index_cast %scan3A_24 : i32 to index
      %swap3A_45 = arith.constant 64 : index
      %swap3A_46 = tpu.vector_load %arg9[%swap3A_44, %swap3A_45] {strides = array<i32>} : memref<32x128xf32, #tpu.memory_space<vmem>>, vector<1x16xf32>,
      %swap3A_47 = vector.shape_cast %swap3A_46 : vector<1x16xf32> to vector<16xf32>
      %swap3A_48 = vector.shape_cast %broadcast_in_dim3A_1 : vector<16xf32> to vector<1x16xf32>
      tpu.vector_store %arg9[%swap3A_44, %swap3A_45], %swap3A_48 {strides = array<i32>} : memref<32x128xf32, #tpu.memory_space<vmem>>, vector<1x16xf32>,
      %swap3A_49 = arith.index_cast %scan3A_24 : i32 to index
      %swap3A_50 = arith.constant 80 : index
      %swap3A_51 = tpu.vector_load %arg9[%swap3A_49, %swap3A_50] {strides = array<i32>} : memref<32x128xf32, #tpu.memory_space<vmem>>, vector<1x16xf32>,
      %swap3A_52 = vector.shape_cast %swap3A_51 : vector<1x16xf32> to vector<16xf32>
      %swap3A_53 = vector.shape_cast %broadcast_in_dim3A_1 : vector<16xf32> to vector<1x16xf32>
      tpu.vector_store %arg9[%swap3A_49, %swap3A_50], %swap3A_53 {strides = array<i32>} : memref<32x128xf32, #tpu.memory_space<vmem>>, vector<1x16xf32>,
      %swap3A_54 = arith.index_cast %scan3A_24 : i32 to index
      %swap3A_55 = arith.constant 96 : index
      %swap3A_56 = tpu.vector_load %arg9[%swap3A_54, %swap3A_55] {strides = array<i32>} : memref<32x128xf32, #tpu.memory_space<vmem>>, vector<1x16xf32>,
      %swap3A_57 = vector.shape_cast %swap3A_56 : vector<1x16xf32> to vector<16xf32>
      %swap3A_58 = vector.shape_cast %broadcast_in_dim3A_1 : vector<16xf32> to vector<1x16xf32>
      tpu.vector_store %arg9[%swap3A_54, %swap3A_55], %swap3A_58 {strides = array<i32>} : memref<32x128xf32, #tpu.memory_space<vmem>>, vector<1x16xf32>,
      %swap3A_59 = arith.index_cast %scan3A_24 : i32 to index
      %swap3A_60 = arith.constant 112 : index
      %swap3A_61 = tpu.vector_load %arg9[%swap3A_59, %swap3A_60] {strides = array<i32>} : memref<32x128xf32, #tpu.memory_space<vmem>>, vector<1x16xf32>,
      %swap3A_62 = vector.shape_cast %swap3A_61 : vector<1x16xf32> to vector<16xf32>
      %swap3A_63 = vector.shape_cast %broadcast_in_dim3A_1 : vector<16xf32> to vector<1x16xf32>
      tpu.vector_store %arg9[%swap3A_59, %swap3A_60], %swap3A_63 {strides = array<i32>} : memref<32x128xf32, #tpu.memory_space<vmem>>, vector<1x16xf32>,
    }
    %scan3A_6 = arith.constant 32 : i32
    %scan3A_7 = arith.constant 0 : i32
    %scan3A_8 = arith.constant 0 : i32
    %scan3A_9 = arith.constant 20 : i32
    %scan3A_10 = arith.addi %scan3A_8, %scan3A_9 : i32
    %scan3A_11 = arith.constant 1 : i32
    scf.for %scan3A_24 = %scan3A_8 to %scan3A_10 step %scan3A_11  : i32 {
      %mul3A_25 = arith.constant 640 : i32
      %mul3A_26 = arith.muli %arg1, %mul3A_25 : i32
      %mul3A_27 = arith.constant 32 : i32
      %mul3A_28 = arith.muli %scan3A_24, %mul3A_27 : i32
      %add3A_29 = arith.addi %mul3A_26, %mul3A_28 : i32
      "tpu.region"() ({
        %run_scoped3A = tpu.sem_alloc : memref<!tpu.dma_semaphore, #tpu.memory_space<semaphore_mem>>
        %dma_start3A = arith.constant 0 : i32
        %dma_start3A_30 = tpu.memref_slice %arg10[%add3A_29, %dma_start3A] : memref<10240x128xf32, #tpu.memory_space<vmem_shared>> -> memref<32x128xf32, #tpu.memory_space<vmem_shared>>
        %dma_start3A_31 = arith.constant 0 : i32
        %dma_start3A_32 = tpu.memref_slice %arg10[%add3A_29, %dma_start3A_31] : memref<10240x128xf32, #tpu.memory_space<vmem_shared>> -> memref<32x128xf32, #tpu.memory_space<vmem_shared>>
        tpu.enqueue_dma source(%arg9 : memref<32x128xf32, #tpu.memory_space<vmem>>) target(%dma_start3A_32 : memref<32x128xf32, #tpu.memory_space<vmem_shared>>) target_semaphore(%run_scoped3A : memref<!tpu.dma_semaphore, #tpu.memory_space<semaphore_mem>>)
        %dma_wait3A = arith.constant 0 : i32
        %dma_wait3A_33 = tpu.memref_slice %arg10[%add3A_29, %dma_wait3A] : memref<10240x128xf32, #tpu.memory_space<vmem_shared>> -> memref<32x128xf32, #tpu.memory_space<vmem_shared>>
        %dma_wait3A_34 = arith.constant 0 : i32
        %dma_wait3A_35 = tpu.memref_slice %arg10[%add3A_29, %dma_wait3A_34] : memref<10240x128xf32, #tpu.memory_space<vmem_shared>> -> memref<32x128xf32, #tpu.memory_space<vmem_shared>>
        tpu.wait_dma2 semaphore(%run_scoped3A : memref<!tpu.dma_semaphore, #tpu.memory_space<semaphore_mem>>) src(%arg9 : memref<32x128xf32, #tpu.memory_space<vmem>>) dst(%dma_wait3A_35 : memref<32x128xf32, #tpu.memory_space<vmem_shared>>)
        tpu.yield
      }) : () -> ()
    }
    %scan3A_12 = arith.constant 20 : i32
    "tpu.region"() ({
      %run_scoped3A = tpu.sem_alloc : memref<!tpu.dma_semaphore, #tpu.memory_space<semaphore_mem>>
      %dma_start3A = arith.constant 0 : i32
      %dma_start3A_24 = arith.constant 0 : i32
      %dma_start3A_25 = tpu.memref_slice %arg3[%add3A, %dma_start3A, %dma_start3A_24] : memref<32x125x80xi32, #tpu.memory_space<hbm>> -> memref<1x125x80xi32, #tpu.memory_space<hbm>>
      %dma_start3A_26 = tpu.memref_squeeze %dma_start3A_25 : memref<1x125x80xi32, #tpu.memory_space<hbm>> -> memref<125x80xi32, #tpu.memory_space<hbm>>
      %dma_start3A_27 = arith.constant 0 : i32
      %dma_start3A_28 = arith.constant 0 : i32
      %dma_start3A_29 = tpu.memref_slice %arg3[%add3A, %dma_start3A_27, %dma_start3A_28] : memref<32x125x80xi32, #tpu.memory_space<hbm>> -> memref<1x125x80xi32, #tpu.memory_space<hbm>>
      %dma_start3A_30 = tpu.memref_squeeze %dma_start3A_29 : memref<1x125x80xi32, #tpu.memory_space<hbm>> -> memref<125x80xi32, #tpu.memory_space<hbm>>
      tpu.enqueue_dma source(%dma_start3A_30 : memref<125x80xi32, #tpu.memory_space<hbm>>) target(%arg6 : memref<125x80xi32, #tpu.memory_space<vmem>>) target_semaphore(%run_scoped3A : memref<!tpu.dma_semaphore, #tpu.memory_space<semaphore_mem>>)
      %dma_wait3A = arith.constant 0 : i32
      %dma_wait3A_31 = arith.constant 0 : i32
      %dma_wait3A_32 = tpu.memref_slice %arg3[%add3A, %dma_wait3A, %dma_wait3A_31] : memref<32x125x80xi32, #tpu.memory_space<hbm>> -> memref<1x125x80xi32, #tpu.memory_space<hbm>>
      %dma_wait3A_33 = tpu.memref_squeeze %dma_wait3A_32 : memref<1x125x80xi32, #tpu.memory_space<hbm>> -> memref<125x80xi32, #tpu.memory_space<hbm>>
      %dma_wait3A_34 = arith.constant 0 : i32
      %dma_wait3A_35 = arith.constant 0 : i32
      %dma_wait3A_36 = tpu.memref_slice %arg3[%add3A, %dma_wait3A_34, %dma_wait3A_35] : memref<32x125x80xi32, #tpu.memory_space<hbm>> -> memref<1x125x80xi32, #tpu.memory_space<hbm>>
      %dma_wait3A_37 = tpu.memref_squeeze %dma_wait3A_36 : memref<1x125x80xi32, #tpu.memory_space<hbm>> -> memref<125x80xi32, #tpu.memory_space<hbm>>
      tpu.wait_dma2 semaphore(%run_scoped3A : memref<!tpu.dma_semaphore, #tpu.memory_space<semaphore_mem>>) src(%dma_wait3A_37 : memref<125x80xi32, #tpu.memory_space<hbm>>) dst(%arg6 : memref<125x80xi32, #tpu.memory_space<vmem>>)
      tpu.yield
    }) : () -> ()
    "tpu.region"() ({
      %run_scoped3A = tpu.sem_alloc : memref<!tpu.dma_semaphore, #tpu.memory_space<semaphore_mem>>
      %dma_start3A = arith.constant 0 : i32
      %dma_start3A_24 = arith.constant 0 : i32
      %dma_start3A_25 = tpu.memref_slice %arg4[%add3A, %dma_start3A, %dma_start3A_24] : memref<32x125x80xi32, #tpu.memory_space<hbm>> -> memref<1x125x80xi32, #tpu.memory_space<hbm>>
      %dma_start3A_26 = tpu.memref_squeeze %dma_start3A_25 : memref<1x125x80xi32, #tpu.memory_space<hbm>> -> memref<125x80xi32, #tpu.memory_space<hbm>>
      %dma_start3A_27 = arith.constant 0 : i32
      %dma_start3A_28 = arith.constant 0 : i32
      %dma_start3A_29 = tpu.memref_slice %arg4[%add3A, %dma_start3A_27, %dma_start3A_28] : memref<32x125x80xi32, #tpu.memory_space<hbm>> -> memref<1x125x80xi32, #tpu.memory_space<hbm>>
      %dma_start3A_30 = tpu.memref_squeeze %dma_start3A_29 : memref<1x125x80xi32, #tpu.memory_space<hbm>> -> memref<125x80xi32, #tpu.memory_space<hbm>>
      tpu.enqueue_dma source(%dma_start3A_30 : memref<125x80xi32, #tpu.memory_space<hbm>>) target(%arg7 : memref<125x80xi32, #tpu.memory_space<vmem>>) target_semaphore(%run_scoped3A : memref<!tpu.dma_semaphore, #tpu.memory_space<semaphore_mem>>)
      %dma_wait3A = arith.constant 0 : i32
      %dma_wait3A_31 = arith.constant 0 : i32
      %dma_wait3A_32 = tpu.memref_slice %arg4[%add3A, %dma_wait3A, %dma_wait3A_31] : memref<32x125x80xi32, #tpu.memory_space<hbm>> -> memref<1x125x80xi32, #tpu.memory_space<hbm>>
      %dma_wait3A_33 = tpu.memref_squeeze %dma_wait3A_32 : memref<1x125x80xi32, #tpu.memory_space<hbm>> -> memref<125x80xi32, #tpu.memory_space<hbm>>
      %dma_wait3A_34 = arith.constant 0 : i32
      %dma_wait3A_35 = arith.constant 0 : i32
      %dma_wait3A_36 = tpu.memref_slice %arg4[%add3A, %dma_wait3A_34, %dma_wait3A_35] : memref<32x125x80xi32, #tpu.memory_space<hbm>> -> memref<1x125x80xi32, #tpu.memory_space<hbm>>
      %dma_wait3A_37 = tpu.memref_squeeze %dma_wait3A_36 : memref<1x125x80xi32, #tpu.memory_space<hbm>> -> memref<125x80xi32, #tpu.memory_space<hbm>>
      tpu.wait_dma2 semaphore(%run_scoped3A : memref<!tpu.dma_semaphore, #tpu.memory_space<semaphore_mem>>) src(%dma_wait3A_37 : memref<125x80xi32, #tpu.memory_space<hbm>>) dst(%arg7 : memref<125x80xi32, #tpu.memory_space<vmem>>)
      tpu.yield
    }) : () -> ()
    %barrier3A = arith.constant 0 : index
    tpu.barrier barrier_id(%barrier3A)
    %scan3A_13 = arith.constant 0 : i32
    %scan3A_14 = arith.constant 0 : i32
    %scan3A_15 = arith.constant 125 : i32
    %scan3A_16 = arith.addi %scan3A_14, %scan3A_15 : i32
    %scan3A_17 = arith.constant 1 : i32
    scf.for %scan3A_24 = %scan3A_14 to %scan3A_16 step %scan3A_17  : i32 {
      %dma_start3A = arith.constant 0 : i32
      %dma_start3A_25 = tpu.memref_slice %arg6[%scan3A_24, %dma_start3A] : memref<125x80xi32, #tpu.memory_space<vmem>> -> memref<1x80xi32, #tpu.memory_space<vmem>>
      %dma_start3A_26 = tpu.memref_squeeze %dma_start3A_25 : memref<1x80xi32, #tpu.memory_space<vmem>> -> memref<80xi32, #tpu.memory_space<vmem>>
      %dma_start3A_27 = arith.constant 0 : i32
      %dma_start3A_28 = arith.constant 0 : i32
      %dma_start3A_29 = tpu.memref_slice %arg2[%dma_start3A_27, %dma_start3A_28] : memref<10000x128xf32, #tpu.memory_space<hbm>> -> memref<10000x128xf32, #tpu.memory_space<hbm>>
      tpu.enqueue_indirect_dma source(%dma_start3A_29 : memref<10000x128xf32, #tpu.memory_space<hbm>>) target(%arg8 : memref<80x128xf32, #tpu.memory_space<vmem>>) offsets(%dma_start3A_26 : memref<80xi32, #tpu.memory_space<vmem>>) semaphore(%arg11 : memref<!tpu.dma_semaphore, #tpu.memory_space<semaphore_mem>>)
      %dma_wait3A = arith.constant 0 : i32
      %dma_wait3A_30 = tpu.memref_slice %arg6[%scan3A_24, %dma_wait3A] : memref<125x80xi32, #tpu.memory_space<vmem>> -> memref<1x80xi32, #tpu.memory_space<vmem>>
      %dma_wait3A_31 = tpu.memref_squeeze %dma_wait3A_30 : memref<1x80xi32, #tpu.memory_space<vmem>> -> memref<80xi32, #tpu.memory_space<vmem>>
      %dma_wait3A_32 = arith.constant 0 : i32
      %dma_wait3A_33 = arith.constant 0 : i32
      %dma_wait3A_34 = tpu.memref_slice %arg2[%dma_wait3A_32, %dma_wait3A_33] : memref<10000x128xf32, #tpu.memory_space<hbm>> -> memref<10000x128xf32, #tpu.memory_space<hbm>>
      tpu.wait_indirect_dma semaphore(%arg11 : memref<!tpu.dma_semaphore, #tpu.memory_space<semaphore_mem>>) src(%dma_wait3A_34 : memref<10000x128xf32, #tpu.memory_space<hbm>>) dst(%arg8 : memref<80x128xf32, #tpu.memory_space<vmem>>)
      "tpu.region"() ({
        %run_scoped3A = tpu.sem_alloc : memref<!tpu.dma_semaphore, #tpu.memory_space<semaphore_mem>>
        %dma_start3A_35 = arith.constant 0 : i32
        %dma_start3A_36 = tpu.memref_slice %arg7[%scan3A_24, %dma_start3A_35] : memref<125x80xi32, #tpu.memory_space<vmem>> -> memref<1x80xi32, #tpu.memory_space<vmem>>
        %dma_start3A_37 = tpu.memref_squeeze %dma_start3A_36 : memref<1x80xi32, #tpu.memory_space<vmem>> -> memref<80xi32, #tpu.memory_space<vmem>>
        %dma_start3A_38 = arith.constant 0 : i32
        %dma_start3A_39 = arith.constant 0 : i32
        %dma_start3A_40 = tpu.memref_slice %arg10[%dma_start3A_38, %dma_start3A_39] : memref<10240x128xf32, #tpu.memory_space<vmem_shared>> -> memref<10240x128xf32, #tpu.memory_space<vmem_shared>>
        tpu.enqueue_indirect_dma source(%arg8 : memref<80x128xf32, #tpu.memory_space<vmem>>) target(%dma_start3A_40 : memref<10240x128xf32, #tpu.memory_space<vmem_shared>>) offsets(%dma_start3A_37 : memref<80xi32, #tpu.memory_space<vmem>>) semaphore(%run_scoped3A : memref<!tpu.dma_semaphore, #tpu.memory_space<semaphore_mem>>) {add = true}
        %dma_wait3A_41 = arith.constant 0 : i32
        %dma_wait3A_42 = tpu.memref_slice %arg7[%scan3A_24, %dma_wait3A_41] : memref<125x80xi32, #tpu.memory_space<vmem>> -> memref<1x80xi32, #tpu.memory_space<vmem>>
        %dma_wait3A_43 = tpu.memref_squeeze %dma_wait3A_42 : memref<1x80xi32, #tpu.memory_space<vmem>> -> memref<80xi32, #tpu.memory_space<vmem>>
        %dma_wait3A_44 = arith.constant 0 : i32
        %dma_wait3A_45 = arith.constant 0 : i32
        %dma_wait3A_46 = tpu.memref_slice %arg10[%dma_wait3A_44, %dma_wait3A_45] : memref<10240x128xf32, #tpu.memory_space<vmem_shared>> -> memref<10240x128xf32, #tpu.memory_space<vmem_shared>>
        tpu.wait_indirect_dma semaphore(%run_scoped3A : memref<!tpu.dma_semaphore, #tpu.memory_space<semaphore_mem>>) src(%arg8 : memref<80x128xf32, #tpu.memory_space<vmem>>) dst(%dma_wait3A_46 : memref<10240x128xf32, #tpu.memory_space<vmem_shared>>)
        tpu.yield
      }) : () -> ()
    }
    %scan3A_18 = arith.constant 125 : i32
    %barrier3A_19 = arith.constant 0 : index
    tpu.barrier barrier_id(%barrier3A_19)
    %mul3A_20 = arith.constant 640 : i32
    %mul3A_21 = arith.muli %arg1, %mul3A_20 : i32
    %mul3A_22 = arith.constant 640 : i32
    %mul3A_23 = arith.muli %arg1, %mul3A_22 : i32
    "tpu.region"() ({
      %run_scoped3A = tpu.sem_alloc : memref<!tpu.dma_semaphore, #tpu.memory_space<semaphore_mem>>
      %dma_start3A = arith.constant 0 : i32
      %dma_start3A_24 = tpu.memref_slice %arg5[%arg0, %mul3A_23, %dma_start3A] : memref<2x10240x128xf32, #tpu.memory_space<hbm>> -> memref<1x640x128xf32, #tpu.memory_space<hbm>>
      %dma_start3A_25 = tpu.memref_squeeze %dma_start3A_24 : memref<1x640x128xf32, #tpu.memory_space<hbm>> -> memref<640x128xf32, #tpu.memory_space<hbm>>
      %dma_start3A_26 = arith.constant 0 : i32
      %dma_start3A_27 = tpu.memref_slice %arg10[%mul3A_21, %dma_start3A_26] : memref<10240x128xf32, #tpu.memory_space<vmem_shared>> -> memref<640x128xf32, #tpu.memory_space<vmem_shared>>
      tpu.enqueue_dma source(%dma_start3A_27 : memref<640x128xf32, #tpu.memory_space<vmem_shared>>) target(%dma_start3A_25 : memref<640x128xf32, #tpu.memory_space<hbm>>) target_semaphore(%run_scoped3A : memref<!tpu.dma_semaphore, #tpu.memory_space<semaphore_mem>>)
      %dma_wait3A = arith.constant 0 : i32
      %dma_wait3A_28 = tpu.memref_slice %arg5[%arg0, %mul3A_23, %dma_wait3A] : memref<2x10240x128xf32, #tpu.memory_space<hbm>> -> memref<1x640x128xf32, #tpu.memory_space<hbm>>
      %dma_wait3A_29 = tpu.memref_squeeze %dma_wait3A_28 : memref<1x640x128xf32, #tpu.memory_space<hbm>> -> memref<640x128xf32, #tpu.memory_space<hbm>>
      %dma_wait3A_30 = arith.constant 0 : i32
      %dma_wait3A_31 = tpu.memref_slice %arg10[%mul3A_21, %dma_wait3A_30] : memref<10240x128xf32, #tpu.memory_space<vmem_shared>> -> memref<640x128xf32, #tpu.memory_space<vmem_shared>>
      tpu.wait_dma2 semaphore(%run_scoped3A : memref<!tpu.dma_semaphore, #tpu.memory_space<semaphore_mem>>) src(%dma_wait3A_31 : memref<640x128xf32, #tpu.memory_space<vmem_shared>>) dst(%dma_wait3A_29 : memref<640x128xf32, #tpu.memory_space<hbm>>)
      tpu.yield
    }) : () -> ()
    return
  }
}

#map = affine_map<(d0, d1) -> (0, 0)>
#map1 = affine_map<(d0, d1) -> (0, 0, 0)>
module attributes {stable_mosaic.version = 14 : i64} {
  func.func @_sc_aggregate(%arg0: i32, %arg1: i32, %arg2: memref<10000x128xf32, #tpu.memory_space<hbm>>, %arg3: memref<32x125x80xi32, #tpu.memory_space<hbm>>, %arg4: memref<32x125x80xi32, #tpu.memory_space<hbm>>, %arg5: memref<2x10240x128xf32, #tpu.memory_space<hbm>>, %arg6: memref<125x80xi32, #tpu.memory_space<vmem>>, %arg7: memref<125x80xi32, #tpu.memory_space<vmem>>, %arg8: memref<80x128xf32, #tpu.memory_space<vmem>>, %arg9: memref<32x128xf32, #tpu.memory_space<vmem>>, %arg10: memref<10240x128xf32, #tpu.memory_space<vmem_shared>>, %arg11: memref<!tpu.dma_semaphore, #tpu.memory_space<semaphore_mem>>) attributes {dimension_semantics = [#tpu.dimension_semantics<core_parallel>, #tpu.dimension_semantics<subcore_parallel>], iteration_bounds = array<i64: 2, 16>, scalar_prefetch = 0 : i64, scratch_operands = 6 : i64, tpu.core_type = #tpu.core_type<sc_vector_subcore>, window_params = [{transform_indices = #map}, {transform_indices = #map1}, {transform_indices = #map1}, {transform_indices = #map1}]} {
    %mul3A = arith.constant 16 : i32
    %mul3A_0 = arith.muli %arg0, %mul3A : i32
    %add3A = arith.addi %mul3A_0, %arg1 : i32
    %broadcast_in_dim3A = arith.constant 0.000000e+00 : f32
    %broadcast_in_dim3A_1 = vector.broadcast %broadcast_in_dim3A : f32 to vector<16xf32>
    %scan3A = arith.constant 0 : i32
    %scan3A_2 = arith.constant 0 : i32
    %scan3A_3 = arith.constant 32 : i32
    %scan3A_4 = arith.addi %scan3A_2, %scan3A_3 : i32
    %scan3A_5 = arith.constant 1 : i32
    scf.for %scan3A_24 = %scan3A_2 to %scan3A_4 step %scan3A_5  : i32 {
      %swap3A = arith.index_cast %scan3A_24 : i32 to index
      %swap3A_25 = arith.constant 0 : index
      %swap3A_26 = tpu.vector_load %arg9[%swap3A, %swap3A_25] {strides = array<i32>} : memref<32x128xf32, #tpu.memory_space<vmem>>, vector<1x16xf32>,
      %swap3A_27 = vector.shape_cast %swap3A_26 : vector<1x16xf32> to vector<16xf32>
      %swap3A_28 = vector.shape_cast %broadcast_in_dim3A_1 : vector<16xf32> to vector<1x16xf32>
      tpu.vector_store %arg9[%swap3A, %swap3A_25], %swap3A_28 {strides = array<i32>} : memref<32x128xf32, #tpu.memory_space<vmem>>, vector<1x16xf32>,
      %swap3A_29 = arith.index_cast %scan3A_24 : i32 to index
      %swap3A_30 = arith.constant 16 : index
      %swap3A_31 = tpu.vector_load %arg9[%swap3A_29, %swap3A_30] {strides = array<i32>} : memref<32x128xf32, #tpu.memory_space<vmem>>, vector<1x16xf32>,
      %swap3A_32 = vector.shape_cast %swap3A_31 : vector<1x16xf32> to vector<16xf32>
      %swap3A_33 = vector.shape_cast %broadcast_in_dim3A_1 : vector<16xf32> to vector<1x16xf32>
      tpu.vector_store %arg9[%swap3A_29, %swap3A_30], %swap3A_33 {strides = array<i32>} : memref<32x128xf32, #tpu.memory_space<vmem>>, vector<1x16xf32>,
      %swap3A_34 = arith.index_cast %scan3A_24 : i32 to index
      %swap3A_35 = arith.constant 32 : index
      %swap3A_36 = tpu.vector_load %arg9[%swap3A_34, %swap3A_35] {strides = array<i32>} : memref<32x128xf32, #tpu.memory_space<vmem>>, vector<1x16xf32>,
      %swap3A_37 = vector.shape_cast %swap3A_36 : vector<1x16xf32> to vector<16xf32>
      %swap3A_38 = vector.shape_cast %broadcast_in_dim3A_1 : vector<16xf32> to vector<1x16xf32>
      tpu.vector_store %arg9[%swap3A_34, %swap3A_35], %swap3A_38 {strides = array<i32>} : memref<32x128xf32, #tpu.memory_space<vmem>>, vector<1x16xf32>,
      %swap3A_39 = arith.index_cast %scan3A_24 : i32 to index
      %swap3A_40 = arith.constant 48 : index
      %swap3A_41 = tpu.vector_load %arg9[%swap3A_39, %swap3A_40] {strides = array<i32>} : memref<32x128xf32, #tpu.memory_space<vmem>>, vector<1x16xf32>,
      %swap3A_42 = vector.shape_cast %swap3A_41 : vector<1x16xf32> to vector<16xf32>
      %swap3A_43 = vector.shape_cast %broadcast_in_dim3A_1 : vector<16xf32> to vector<1x16xf32>
      tpu.vector_store %arg9[%swap3A_39, %swap3A_40], %swap3A_43 {strides = array<i32>} : memref<32x128xf32, #tpu.memory_space<vmem>>, vector<1x16xf32>,
      %swap3A_44 = arith.index_cast %scan3A_24 : i32 to index
      %swap3A_45 = arith.constant 64 : index
      %swap3A_46 = tpu.vector_load %arg9[%swap3A_44, %swap3A_45] {strides = array<i32>} : memref<32x128xf32, #tpu.memory_space<vmem>>, vector<1x16xf32>,
      %swap3A_47 = vector.shape_cast %swap3A_46 : vector<1x16xf32> to vector<16xf32>
      %swap3A_48 = vector.shape_cast %broadcast_in_dim3A_1 : vector<16xf32> to vector<1x16xf32>
      tpu.vector_store %arg9[%swap3A_44, %swap3A_45], %swap3A_48 {strides = array<i32>} : memref<32x128xf32, #tpu.memory_space<vmem>>, vector<1x16xf32>,
      %swap3A_49 = arith.index_cast %scan3A_24 : i32 to index
      %swap3A_50 = arith.constant 80 : index
      %swap3A_51 = tpu.vector_load %arg9[%swap3A_49, %swap3A_50] {strides = array<i32>} : memref<32x128xf32, #tpu.memory_space<vmem>>, vector<1x16xf32>,
      %swap3A_52 = vector.shape_cast %swap3A_51 : vector<1x16xf32> to vector<16xf32>
      %swap3A_53 = vector.shape_cast %broadcast_in_dim3A_1 : vector<16xf32> to vector<1x16xf32>
      tpu.vector_store %arg9[%swap3A_49, %swap3A_50], %swap3A_53 {strides = array<i32>} : memref<32x128xf32, #tpu.memory_space<vmem>>, vector<1x16xf32>,
      %swap3A_54 = arith.index_cast %scan3A_24 : i32 to index
      %swap3A_55 = arith.constant 96 : index
      %swap3A_56 = tpu.vector_load %arg9[%swap3A_54, %swap3A_55] {strides = array<i32>} : memref<32x128xf32, #tpu.memory_space<vmem>>, vector<1x16xf32>,
      %swap3A_57 = vector.shape_cast %swap3A_56 : vector<1x16xf32> to vector<16xf32>
      %swap3A_58 = vector.shape_cast %broadcast_in_dim3A_1 : vector<16xf32> to vector<1x16xf32>
      tpu.vector_store %arg9[%swap3A_54, %swap3A_55], %swap3A_58 {strides = array<i32>} : memref<32x128xf32, #tpu.memory_space<vmem>>, vector<1x16xf32>,
      %swap3A_59 = arith.index_cast %scan3A_24 : i32 to index
      %swap3A_60 = arith.constant 112 : index
      %swap3A_61 = tpu.vector_load %arg9[%swap3A_59, %swap3A_60] {strides = array<i32>} : memref<32x128xf32, #tpu.memory_space<vmem>>, vector<1x16xf32>,
      %swap3A_62 = vector.shape_cast %swap3A_61 : vector<1x16xf32> to vector<16xf32>
      %swap3A_63 = vector.shape_cast %broadcast_in_dim3A_1 : vector<16xf32> to vector<1x16xf32>
      tpu.vector_store %arg9[%swap3A_59, %swap3A_60], %swap3A_63 {strides = array<i32>} : memref<32x128xf32, #tpu.memory_space<vmem>>, vector<1x16xf32>,
    }
    %scan3A_6 = arith.constant 32 : i32
    %scan3A_7 = arith.constant 0 : i32
    %scan3A_8 = arith.constant 0 : i32
    %scan3A_9 = arith.constant 20 : i32
    %scan3A_10 = arith.addi %scan3A_8, %scan3A_9 : i32
    %scan3A_11 = arith.constant 1 : i32
    scf.for %scan3A_24 = %scan3A_8 to %scan3A_10 step %scan3A_11  : i32 {
      %mul3A_25 = arith.constant 640 : i32
      %mul3A_26 = arith.muli %arg1, %mul3A_25 : i32
      %mul3A_27 = arith.constant 32 : i32
      %mul3A_28 = arith.muli %scan3A_24, %mul3A_27 : i32
      %add3A_29 = arith.addi %mul3A_26, %mul3A_28 : i32
      "tpu.region"() ({
        %run_scoped3A = tpu.sem_alloc : memref<!tpu.dma_semaphore, #tpu.memory_space<semaphore_mem>>
        %dma_start3A = arith.constant 0 : i32
        %dma_start3A_30 = tpu.memref_slice %arg10[%add3A_29, %dma_start3A] : memref<10240x128xf32, #tpu.memory_space<vmem_shared>> -> memref<32x128xf32, #tpu.memory_space<vmem_shared>>
        %dma_start3A_31 = arith.constant 0 : i32
        %dma_start3A_32 = tpu.memref_slice %arg10[%add3A_29, %dma_start3A_31] : memref<10240x128xf32, #tpu.memory_space<vmem_shared>> -> memref<32x128xf32, #tpu.memory_space<vmem_shared>>
        tpu.enqueue_dma source(%arg9 : memref<32x128xf32, #tpu.memory_space<vmem>>) target(%dma_start3A_32 : memref<32x128xf32, #tpu.memory_space<vmem_shared>>) target_semaphore(%run_scoped3A : memref<!tpu.dma_semaphore, #tpu.memory_space<semaphore_mem>>)
        %dma_wait3A = arith.constant 0 : i32
        %dma_wait3A_33 = tpu.memref_slice %arg10[%add3A_29, %dma_wait3A] : memref<10240x128xf32, #tpu.memory_space<vmem_shared>> -> memref<32x128xf32, #tpu.memory_space<vmem_shared>>
        %dma_wait3A_34 = arith.constant 0 : i32
        %dma_wait3A_35 = tpu.memref_slice %arg10[%add3A_29, %dma_wait3A_34] : memref<10240x128xf32, #tpu.memory_space<vmem_shared>> -> memref<32x128xf32, #tpu.memory_space<vmem_shared>>
        tpu.wait_dma2 semaphore(%run_scoped3A : memref<!tpu.dma_semaphore, #tpu.memory_space<semaphore_mem>>) src(%arg9 : memref<32x128xf32, #tpu.memory_space<vmem>>) dst(%dma_wait3A_35 : memref<32x128xf32, #tpu.memory_space<vmem_shared>>)
        tpu.yield
      }) : () -> ()
    }
    %scan3A_12 = arith.constant 20 : i32
    "tpu.region"() ({
      %run_scoped3A = tpu.sem_alloc : memref<!tpu.dma_semaphore, #tpu.memory_space<semaphore_mem>>
      %dma_start3A = arith.constant 0 : i32
      %dma_start3A_24 = arith.constant 0 : i32
      %dma_start3A_25 = tpu.memref_slice %arg3[%add3A, %dma_start3A, %dma_start3A_24] : memref<32x125x80xi32, #tpu.memory_space<hbm>> -> memref<1x125x80xi32, #tpu.memory_space<hbm>>
      %dma_start3A_26 = tpu.memref_squeeze %dma_start3A_25 : memref<1x125x80xi32, #tpu.memory_space<hbm>> -> memref<125x80xi32, #tpu.memory_space<hbm>>
      %dma_start3A_27 = arith.constant 0 : i32
      %dma_start3A_28 = arith.constant 0 : i32
      %dma_start3A_29 = tpu.memref_slice %arg3[%add3A, %dma_start3A_27, %dma_start3A_28] : memref<32x125x80xi32, #tpu.memory_space<hbm>> -> memref<1x125x80xi32, #tpu.memory_space<hbm>>
      %dma_start3A_30 = tpu.memref_squeeze %dma_start3A_29 : memref<1x125x80xi32, #tpu.memory_space<hbm>> -> memref<125x80xi32, #tpu.memory_space<hbm>>
      tpu.enqueue_dma source(%dma_start3A_30 : memref<125x80xi32, #tpu.memory_space<hbm>>) target(%arg6 : memref<125x80xi32, #tpu.memory_space<vmem>>) target_semaphore(%run_scoped3A : memref<!tpu.dma_semaphore, #tpu.memory_space<semaphore_mem>>)
      %dma_wait3A = arith.constant 0 : i32
      %dma_wait3A_31 = arith.constant 0 : i32
      %dma_wait3A_32 = tpu.memref_slice %arg3[%add3A, %dma_wait3A, %dma_wait3A_31] : memref<32x125x80xi32, #tpu.memory_space<hbm>> -> memref<1x125x80xi32, #tpu.memory_space<hbm>>
      %dma_wait3A_33 = tpu.memref_squeeze %dma_wait3A_32 : memref<1x125x80xi32, #tpu.memory_space<hbm>> -> memref<125x80xi32, #tpu.memory_space<hbm>>
      %dma_wait3A_34 = arith.constant 0 : i32
      %dma_wait3A_35 = arith.constant 0 : i32
      %dma_wait3A_36 = tpu.memref_slice %arg3[%add3A, %dma_wait3A_34, %dma_wait3A_35] : memref<32x125x80xi32, #tpu.memory_space<hbm>> -> memref<1x125x80xi32, #tpu.memory_space<hbm>>
      %dma_wait3A_37 = tpu.memref_squeeze %dma_wait3A_36 : memref<1x125x80xi32, #tpu.memory_space<hbm>> -> memref<125x80xi32, #tpu.memory_space<hbm>>
      tpu.wait_dma2 semaphore(%run_scoped3A : memref<!tpu.dma_semaphore, #tpu.memory_space<semaphore_mem>>) src(%dma_wait3A_37 : memref<125x80xi32, #tpu.memory_space<hbm>>) dst(%arg6 : memref<125x80xi32, #tpu.memory_space<vmem>>)
      tpu.yield
    }) : () -> ()
    "tpu.region"() ({
      %run_scoped3A = tpu.sem_alloc : memref<!tpu.dma_semaphore, #tpu.memory_space<semaphore_mem>>
      %dma_start3A = arith.constant 0 : i32
      %dma_start3A_24 = arith.constant 0 : i32
      %dma_start3A_25 = tpu.memref_slice %arg4[%add3A, %dma_start3A, %dma_start3A_24] : memref<32x125x80xi32, #tpu.memory_space<hbm>> -> memref<1x125x80xi32, #tpu.memory_space<hbm>>
      %dma_start3A_26 = tpu.memref_squeeze %dma_start3A_25 : memref<1x125x80xi32, #tpu.memory_space<hbm>> -> memref<125x80xi32, #tpu.memory_space<hbm>>
      %dma_start3A_27 = arith.constant 0 : i32
      %dma_start3A_28 = arith.constant 0 : i32
      %dma_start3A_29 = tpu.memref_slice %arg4[%add3A, %dma_start3A_27, %dma_start3A_28] : memref<32x125x80xi32, #tpu.memory_space<hbm>> -> memref<1x125x80xi32, #tpu.memory_space<hbm>>
      %dma_start3A_30 = tpu.memref_squeeze %dma_start3A_29 : memref<1x125x80xi32, #tpu.memory_space<hbm>> -> memref<125x80xi32, #tpu.memory_space<hbm>>
      tpu.enqueue_dma source(%dma_start3A_30 : memref<125x80xi32, #tpu.memory_space<hbm>>) target(%arg7 : memref<125x80xi32, #tpu.memory_space<vmem>>) target_semaphore(%run_scoped3A : memref<!tpu.dma_semaphore, #tpu.memory_space<semaphore_mem>>)
      %dma_wait3A = arith.constant 0 : i32
      %dma_wait3A_31 = arith.constant 0 : i32
      %dma_wait3A_32 = tpu.memref_slice %arg4[%add3A, %dma_wait3A, %dma_wait3A_31] : memref<32x125x80xi32, #tpu.memory_space<hbm>> -> memref<1x125x80xi32, #tpu.memory_space<hbm>>
      %dma_wait3A_33 = tpu.memref_squeeze %dma_wait3A_32 : memref<1x125x80xi32, #tpu.memory_space<hbm>> -> memref<125x80xi32, #tpu.memory_space<hbm>>
      %dma_wait3A_34 = arith.constant 0 : i32
      %dma_wait3A_35 = arith.constant 0 : i32
      %dma_wait3A_36 = tpu.memref_slice %arg4[%add3A, %dma_wait3A_34, %dma_wait3A_35] : memref<32x125x80xi32, #tpu.memory_space<hbm>> -> memref<1x125x80xi32, #tpu.memory_space<hbm>>
      %dma_wait3A_37 = tpu.memref_squeeze %dma_wait3A_36 : memref<1x125x80xi32, #tpu.memory_space<hbm>> -> memref<125x80xi32, #tpu.memory_space<hbm>>
      tpu.wait_dma2 semaphore(%run_scoped3A : memref<!tpu.dma_semaphore, #tpu.memory_space<semaphore_mem>>) src(%dma_wait3A_37 : memref<125x80xi32, #tpu.memory_space<hbm>>) dst(%arg7 : memref<125x80xi32, #tpu.memory_space<vmem>>)
      tpu.yield
    }) : () -> ()
    %barrier3A = arith.constant 0 : index
    tpu.barrier barrier_id(%barrier3A)
    %scan3A_13 = arith.constant 0 : i32
    %scan3A_14 = arith.constant 0 : i32
    %scan3A_15 = arith.constant 125 : i32
    %scan3A_16 = arith.addi %scan3A_14, %scan3A_15 : i32
    %scan3A_17 = arith.constant 1 : i32
    scf.for %scan3A_24 = %scan3A_14 to %scan3A_16 step %scan3A_17  : i32 {
      %dma_start3A = arith.constant 0 : i32
      %dma_start3A_25 = tpu.memref_slice %arg6[%scan3A_24, %dma_start3A] : memref<125x80xi32, #tpu.memory_space<vmem>> -> memref<1x80xi32, #tpu.memory_space<vmem>>
      %dma_start3A_26 = tpu.memref_squeeze %dma_start3A_25 : memref<1x80xi32, #tpu.memory_space<vmem>> -> memref<80xi32, #tpu.memory_space<vmem>>
      %dma_start3A_27 = arith.constant 0 : i32
      %dma_start3A_28 = arith.constant 0 : i32
      %dma_start3A_29 = tpu.memref_slice %arg2[%dma_start3A_27, %dma_start3A_28] : memref<10000x128xf32, #tpu.memory_space<hbm>> -> memref<10000x128xf32, #tpu.memory_space<hbm>>
      tpu.enqueue_indirect_dma source(%dma_start3A_29 : memref<10000x128xf32, #tpu.memory_space<hbm>>) target(%arg8 : memref<80x128xf32, #tpu.memory_space<vmem>>) offsets(%dma_start3A_26 : memref<80xi32, #tpu.memory_space<vmem>>) semaphore(%arg11 : memref<!tpu.dma_semaphore, #tpu.memory_space<semaphore_mem>>)
      %dma_wait3A = arith.constant 0 : i32
      %dma_wait3A_30 = tpu.memref_slice %arg6[%scan3A_24, %dma_wait3A] : memref<125x80xi32, #tpu.memory_space<vmem>> -> memref<1x80xi32, #tpu.memory_space<vmem>>
      %dma_wait3A_31 = tpu.memref_squeeze %dma_wait3A_30 : memref<1x80xi32, #tpu.memory_space<vmem>> -> memref<80xi32, #tpu.memory_space<vmem>>
      %dma_wait3A_32 = arith.constant 0 : i32
      %dma_wait3A_33 = arith.constant 0 : i32
      %dma_wait3A_34 = tpu.memref_slice %arg2[%dma_wait3A_32, %dma_wait3A_33] : memref<10000x128xf32, #tpu.memory_space<hbm>> -> memref<10000x128xf32, #tpu.memory_space<hbm>>
      tpu.wait_indirect_dma semaphore(%arg11 : memref<!tpu.dma_semaphore, #tpu.memory_space<semaphore_mem>>) src(%dma_wait3A_34 : memref<10000x128xf32, #tpu.memory_space<hbm>>) dst(%arg8 : memref<80x128xf32, #tpu.memory_space<vmem>>)
      "tpu.region"() ({
        %run_scoped3A = tpu.sem_alloc : memref<!tpu.dma_semaphore, #tpu.memory_space<semaphore_mem>>
        %dma_start3A_35 = arith.constant 0 : i32
        %dma_start3A_36 = tpu.memref_slice %arg7[%scan3A_24, %dma_start3A_35] : memref<125x80xi32, #tpu.memory_space<vmem>> -> memref<1x80xi32, #tpu.memory_space<vmem>>
        %dma_start3A_37 = tpu.memref_squeeze %dma_start3A_36 : memref<1x80xi32, #tpu.memory_space<vmem>> -> memref<80xi32, #tpu.memory_space<vmem>>
        %dma_start3A_38 = arith.constant 0 : i32
        %dma_start3A_39 = arith.constant 0 : i32
        %dma_start3A_40 = tpu.memref_slice %arg10[%dma_start3A_38, %dma_start3A_39] : memref<10240x128xf32, #tpu.memory_space<vmem_shared>> -> memref<10240x128xf32, #tpu.memory_space<vmem_shared>>
        tpu.enqueue_indirect_dma source(%arg8 : memref<80x128xf32, #tpu.memory_space<vmem>>) target(%dma_start3A_40 : memref<10240x128xf32, #tpu.memory_space<vmem_shared>>) offsets(%dma_start3A_37 : memref<80xi32, #tpu.memory_space<vmem>>) semaphore(%run_scoped3A : memref<!tpu.dma_semaphore, #tpu.memory_space<semaphore_mem>>) {add = true}
        %dma_wait3A_41 = arith.constant 0 : i32
        %dma_wait3A_42 = tpu.memref_slice %arg7[%scan3A_24, %dma_wait3A_41] : memref<125x80xi32, #tpu.memory_space<vmem>> -> memref<1x80xi32, #tpu.memory_space<vmem>>
        %dma_wait3A_43 = tpu.memref_squeeze %dma_wait3A_42 : memref<1x80xi32, #tpu.memory_space<vmem>> -> memref<80xi32, #tpu.memory_space<vmem>>
        %dma_wait3A_44 = arith.constant 0 : i32
        %dma_wait3A_45 = arith.constant 0 : i32
        %dma_wait3A_46 = tpu.memref_slice %arg10[%dma_wait3A_44, %dma_wait3A_45] : memref<10240x128xf32, #tpu.memory_space<vmem_shared>> -> memref<10240x128xf32, #tpu.memory_space<vmem_shared>>
        tpu.wait_indirect_dma semaphore(%run_scoped3A : memref<!tpu.dma_semaphore, #tpu.memory_space<semaphore_mem>>) src(%arg8 : memref<80x128xf32, #tpu.memory_space<vmem>>) dst(%dma_wait3A_46 : memref<10240x128xf32, #tpu.memory_space<vmem_shared>>)
        tpu.yield
      }) : () -> ()
    }
    %scan3A_18 = arith.constant 125 : i32
    %barrier3A_19 = arith.constant 0 : index
    tpu.barrier barrier_id(%barrier3A_19)
    %mul3A_20 = arith.constant 640 : i32
    %mul3A_21 = arith.muli %arg1, %mul3A_20 : i32
    %mul3A_22 = arith.constant 640 : i32
    %mul3A_23 = arith.muli %arg1, %mul3A_22 : i32
    "tpu.region"() ({
      %run_scoped3A = tpu.sem_alloc : memref<!tpu.dma_semaphore, #tpu.memory_space<semaphore_mem>>
      %dma_start3A = arith.constant 0 : i32
      %dma_start3A_24 = tpu.memref_slice %arg5[%arg0, %mul3A_23, %dma_start3A] : memref<2x10240x128xf32, #tpu.memory_space<hbm>> -> memref<1x640x128xf32, #tpu.memory_space<hbm>>
      %dma_start3A_25 = tpu.memref_squeeze %dma_start3A_24 : memref<1x640x128xf32, #tpu.memory_space<hbm>> -> memref<640x128xf32, #tpu.memory_space<hbm>>
      %dma_start3A_26 = arith.constant 0 : i32
      %dma_start3A_27 = tpu.memref_slice %arg10[%mul3A_21, %dma_start3A_26] : memref<10240x128xf32, #tpu.memory_space<vmem_shared>> -> memref<640x128xf32, #tpu.memory_space<vmem_shared>>
      tpu.enqueue_dma source(%dma_start3A_27 : memref<640x128xf32, #tpu.memory_space<vmem_shared>>) target(%dma_start3A_25 : memref<640x128xf32, #tpu.memory_space<hbm>>) target_semaphore(%run_scoped3A : memref<!tpu.dma_semaphore, #tpu.memory_space<semaphore_mem>>)
      %dma_wait3A = arith.constant 0 : i32
      %dma_wait3A_28 = tpu.memref_slice %arg5[%arg0, %mul3A_23, %dma_wait3A] : memref<2x10240x128xf32, #tpu.memory_space<hbm>> -> memref<1x640x128xf32, #tpu.memory_space<hbm>>
      %dma_wait3A_29 = tpu.memref_squeeze %dma_wait3A_28 : memref<1x640x128xf32, #tpu.memory_space<hbm>> -> memref<640x128xf32, #tpu.memory_space<hbm>>
      %dma_wait3A_30 = arith.constant 0 : i32
      %dma_wait3A_31 = tpu.memref_slice %arg10[%mul3A_21, %dma_wait3A_30] : memref<10240x128xf32, #tpu.memory_space<vmem_shared>> -> memref<640x128xf32, #tpu.memory_space<vmem_shared>>
      tpu.wait_dma2 semaphore(%run_scoped3A : memref<!tpu.dma_semaphore, #tpu.memory_space<semaphore_mem>>) src(%dma_wait3A_31 : memref<640x128xf32, #tpu.memory_space<vmem_shared>>) dst(%dma_wait3A_29 : memref<640x128xf32, #tpu.memory_space<hbm>>)
      tpu.yield
    }) : () -> ()
    return
  }
}

module attributes {stable_mosaic.version = 14 : i64} {
  func.func @_mlp_body(%arg0: i32, %arg1: memref<1x1xf32, #tpu.memory_space<vmem>>, %arg2: memref<2000x128xf32, #tpu.memory_space<vmem>>, %arg3: memref<1x2000x128xf32, #tpu.memory_space<vmem>>, %arg4: memref<1x2000x128xf32, #tpu.memory_space<vmem>>, %arg5: memref<128x128xf32, #tpu.memory_space<vmem>>, %arg6: memref<1x128xf32, #tpu.memory_space<vmem>>, %arg7: memref<128x128xf32, #tpu.memory_space<vmem>>, %arg8: memref<1x128xf32, #tpu.memory_space<vmem>>, %arg9: memref<2000x128xf32, #tpu.memory_space<vmem>>) attributes {dimension_semantics = [#tpu.dimension_semantics<arbitrary>], iteration_bounds = array<i64: 5>, scalar_prefetch = 0 : i64, scratch_operands = 0 : i64, tpu.core_type = #tpu.core_type<tc>, window_params = [{pipeline_mode = #tpu.pipeline_mode<synchronous>, transform_indices = @transform_0, window_bounds = array<i64: 1, 1>}, {transform_indices = @transform_1, window_bounds = array<i64: 2000, 128>}, {transform_indices = @transform_2, window_bounds = array<i64: 1, 2000, 128>}, {transform_indices = @transform_3, window_bounds = array<i64: 1, 2000, 128>}, {pipeline_mode = #tpu.pipeline_mode<synchronous>, transform_indices = @transform_4, window_bounds = array<i64: 128, 128>}, {pipeline_mode = #tpu.pipeline_mode<synchronous>, transform_indices = @transform_5, window_bounds = array<i64: 1, 128>}, {pipeline_mode = #tpu.pipeline_mode<synchronous>, transform_indices = @transform_6, window_bounds = array<i64: 128, 128>}, {pipeline_mode = #tpu.pipeline_mode<synchronous>, transform_indices = @transform_7, window_bounds = array<i64: 1, 128>}, {transform_indices = @transform_8, window_bounds = array<i64: 2000, 128>}]} {
    %get3A = arith.constant 0 : index
    %get3A_0 = arith.constant 0 : index
    %get3A_1 = vector.load %arg2[%get3A, %get3A_0] : memref<2000x128xf32, #tpu.memory_space<vmem>>, vector<2000x128xf32>
    %get3A_2 = arith.constant 0 : index
    %get3A_3 = arith.constant 0 : index
    %get3A_4 = vector.load %arg1[%get3A_2, %get3A_3] : memref<1x1xf32, #tpu.memory_space<vmem>>, vector<1x1xf32>
    %get3A_5 = vector.extract %get3A_4[0, 0] : f32 from vector<1x1xf32>
    %mul3A = vector.broadcast %get3A_5 : f32 to vector<2000x128xf32>
    %mul3A_6 = arith.mulf %get3A_1, %mul3A : vector<2000x128xf32>
    %get3A_7 = arith.constant 0 : index
    %get3A_8 = arith.constant 0 : index
    %get3A_9 = arith.constant 0 : index
    %get3A_10 = vector.load %arg3[%get3A_7, %get3A_8, %get3A_9] : memref<1x2000x128xf32, #tpu.memory_space<vmem>>, vector<1x2000x128xf32>
    %get3A_11 = vector.shape_cast %get3A_10 : vector<1x2000x128xf32> to vector<2000x128xf32>
    %add3A = arith.addf %mul3A_6, %get3A_11 : vector<2000x128xf32>
    %get3A_12 = arith.constant 0 : index
    %get3A_13 = arith.constant 0 : index
    %get3A_14 = arith.constant 0 : index
    %get3A_15 = vector.load %arg4[%get3A_12, %get3A_13, %get3A_14] : memref<1x2000x128xf32, #tpu.memory_space<vmem>>, vector<1x2000x128xf32>
    %get3A_16 = vector.shape_cast %get3A_15 : vector<1x2000x128xf32> to vector<2000x128xf32>
    %add3A_17 = arith.addf %add3A, %get3A_16 : vector<2000x128xf32>
    %get3A_18 = arith.constant 0 : index
    %get3A_19 = arith.constant 0 : index
    %get3A_20 = vector.load %arg5[%get3A_18, %get3A_19] : memref<128x128xf32, #tpu.memory_space<vmem>>, vector<128x128xf32>
    %dot_general3A = arith.constant dense<0.000000e+00> : vector<2000x128xf32>
    %dot_general3A_21 = tpu.matmul %add3A_17, %get3A_20, %dot_general3A {dimension_numbers = #tpu.dot_dimension_numbers<[1], [0], [0], [1], [0, 0, 1, 1], [], []>, transpose_lhs_hint = false} : vector<2000x128xf32>, vector<128x128xf32>, vector<2000x128xf32> -> vector<2000x128xf32>
    %get3A_22 = arith.constant 0 : index
    %get3A_23 = arith.constant 0 : index
    %get3A_24 = vector.load %arg6[%get3A_22, %get3A_23] : memref<1x128xf32, #tpu.memory_space<vmem>>, vector<1x128xf32>
    %add3A_25 = vector.broadcast %get3A_24 : vector<1x128xf32> to vector<2000x128xf32>
    %add3A_26 = arith.addf %dot_general3A_21, %add3A_25 : vector<2000x128xf32>
    %max3A = arith.constant 0.000000e+00 : f32
    %max3A_27 = vector.broadcast %max3A : f32 to vector<2000x128xf32>
    %max3A_28 = arith.maximumf %add3A_26, %max3A_27 : vector<2000x128xf32>
    %get3A_29 = arith.constant 0 : index
    %get3A_30 = arith.constant 0 : index
    %get3A_31 = vector.load %arg7[%get3A_29, %get3A_30] : memref<128x128xf32, #tpu.memory_space<vmem>>, vector<128x128xf32>
    %dot_general3A_32 = arith.constant dense<0.000000e+00> : vector<2000x128xf32>
    %dot_general3A_33 = tpu.matmul %max3A_28, %get3A_31, %dot_general3A_32 {dimension_numbers = #tpu.dot_dimension_numbers<[1], [0], [0], [1], [0, 0, 1, 1], [], []>, transpose_lhs_hint = false} : vector<2000x128xf32>, vector<128x128xf32>, vector<2000x128xf32> -> vector<2000x128xf32>
    %get3A_34 = arith.constant 0 : index
    %get3A_35 = arith.constant 0 : index
    %get3A_36 = vector.load %arg8[%get3A_34, %get3A_35] : memref<1x128xf32, #tpu.memory_space<vmem>>, vector<1x128xf32>
    %add3A_37 = vector.broadcast %get3A_36 : vector<1x128xf32> to vector<2000x128xf32>
    %add3A_38 = arith.addf %dot_general3A_33, %add3A_37 : vector<2000x128xf32>
    %max3A_39 = arith.constant 0.000000e+00 : f32
    %max3A_40 = vector.broadcast %max3A_39 : f32 to vector<2000x128xf32>
    %max3A_41 = arith.maximumf %add3A_38, %max3A_40 : vector<2000x128xf32>
    %swap3A = arith.constant 0 : index
    %swap3A_42 = arith.constant 0 : index
    %swap3A_43 = vector.load %arg9[%swap3A, %swap3A_42] : memref<2000x128xf32, #tpu.memory_space<vmem>>, vector<2000x128xf32>
    tpu.vector_store %arg9[%swap3A, %swap3A_42], %max3A_41 {strides = array<i32>} : memref<2000x128xf32, #tpu.memory_space<vmem>>, vector<2000x128xf32>,
    return
  }
  func.func @transform_0(%arg0: i32) -> (i32, i32) {
    %c0_i32 = arith.constant 0 : i32
    %c0_i32_0 = arith.constant 0 : i32
    %c0_i32_1 = arith.constant 0 : i32
    return %c0_i32, %c0_i32_0 : i32, i32
  }
  func.func @transform_1(%arg0: i32) -> (i32, i32) {
    %c0_i32 = arith.constant 0 : i32
    %c0_i32_0 = arith.constant 0 : i32
    return %arg0, %c0_i32 : i32, i32
  }
  func.func @transform_2(%arg0: i32) -> (i32, i32, i32) {
    %c0_i32 = arith.constant 0 : i32
    %c0_i32_0 = arith.constant 0 : i32
    %c0_i32_1 = arith.constant 0 : i32
    return %c0_i32, %arg0, %c0_i32_0 : i32, i32, i32
  }
  func.func @transform_3(%arg0: i32) -> (i32, i32, i32) {
    %c1_i32 = arith.constant 1 : i32
    %c0_i32 = arith.constant 0 : i32
    %c0_i32_0 = arith.constant 0 : i32
    return %c1_i32, %arg0, %c0_i32 : i32, i32, i32
  }
  func.func @transform_4(%arg0: i32) -> (i32, i32) {
    %c0_i32 = arith.constant 0 : i32
    %c0_i32_0 = arith.constant 0 : i32
    %c0_i32_1 = arith.constant 0 : i32
    return %c0_i32, %c0_i32_0 : i32, i32
  }
  func.func @transform_5(%arg0: i32) -> (i32, i32) {
    %c0_i32 = arith.constant 0 : i32
    %c0_i32_0 = arith.constant 0 : i32
    %c0_i32_1 = arith.constant 0 : i32
    return %c0_i32, %c0_i32_0 : i32, i32
  }
  func.func @transform_6(%arg0: i32) -> (i32, i32) {
    %c0_i32 = arith.constant 0 : i32
    %c0_i32_0 = arith.constant 0 : i32
    %c0_i32_1 = arith.constant 0 : i32
    return %c0_i32, %c0_i32_0 : i32, i32
  }
  func.func @transform_7(%arg0: i32) -> (i32, i32) {
    %c0_i32 = arith.constant 0 : i32
    %c0_i32_0 = arith.constant 0 : i32
    %c0_i32_1 = arith.constant 0 : i32
    return %c0_i32, %c0_i32_0 : i32, i32
  }
  func.func @transform_8(%arg0: i32) -> (i32, i32) {
    %c0_i32 = arith.constant 0 : i32
    %c0_i32_0 = arith.constant 0 : i32
    return %arg0, %c0_i32 : i32, i32
  }
}

module attributes {stable_mosaic.version = 14 : i64} {
  func.func @_head_body(%arg0: i32, %arg1: memref<1000x128xf32, #tpu.memory_space<vmem>>, %arg2: memref<1000x1xi32, #tpu.memory_space<vmem>>, %arg3: memref<128x128xf32, #tpu.memory_space<vmem>>, %arg4: memref<1x128xf32, #tpu.memory_space<vmem>>, %arg5: memref<128x128xf32, #tpu.memory_space<vmem>>, %arg6: memref<1x128xf32, #tpu.memory_space<vmem>>, %arg7: memref<64x128xf32, #tpu.memory_space<vmem>>, %arg8: memref<64x256xf32, #tpu.memory_space<vmem>>) attributes {dimension_semantics = [#tpu.dimension_semantics<arbitrary>], iteration_bounds = array<i64: 10>, scalar_prefetch = 0 : i64, scratch_operands = 1 : i64, tpu.core_type = #tpu.core_type<tc>, window_params = [{transform_indices = @transform_0, window_bounds = array<i64: 1000, 128>}, {transform_indices = @transform_1, window_bounds = array<i64: 1000, 1>}, {pipeline_mode = #tpu.pipeline_mode<synchronous>, transform_indices = @transform_2, window_bounds = array<i64: 128, 128>}, {pipeline_mode = #tpu.pipeline_mode<synchronous>, transform_indices = @transform_3, window_bounds = array<i64: 1, 128>}, {pipeline_mode = #tpu.pipeline_mode<synchronous>, transform_indices = @transform_4, window_bounds = array<i64: 128, 128>}, {pipeline_mode = #tpu.pipeline_mode<synchronous>, transform_indices = @transform_5, window_bounds = array<i64: 1, 128>}, {pipeline_mode = #tpu.pipeline_mode<synchronous>, transform_indices = @transform_6, window_bounds = array<i64: 64, 128>}]} {
    %get3A = arith.constant 0 : index
    %get3A_0 = arith.constant 0 : index
    %get3A_1 = vector.load %arg1[%get3A, %get3A_0] : memref<1000x128xf32, #tpu.memory_space<vmem>>, vector<1000x128xf32>
    %get3A_2 = arith.constant 0 : index
    %get3A_3 = arith.constant 0 : index
    %get3A_4 = vector.load %arg3[%get3A_2, %get3A_3] : memref<128x128xf32, #tpu.memory_space<vmem>>, vector<128x128xf32>
    %dot_general3A = arith.constant dense<0.000000e+00> : vector<1000x128xf32>
    %dot_general3A_5 = tpu.matmul %get3A_1, %get3A_4, %dot_general3A {dimension_numbers = #tpu.dot_dimension_numbers<[1], [0], [0], [1], [0, 0, 1, 1], [], []>, transpose_lhs_hint = false} : vector<1000x128xf32>, vector<128x128xf32>, vector<1000x128xf32> -> vector<1000x128xf32>
    %get3A_6 = arith.constant 0 : index
    %get3A_7 = arith.constant 0 : index
    %get3A_8 = vector.load %arg4[%get3A_6, %get3A_7] : memref<1x128xf32, #tpu.memory_space<vmem>>, vector<1x128xf32>
    %add3A = vector.broadcast %get3A_8 : vector<1x128xf32> to vector<1000x128xf32>
    %add3A_9 = arith.addf %dot_general3A_5, %add3A : vector<1000x128xf32>
    %max3A = arith.constant 0.000000e+00 : f32
    %max3A_10 = vector.broadcast %max3A : f32 to vector<1000x128xf32>
    %max3A_11 = arith.maximumf %add3A_9, %max3A_10 : vector<1000x128xf32>
    %get3A_12 = arith.constant 0 : index
    %get3A_13 = arith.constant 0 : index
    %get3A_14 = vector.load %arg2[%get3A_12, %get3A_13] : memref<1000x1xi32, #tpu.memory_space<vmem>>, vector<1000x1xi32>
    %iota3A = tpu.iota {dimensions = array<i32: 1>} : vector<1x64xi32>
    %eq3A = vector.broadcast %get3A_14 : vector<1000x1xi32> to vector<1000x64xi32>
    %eq3A_15 = vector.broadcast %iota3A : vector<1x64xi32> to vector<1000x64xi32>
    %eq3A_16 = arith.cmpi eq, %eq3A, %eq3A_15 : vector<1000x64xi32>
    %convert_element_type3A = arith.extui %eq3A_16 : vector<1000x64xi1> to vector<1000x64xi32>
    %convert_element_type3A_17 = arith.sitofp %convert_element_type3A : vector<1000x64xi32> to vector<1000x64xf32>
    %broadcast_in_dim3A = arith.constant 1.000000e+00 : f32
    %broadcast_in_dim3A_18 = vector.broadcast %broadcast_in_dim3A : f32 to vector<1000x128xf32>
    %concatenate3A = tpu.concatenate %max3A_11, %broadcast_in_dim3A_18 in 1 : vector<1000x128xf32>, vector<1000x128xf32> -> vector<1000x256xf32>
    %dot_general3A_19 = arith.constant dense<0.000000e+00> : vector<64x256xf32>
    %dot_general3A_20 = tpu.matmul %convert_element_type3A_17, %concatenate3A, %dot_general3A_19 {dimension_numbers = #tpu.dot_dimension_numbers<[0], [0], [1], [1], [0, 1, 1, 1], [], []>, transpose_lhs_hint = false} : vector<1000x64xf32>, vector<1000x256xf32>, vector<64x256xf32> -> vector<64x256xf32>
    %eq3A_21 = arith.constant 0 : i32
    %eq3A_22 = arith.cmpi eq, %arg0, %eq3A_21 : i32
    %convert_element_type3A_23 = arith.extui %eq3A_22 : i1 to i32
    %cond3A = arith.constant 0 : i32
    %cond3A_24 = arith.cmpi ne, %convert_element_type3A_23, %cond3A : i32
    scf.if %cond3A_24 {
      %swap3A = arith.constant 0 : index
      %swap3A_34 = arith.constant 0 : index
      %swap3A_35 = vector.load %arg8[%swap3A, %swap3A_34] : memref<64x256xf32, #tpu.memory_space<vmem>>, vector<64x256xf32>
      tpu.vector_store %arg8[%swap3A, %swap3A_34], %dot_general3A_20 {strides = array<i32>} : memref<64x256xf32, #tpu.memory_space<vmem>>, vector<64x256xf32>,
    } else {
    }
    %gt3A = arith.constant 0 : i32
    %gt3A_25 = arith.cmpi sgt, %arg0, %gt3A : i32
    %convert_element_type3A_26 = arith.extui %gt3A_25 : i1 to i32
    %cond3A_27 = arith.constant 0 : i32
    %cond3A_28 = arith.cmpi ne, %convert_element_type3A_26, %cond3A_27 : i32
    scf.if %cond3A_28 {
      %get3A_34 = arith.constant 0 : index
      %get3A_35 = arith.constant 0 : index
      %get3A_36 = vector.load %arg8[%get3A_34, %get3A_35] : memref<64x256xf32, #tpu.memory_space<vmem>>, vector<64x256xf32>
      %add3A_37 = arith.addf %get3A_36, %dot_general3A_20 : vector<64x256xf32>
      %swap3A = arith.constant 0 : index
      %swap3A_38 = arith.constant 0 : index
      %swap3A_39 = vector.load %arg8[%swap3A, %swap3A_38] : memref<64x256xf32, #tpu.memory_space<vmem>>, vector<64x256xf32>
      tpu.vector_store %arg8[%swap3A, %swap3A_38], %add3A_37 {strides = array<i32>} : memref<64x256xf32, #tpu.memory_space<vmem>>, vector<64x256xf32>,
    } else {
    }
    %eq3A_29 = arith.constant 9 : i32
    %eq3A_30 = arith.cmpi eq, %arg0, %eq3A_29 : i32
    %convert_element_type3A_31 = arith.extui %eq3A_30 : i1 to i32
    %cond3A_32 = arith.constant 0 : i32
    %cond3A_33 = arith.cmpi ne, %convert_element_type3A_31, %cond3A_32 : i32
    scf.if %cond3A_33 {
      %get3A_34 = arith.constant 0 : index
      %get3A_35 = arith.constant 0 : index
      %get3A_36 = vector.load %arg8[%get3A_34, %get3A_35] : memref<64x256xf32, #tpu.memory_space<vmem>>, vector<64x128xf32>
      %get3A_37 = arith.constant 0 : index
      %get3A_38 = arith.constant 128 : index
      %get3A_39 = vector.load %arg8[%get3A_37, %get3A_38] : memref<64x256xf32, #tpu.memory_space<vmem>>, vector<64x128xf32>
      %max3A_40 = arith.constant 1.000000e+00 : f32
      %max3A_41 = vector.broadcast %max3A_40 : f32 to vector<64x128xf32>
      %max3A_42 = arith.maximumf %get3A_39, %max3A_41 : vector<64x128xf32>
      %div3A = arith.divf %get3A_36, %max3A_42 : vector<64x128xf32>
      %get3A_43 = arith.constant 0 : index
      %get3A_44 = arith.constant 0 : index
      %get3A_45 = vector.load %arg5[%get3A_43, %get3A_44] : memref<128x128xf32, #tpu.memory_space<vmem>>, vector<128x128xf32>
      %dot_general3A_46 = arith.constant dense<0.000000e+00> : vector<64x128xf32>
      %dot_general3A_47 = tpu.matmul %div3A, %get3A_45, %dot_general3A_46 {dimension_numbers = #tpu.dot_dimension_numbers<[1], [0], [0], [1], [0, 0, 1, 1], [], []>, transpose_lhs_hint = false} : vector<64x128xf32>, vector<128x128xf32>, vector<64x128xf32> -> vector<64x128xf32>
      %get3A_48 = arith.constant 0 : index
      %get3A_49 = arith.constant 0 : index
      %get3A_50 = vector.load %arg6[%get3A_48, %get3A_49] : memref<1x128xf32, #tpu.memory_space<vmem>>, vector<1x128xf32>
      %add3A_51 = vector.broadcast %get3A_50 : vector<1x128xf32> to vector<64x128xf32>
      %add3A_52 = arith.addf %dot_general3A_47, %add3A_51 : vector<64x128xf32>
      %swap3A = arith.constant 0 : index
      %swap3A_53 = arith.constant 0 : index
      %swap3A_54 = vector.load %arg7[%swap3A, %swap3A_53] : memref<64x128xf32, #tpu.memory_space<vmem>>, vector<64x128xf32>
      tpu.vector_store %arg7[%swap3A, %swap3A_53], %add3A_52 {strides = array<i32>} : memref<64x128xf32, #tpu.memory_space<vmem>>, vector<64x128xf32>,
    } else {
    }
    return
  }
  func.func @transform_0(%arg0: i32) -> (i32, i32) {
    %c0_i32 = arith.constant 0 : i32
    %c0_i32_0 = arith.constant 0 : i32
    return %arg0, %c0_i32 : i32, i32
  }
  func.func @transform_1(%arg0: i32) -> (i32, i32) {
    %c0_i32 = arith.constant 0 : i32
    %c0_i32_0 = arith.constant 0 : i32
    return %arg0, %c0_i32 : i32, i32
  }
  func.func @transform_2(%arg0: i32) -> (i32, i32) {
    %c0_i32 = arith.constant 0 : i32
    %c0_i32_0 = arith.constant 0 : i32
    %c0_i32_1 = arith.constant 0 : i32
    return %c0_i32, %c0_i32_0 : i32, i32
  }
  func.func @transform_3(%arg0: i32) -> (i32, i32) {
    %c0_i32 = arith.constant 0 : i32
    %c0_i32_0 = arith.constant 0 : i32
    %c0_i32_1 = arith.constant 0 : i32
    return %c0_i32, %c0_i32_0 : i32, i32
  }
  func.func @transform_4(%arg0: i32) -> (i32, i32) {
    %c0_i32 = arith.constant 0 : i32
    %c0_i32_0 = arith.constant 0 : i32
    %c0_i32_1 = arith.constant 0 : i32
    return %c0_i32, %c0_i32_0 : i32, i32
  }
  func.func @transform_5(%arg0: i32) -> (i32, i32) {
    %c0_i32 = arith.constant 0 : i32
    %c0_i32_0 = arith.constant 0 : i32
    %c0_i32_1 = arith.constant 0 : i32
    return %c0_i32, %c0_i32_0 : i32, i32
  }
  func.func @transform_6(%arg0: i32) -> (i32, i32) {
    %c0_i32 = arith.constant 0 : i32
    %c0_i32_0 = arith.constant 0 : i32
    %c0_i32_1 = arith.constant 0 : i32
    return %c0_i32, %c0_i32_0 : i32, i32
  }
}

</mosaic_0001>

<sc_bundles>
// kernel: kernel.13.cloned.1.call-start
scs
__scs_entry_jumppad:
0x0: {  	(pc) =	sbr.rel $0x88, $3  }
0x1: {  	(tag) =	ssettag $0x0;
	lr =	simm.s32 $0x1  }
0x2: {  	[smem:$0x3F95] =	sst lr;
	_ =	strace $0xD0000000  }
0x3: {  	_ = 	snop  }
0x4: {  	_ = 	snop  }
0x5: {  	_ = 	snop  }
0x6: {  	_ = 	snop  }
0x7: {  	_ = 	snop  }
__scs_overlays_trampoline_lowered:
0x8: {  	[smem:$0x3FA4] =	sst s0  }
0x9: {  	[smem:$0x3FA5] =	sst s1  }
0xa: {  	[smem:$0x3FA6] =	sst s2  }
0xb: {  	[smem:$0x3FA7] =	sst s3  }
0xc: {  	[smem:$0x3FA8] =	sst s4  }
0xd: {  	[smem:$0x3FA9] =	sst s5  }
0xe: {  	[smem:$0x3FAA] =	sst s6  }
0xf: {  	[smem:$0x3FAB] =	sst s7  }
0x10: {  	[smem:$0x3FAC] =	sst s8  }
0x11: {  	[smem:$0x3FAD] =	sst s9;
	s0 =	simm.s32 @!p0 $0x0  }
0x12: {  	s1 =	sld [smem:$0x3F93];
	s0 =	simm.s32 @p0 $0x1  }
0x13: {  	[smem:$0x3FAE] =	sst s0;
	s0 =	simm.s32 @!p1 $0x0  }
0x14: {  	s2 =	sld [smem:$0x3F92];
	s0 =	simm.s32 @p1 $0x1  }
0x15: {  	[smem:$0x3FAF] =	sst s0;
	s0 =	simm.s32 @!p2 $0x0  }
0x16: {  	s3 =	sld [smem:$0x3FDB];
	s0 =	simm.s32 @p2 $0x1  }
0x17: {  	s4 =	simm.s32 $0x1BF5;
	[smem:$0x3FB1] =	sst s0  }
0x18: {  	s0 =	sld [smem:$0x3F94];
	_ =	swait.ge [sflag:s4], $0x0  }
0x19: {  	s7 =	sld [smem:$0x3F95]  }
0x1a: {  	s8 =	sadd.s32 $0xFFFFE003, lr  }
0x1b: {  	s9 =	sadd.s32 $0xFFFFFEF7, lr;
	s5 =	simm.s32 $0xFFFFFFFF;
	p2 =	slt.u32 s8, $0xFFFFF086  }
0x1c: {  	p1 =	slt.u32 s9, $0xF7A;
	s5 =	simm.s32 @!p2 $0x0  }
0x1d: {  	s5 =	simm.s32 @p1 $0x1;
	p0 =	seq.s32 s7, s2  }
0x1e: {  	s7 =	smul.u32 @!p0 $0xF7A, s2;
	p2 =	seq.s32 @!p0 s5, $0x0  }
0x1f: {  	s9 =	smul.u32 $0xF7A, s1;
	s8 =	simm.s32 @!p0 $0x1BF5;
	p2 =	por !p2, p0  }
0x20: {  	[sflag:s8] =	ssyncset.s32 @!p0 $0xFFFFF086;
	s6 =	sadd.s32 @!p0 s3, s7;
	s7 =	simm.s32 @!p0 $0x108  }
0x21: {  	s3 =	sadd.s32 s3, s9;
	s6 =	sadd.s32 @!p0 $0x88, s6;
	s7 =	simm.s32 @p2 $0x1082  }
0x22: {  	[simem:s7], [sflag:s8] =	dma.local @!p0 [hbm:s6], $0xF7A  }
0x23: {  	s9 =	sor.u32 $0xD0000000, s2;
	s6 =	simm.s32 $0x108;
	_ =	swait.ge @!p0 [sflag:s8], $0x0  }
0x24: {  	s3 =	sadd.s32 $0x88, s3;
	s6 =	simm.s32 @!p1 $0x1082;
	[sflag:s4] =	ssyncset.s32 $0xFFFFF086  }
0x25: {  	[simem:s6], [sflag:s4] =	dma.local [hbm:s3], $0xF7A  }
0x26: {  	[smem:$0x3F95] =	sst s1;
	(tag) =	ssettag s2;
	_ =	strace s9  }
0x27: {  	s1 =	sld [smem:$0x3FA5]  }
0x28: {  	s2 =	sld [smem:$0x3FA6]  }
0x29: {  	s4 =	sld [smem:$0x3FA8]  }
0x2a: {  	p0 =	seq.s32 s5, $0x0;
	s5 =	sld [smem:$0x3FA9]  }
0x2b: {  	s6 =	sld [smem:$0x3FAA]  }
0x2c: {  	s7 =	sld [smem:$0x3FAB]  }
0x2d: {  	s3 =	simm.s32 $0x108;
	s8 =	sld [smem:$0x3FAC]  }
0x2e: {  	s3 =	simm.s32 @!p0 $0x1082;
	s9 =	sld [smem:$0x3FAD]  }
0x2f: {  	lr =	sadd.s32 s0, s3;
	s0 =	sld [smem:$0x3FA4]  }
0x30: {  	s3 =	sld [smem:$0x3FA7]  }
0x31: {  	[smem:$0x3FB0] =	sst s10  }
0x32: {  	s10 =	sld [smem:$0x3FAE];
	_ =	sdelay $0x3  }
0x33: {  	p0 =	seq.s32 s10, $0x1;
	s10 =	sld [smem:$0x3FB0];
	_ =	sdelay $0x3  }
0x34: {  	[smem:$0x3FB0] =	sst s10  }
0x35: {  	s10 =	sld [smem:$0x3FAF];
	_ =	sdelay $0x3  }
0x36: {  	p1 =	seq.s32 s10, $0x1;
	s10 =	sld [smem:$0x3FB0];
	_ =	sdelay $0x3  }
0x37: {  	[smem:$0x3FB0] =	sst s10  }
0x38: {  	s10 =	sld [smem:$0x3FB1]  }
0x39: {  	_ = 	snop;
	(pc) =	sbr.ind lr, $3  }
0x3a: {  	_ = 	snop  }
0x3b: {  	_ = 	snop  }
0x3c: {  	p2 =	seq.s32 s10, $0x1;
	s10 =	sld [smem:$0x3FB0]  }
0x3d: {  	_ =	shalt  }
0x3e: {  	_ =	shalt  }
0x3f: {  	_ =	shalt  }
0x40: {  	_ =	shalt  }
0x41: {  	_ =	shalt  }
0x42: {  	_ =	shalt  }
0x43: {  	_ =	shalt  }
0x44: {  	_ =	shalt  }
0x45: {  	_ =	shalt  }
0x46: {  	_ =	shalt  }
0x47: {  	_ =	shalt  }
0x48: {  	_ =	shalt  }
0x49: {  	_ =	shalt  }
0x4a: {  	_ =	shalt  }
0x4b: {  	_ =	shalt  }
0x4c: {  	_ =	shalt  }
0x4d: {  	_ =	shalt  }
0x4e: {  	_ =	shalt  }
0x4f: {  	_ =	shalt  }
0x50: {  	_ =	shalt  }
0x51: {  	_ =	shalt  }
0x52: {  	_ =	shalt  }
0x53: {  	_ =	shalt  }
0x54: {  	_ =	shalt  }
0x55: {  	_ =	shalt  }
0x56: {  	_ =	shalt  }
0x57: {  	_ =	shalt  }
0x58: {  	_ =	shalt  }
0x59: {  	_ =	shalt  }
0x5a: {  	_ =	shalt  }
0x5b: {  	_ =	shalt  }
0x5c: {  	_ =	shalt  }
0x5d: {  	_ =	shalt  }
0x5e: {  	_ =	shalt  }
0x5f: {  	_ =	shalt  }
0x60: {  	_ =	shalt  }
0x61: {  	_ =	shalt  }
0x62: {  	_ =	shalt  }
0x63: {  	_ =	shalt  }
0x64: {  	_ =	shalt  }
0x65: {  	_ =	shalt  }
0x66: {  	_ =	shalt  }
0x67: {  	_ =	shalt  }
0x68: {  	_ =	shalt  }
0x69: {  	_ =	shalt  }
0x6a: {  	_ =	shalt  }
0x6b: {  	_ =	shalt  }
0x6c: {  	_ =	shalt  }
0x6d: {  	_ =	shalt  }
0x6e: {  	_ =	shalt  }
0x6f: {  	_ =	shalt  }
0x70: {  	_ =	shalt  }
0x71: {  	_ =	shalt  }
0x72: {  	_ =	shalt  }
0x73: {  	_ =	shalt  }
0x74: {  	_ =	shalt  }
0x75: {  	_ =	shalt  }
0x76: {  	_ =	shalt  }
0x77: {  	_ =	shalt  }
0x78: {  	_ =	shalt  }
0x79: {  	_ =	shalt  }
0x7a: {  	_ =	shalt  }
0x7b: {  	_ =	shalt  }
0x7c: {  	_ =	shalt  }
0x7d: {  	_ =	shalt  }
0x7e: {  	_ =	shalt  }
0x7f: {  	_ =	shalt  }
0x80: {  	_ =	shalt  }
0x81: {  	_ =	shalt  }
0x82: {  	_ =	shalt  }
0x83: {  	_ =	shalt  }
0x84: {  	_ =	shalt  }
0x85: {  	_ =	shalt  }
0x86: {  	_ =	shalt  }
0x87: {  	_ =	shalt  }
.Lfunc_end0:
.L_simem_size_0:
called_computation_lowered:
.L_overlay_start_0:
0x88: {  	s2 =	sld [smem:$0x3FD9]  }
0x89: {  	s3 =	sld [smem:$0x3FFE];
	_ =	sdelay $0x1  }
0x8a: {  	s1 =	srdreg.scid  }
0x8b: {  	s0 =	sand.u32 $0x1, s1  }
0x8c: {  	s17 =	sshll.u32 s0, $0xA;
	s2 =	sadd.s32 s3, s2  }
0x8d: {  	s2 =	sadd.s32 s2, s17  }
0x8e: {  	[smem:$0x3FBC] =	sst s2  }
0x8f: {  	_ = 	snop  }
0x90: {  	s2 =	sld [smem:$0x3FC9];
	(tm) =	ssettm $0x1  }
0x91: {  	s18 =	sld [smem:$0x3FFB];
	_ =	sdelay $0x3  }
0x92: {  	_ =	strace s18  }
0x93: {  	s3 =	sld [smem:$0x3FFC];
	_ =	sdelay $0x3  }
0x94: {  	_ =	strace s3  }
0x95: {  	s3 =	sld [smem:$0x3FFD];
	_ =	sdelay $0x3  }
0x96: {  	_ =	strace s3  }
0x97: {  	_ =	strace $0x8FFFFFFF  }
0x98: {  	s19 =	sld [smem:$0x3FDB];
	_ =	sdelay $0x1  }
0x99: {  	s4 =	simm.s32 $_scs_section_size  }
0x9a: {  	s5 =	simm.s32 $_size__tile_overlayer_lowered;
	s6 =	simm.s32 $_tile_overlayer_lowered  }
0x9b: {  	s22 =	simm.s32 $0x1BFF;
	s21 =	sshll.u32 s6, $0x1;
	s3 =	sadd.s32 s4, s19  }
0x9c: {  	s7 =	simm.s32 $0x0;
	s20 =	sshll.u32 s5, $0x1;
	s5 =	sadd.s32 s21, s3  }
0x9d: {  	[timem:s7], [sflag:s22] =	dma.local [hbm:s5], s20  }
0x9e: {  	_ =	swait.ge [sflag:s22], s20  }
0x9f: {  	s4 =	ssub.s32 $0x0, s20;
	[sflag:s22] =	ssyncset.done $0x0  }
0xa0: {  	[sflag:s22] =	ssyncadd.s32 s4;
	_ =	sdelay $0x1  }
0xa1: {  	s23 =	simm.s32 $0x1B8B  }
0xa2: {  	_ =	swait.ge [sflag:s23], $0x1  }
0xa3: {  	[sflag:s23] =	ssyncset.done $0x0  }
0xa4: {  	s25 =	simm.s32 $0x1B8E;
	s24 =	sld [smem:$0x3FFE];
	[sflag:s23] =	ssyncadd.s32 $0xFFFFFFFF  }
0xa5: {  	s26 =	simm.s32 $execute0_lowered;
	[smem:$0x3FD2] =	sst s25  }
0xa6: {  	s5 =	sshll.u32 s26, $0x1;
	_ =	strace $0x80000046;
	[dreg:$0x1] =	wrdreg $0xFFFFFFFF  }
0xa7: {  	s28 =	simm.s32 $_size_execute0_lowered;
	s3 =	sadd.s32 s3, s5;
	[dreg:$0x0] =	wrdreg $0x0  }
0xa8: {  	s5 =	sshll.u32 s28, $0x1;
	[dreg:$0x2] =	wrdreg s3  }
0xa9: {  	[dreg:$0x3] =	wrdreg s5  }
0xaa: {  	[dreg:$0x4] =	wrdreg $0xC0  }
0xab: {  	_ =	task [dreg:s7], $0x5FFFF  }
0xac: {  	[dreg:$0x1] =	wrdreg $0xFFFFFFFF  }
0xad: {  	[dreg:$0x0] =	wrdreg $0x60  }
0xae: {  	[dreg:$0x2] =	wrdreg s2  }
0xaf: {  	[dreg:$0x3] =	wrdreg s24  }
0xb0: {  	[dreg:$0x4] =	wrdreg $0xB8000  }
0xb1: {  	[dreg:$0x5] =	wrdreg $0x9  }
0xb2: {  	_ =	task.clear_ibuf [dreg:s7], $0x6FFFF;
	_ =	strace $0x90000046  }
0xb3: {  	s29 =	simm.s32 $0x9;
	_ =	strace $0x80000048  }
0xb4: {  	_ =	swait.ge [sflag:s29], $0x1  }
0xb5: {  	[sflag:s29] =	ssyncadd.s32 $0xFFFFFFFF  }
0xb6: {  	_ =	strace $0x90000048  }
0xb7: {  	_ =	sfence  }
0xb8: {  	s30 =	sld [smem:$0x0];
	_ =	sdelay $0x2  }
0xb9: {  	s31 =	sshll.u32 s1, $0xD;
	s1 =	sshrl.u32 s1, $0x2  }
0xba: {  	s3 =	sand.u32 $0x4000, s31;
	s1 =	sadd.s32 s1, s30  }
0xbb: {  	s0 =	sor.u32 s3, s0;
	s1 =	sshll.u32 s1, $0x11  }
0xbc: {  	s0 =	sor.u32 s1, s0  }
0xbd: {  	s0 =	sadd.s32 $0x8F2B, s0  }
0xbe: {  	[sflag:s0] =	ssyncadd.remote.s32 $0x1  }
0xbf: {  	_ =	sfence.sel $0xFFFF  }
0xc0: {  	[dreg:$0x0] =	wrdreg $0xFFFFFFFF;
	(pc) =	sbr.abs _section_cstart, $3  }
0xc1: {  	[dreg:$0x1] =	wrdreg $0xFFFFFFFF  }
0xc2: {  	_ =	task.clear_ibuf [dreg:s7], $0x2FFFF;
	_ =	strace $0x9FFFFFFF  }
0xc3: {  	(tm) =	ssettm $0x7FFFFFFF  }
tec
execute0_lowered:
.L_overlay_start_1:
0x0: {  	(tag) =	ssettag $0x1  }
0x1: {  	s1 =	rddreg [dreg:$0x0]  }
0x2: {  	s0 =	rddreg [dreg:$0x1]  }
0x3: {  	s2 =	rddreg [dreg:$0x2]  }
0x4: {  	s4 =	simm.s32 $0x0;
	s3 =	srdreg.scid;
	s9 =	stileid.u32  }
0x5: {  	s30 =	simm.s32 $0xA800;
	s31 =	simm.s32 $0x2;
	s8 =	smul.u32 $0x14000, s9  }
0x6: {  	[smem:$0x7FF] =	sst s4;
	s3 =	sand.u32 $0x1, s3;
	s21 =	smul.u32 $0x50000, s9  }
0x7: {  	s7 =	sshll.u32 s9, $0xB;
	s5 =	smul.u32 $0x140000, s3;
	s6 =	sshll.u32 s3, $0xF  }
0x8: {  	_ =	strace $0x80000047;
	s3 =	ssub.s32 $0x2, s3;
	s6 =	sor.u32 s7, s6  }
0x9: {  	s22 =	sshrl.u32 s3, $0x1;
	s23 =	sshrl.u32 s21, $0x2;
	s6 =	sadd.s32 s6, s0  }
0xa: {  	s5 =	sadd.s32 s8, s5;
	s3 =	ssub.s32 s3, s22;
	s24 =	sadd.s32 $0x4200, s6  }
0xb: {  	s5 =	sshrl.u32 s5, $0x3;
	s6 =	sadd.s32 $0x14200, s6;
	[dreg:$0x4] =	wrdreg s24  }
0xc: {  	s25 =	smax.u32 s3, $0x1;
	s3 =	simm.s32 $0x50;
	[dreg:$0x5] =	wrdreg s6  }
0xd: {  	s0 =	sadd.s32 s5, s0;
	s5 =	sadd.s32 s23, s2;
	[dreg:$0x7] =	wrdreg s25  }
0xe: {  	s6 =	simm.s32 $0x1;
	s0 =	sadd.s32 $0x24200, s0;
	s26 =	sadd.s32 $0x1000, s5  }
0xf: {  	s11 =	sadd.s32 $0x2000, s5;
	s12 =	sadd.s32 $0x3000, s5;
	s13 =	sadd.s32 $0x4000, s5  }
0x10: {  	s14 =	sadd.s32 $0x5000, s5;
	s15 =	sadd.s32 $0x6000, s5;
	s16 =	sadd.s32 $0x7000, s5  }
0x11: {  	s17 =	sadd.s32 $0x8000, s5;
	s18 =	sadd.s32 $0x9000, s5;
	s19 =	sadd.s32 $0xA000, s5  }
0x12: {  	s20 =	sadd.s32 $0xB000, s5;
	s21 =	sadd.s32 $0xC000, s5;
	s22 =	sadd.s32 $0xD000, s5  }
0x13: {  	s23 =	sadd.s32 $0xE000, s5;
	s24 =	sadd.s32 $0xF000, s5;
	s25 =	sadd.s32 $0x10000, s5  }
0x14: {  	s28 =	sadd.s32 $0x12000, s5;
	s29 =	sadd.s32 $0x13000, s5;
	[dreg:$0x6] =	wrdreg s0  }
0x15: {  	v0 =	vimm.f32 $0.0e+00;
	[dreg:$0x8] =	wrdreg s26;
	s26 =	sadd.s32 $0x11000, s5;
	s0 =	simm.s32 $0x8000  }
.LBB2_1:
0x16: {  	s7 =	simm.s32 $0x0;
	s8 =	simm.s32 $0x200  }
.LBB2_2:
0x17: {  	p0 =	sne.s32 s8, $0x3E00;
	[tilespmem:s7+$0xA870] =	vst v0  }
0x18: {  	[tilespmem:s7+$0xA800] =	vst v0  }
0x19: {  	[tilespmem:s7+$0xA810] =	vst v0  }
.Ltmp0:
0x1a: {  	[tilespmem:s7+$0xA820] =	vst v0;
	(pc) =	sbr.rel @p0 .LBB2_2-.Ltmp0, $4  }
0x1b: {  	[tilespmem:s7+$0xA830] =	vst v0  }
0x1c: {  	[tilespmem:s7+$0xA840] =	vst v0  }
0x1d: {  	[tilespmem:s7+$0xA850] =	vst v0  }
0x1e: {  	[tilespmem:s7+$0xA860] =	vst v0;
	s7 =	sshra.s32 s8, $0x2;
	s8 =	sadd.s32 $0x200, s8  }
0x1f: {  	[tilespmem:s7+$0xA870] =	vst v0  }
0x20: {  	[tilespmem:s7+$0xA800] =	vst v0  }
0x21: {  	[tilespmem:s7+$0xA810] =	vst v0  }
0x22: {  	[tilespmem:s7+$0xA820] =	vst v0  }
0x23: {  	[tilespmem:s7+$0xA830] =	vst v0  }
0x24: {  	[tilespmem:s7+$0xA840] =	vst v0  }
0x25: {  	[tilespmem:s7+$0xA850] =	vst v0  }
0x26: {  	[tilespmem:s7+$0xA860] =	vst v0  }
0x27: {  	[spmem:s5] =	stream.linear.scatter [tilespmem:s30], [sflag:$0x2], $0x1000, $0x38;
	[tilespmem:$0x1F800] =	vst v63  }
0x28: {  	_ =	swait.ge [sflag:s31], $0x1000  }
0x29: {  	[sflag:s31] =	ssyncset.done $0x0  }
0x2a: {  	s9 =	rddreg [dreg:$0x8];
	[sflag:s31] =	ssyncadd.s32 $0xFFFFF000  }
0x2b: {  	[spmem:s9] =	stream.linear.scatter [tilespmem:s30], [sflag:$0x2], $0x1000, $0x38;
	[tilespmem:$0x1F800] =	vst v63  }
0x2c: {  	_ =	swait.ge [sflag:s31], $0x1000  }
0x2d: {  	[sflag:s31] =	ssyncset.done $0x0  }
0x2e: {  	[sflag:s31] =	ssyncadd.s32 $0xFFFFF000  }
0x2f: {  	[spmem:s11] =	stream.linear.scatter [tilespmem:s30], [sflag:$0x2], $0x1000, $0x38;
	[tilespmem:$0x1F800] =	vst v63  }
0x30: {  	_ =	swait.ge [sflag:s31], $0x1000  }
0x31: {  	[sflag:s31] =	ssyncset.done $0x0  }
0x32: {  	[sflag:s31] =	ssyncadd.s32 $0xFFFFF000  }
0x33: {  	[spmem:s12] =	stream.linear.scatter [tilespmem:s30], [sflag:$0x2], $0x1000, $0x38;
	[tilespmem:$0x1F800] =	vst v63  }
0x34: {  	_ =	swait.ge [sflag:s31], $0x1000  }
0x35: {  	[sflag:s31] =	ssyncset.done $0x0  }
0x36: {  	[sflag:s31] =	ssyncadd.s32 $0xFFFFF000  }
0x37: {  	[spmem:s13] =	stream.linear.scatter [tilespmem:s30], [sflag:$0x2], $0x1000, $0x38;
	[tilespmem:$0x1F800] =	vst v63  }
0x38: {  	_ =	swait.ge [sflag:s31], $0x1000  }
0x39: {  	[sflag:s31] =	ssyncset.done $0x0  }
0x3a: {  	[sflag:s31] =	ssyncadd.s32 $0xFFFFF000  }
0x3b: {  	[spmem:s14] =	stream.linear.scatter [tilespmem:s30], [sflag:$0x2], $0x1000, $0x38;
	[tilespmem:$0x1F800] =	vst v63  }
0x3c: {  	_ =	swait.ge [sflag:s31], $0x1000  }
0x3d: {  	[sflag:s31] =	ssyncset.done $0x0  }
0x3e: {  	[sflag:s31] =	ssyncadd.s32 $0xFFFFF000  }
0x3f: {  	[spmem:s15] =	stream.linear.scatter [tilespmem:s30], [sflag:$0x2], $0x1000, $0x38;
	[tilespmem:$0x1F800] =	vst v63  }
0x40: {  	_ =	swait.ge [sflag:s31], $0x1000  }
0x41: {  	[sflag:s31] =	ssyncset.done $0x0  }
0x42: {  	[sflag:s31] =	ssyncadd.s32 $0xFFFFF000  }
0x43: {  	[spmem:s16] =	stream.linear.scatter [tilespmem:s30], [sflag:$0x2], $0x1000, $0x38;
	[tilespmem:$0x1F800] =	vst v63  }
0x44: {  	_ =	swait.ge [sflag:s31], $0x1000  }
0x45: {  	[sflag:s31] =	ssyncset.done $0x0  }
0x46: {  	[sflag:s31] =	ssyncadd.s32 $0xFFFFF000  }
0x47: {  	[spmem:s17] =	stream.linear.scatter [tilespmem:s30], [sflag:$0x2], $0x1000, $0x38;
	[tilespmem:$0x1F800] =	vst v63  }
0x48: {  	_ =	swait.ge [sflag:s31], $0x1000  }
0x49: {  	[sflag:s31] =	ssyncset.done $0x0  }
0x4a: {  	[sflag:s31] =	ssyncadd.s32 $0xFFFFF000  }
0x4b: {  	[spmem:s18] =	stream.linear.scatter [tilespmem:s30], [sflag:$0x2], $0x1000, $0x38;
	[tilespmem:$0x1F800] =	vst v63  }
0x4c: {  	_ =	swait.ge [sflag:s31], $0x1000  }
0x4d: {  	[sflag:s31] =	ssyncset.done $0x0  }
0x4e: {  	[sflag:s31] =	ssyncadd.s32 $0xFFFFF000  }
0x4f: {  	[spmem:s19] =	stream.linear.scatter [tilespmem:s30], [sflag:$0x2], $0x1000, $0x38;
	[tilespmem:$0x1F800] =	vst v63  }
0x50: {  	_ =	swait.ge [sflag:s31], $0x1000  }
0x51: {  	[sflag:s31] =	ssyncset.done $0x0  }
0x52: {  	[sflag:s31] =	ssyncadd.s32 $0xFFFFF000  }
0x53: {  	[spmem:s20] =	stream.linear.scatter [tilespmem:s30], [sflag:$0x2], $0x1000, $0x38;
	[tilespmem:$0x1F800] =	vst v63  }
0x54: {  	_ =	swait.ge [sflag:s31], $0x1000  }
0x55: {  	[sflag:s31] =	ssyncset.done $0x0  }
0x56: {  	[sflag:s31] =	ssyncadd.s32 $0xFFFFF000  }
0x57: {  	[spmem:s21] =	stream.linear.scatter [tilespmem:s30], [sflag:$0x2], $0x1000, $0x38;
	[tilespmem:$0x1F800] =	vst v63  }
0x58: {  	_ =	swait.ge [sflag:s31], $0x1000  }
0x59: {  	[sflag:s31] =	ssyncset.done $0x0  }
0x5a: {  	[sflag:s31] =	ssyncadd.s32 $0xFFFFF000  }
0x5b: {  	[spmem:s22] =	stream.linear.scatter [tilespmem:s30], [sflag:$0x2], $0x1000, $0x38;
	[tilespmem:$0x1F800] =	vst v63  }
0x5c: {  	_ =	swait.ge [sflag:s31], $0x1000  }
0x5d: {  	[sflag:s31] =	ssyncset.done $0x0  }
0x5e: {  	[sflag:s31] =	ssyncadd.s32 $0xFFFFF000  }
0x5f: {  	[spmem:s23] =	stream.linear.scatter [tilespmem:s30], [sflag:$0x2], $0x1000, $0x38;
	[tilespmem:$0x1F800] =	vst v63  }
0x60: {  	_ =	swait.ge [sflag:s31], $0x1000  }
0x61: {  	[sflag:s31] =	ssyncset.done $0x0  }
0x62: {  	[sflag:s31] =	ssyncadd.s32 $0xFFFFF000  }
0x63: {  	[spmem:s24] =	stream.linear.scatter [tilespmem:s30], [sflag:$0x2], $0x1000, $0x38;
	[tilespmem:$0x1F800] =	vst v63  }
0x64: {  	_ =	swait.ge [sflag:s31], $0x1000  }
0x65: {  	[sflag:s31] =	ssyncset.done $0x0  }
0x66: {  	[sflag:s31] =	ssyncadd.s32 $0xFFFFF000  }
0x67: {  	[spmem:s25] =	stream.linear.scatter [tilespmem:s30], [sflag:$0x2], $0x1000, $0x38;
	[tilespmem:$0x1F800] =	vst v63  }
0x68: {  	_ =	swait.ge [sflag:s31], $0x1000  }
0x69: {  	[sflag:s31] =	ssyncset.done $0x0  }
0x6a: {  	[sflag:s31] =	ssyncadd.s32 $0xFFFFF000  }
0x6b: {  	[spmem:s26] =	stream.linear.scatter [tilespmem:s30], [sflag:$0x2], $0x1000, $0x38;
	[tilespmem:$0x1F800] =	vst v63  }
0x6c: {  	_ =	swait.ge [sflag:s31], $0x1000  }
0x6d: {  	[sflag:s31] =	ssyncset.done $0x0  }
0x6e: {  	[sflag:s31] =	ssyncadd.s32 $0xFFFFF000  }
0x6f: {  	[spmem:s28] =	stream.linear.scatter [tilespmem:s30], [sflag:$0x2], $0x1000, $0x38;
	[tilespmem:$0x1F800] =	vst v63  }
0x70: {  	_ =	swait.ge [sflag:s31], $0x1000  }
0x71: {  	[sflag:s31] =	ssyncset.done $0x0  }
0x72: {  	[sflag:s31] =	ssyncadd.s32 $0xFFFFF000  }
0x73: {  	[spmem:s29] =	stream.linear.scatter [tilespmem:s30], [sflag:$0x2], $0x1000, $0x38;
	[tilespmem:$0x1F800] =	vst v63  }
0x74: {  	_ =	swait.ge [sflag:s31], $0x1000  }
0x75: {  	[sflag:s31] =	ssyncset.done $0x0  }
0x76: {  	s7 =	simm.s32 $0x0;
	s8 =	rddreg [dreg:$0x4];
	[sflag:s31] =	ssyncadd.s32 $0xFFFFF000  }
0x77: {  	[tilespmem:s7], [sflag:$0x2] =	stream.linear.gather [hbm4b:s8+s7], $0x3E80, $0x38;
	[tilespmem:$0x1F800] =	vst v63  }
0x78: {  	_ =	swait.ge [sflag:s31], $0x3E80  }
0x79: {  	[sflag:s31] =	ssyncset.done $0x0  }
0x7a: {  	s9 =	simm.s32 $0x4000;
	s10 =	rddreg [dreg:$0x5];
	[sflag:s31] =	ssyncadd.s32 $0xFFFFC180  }
0x7b: {  	[tilespmem:s9], [sflag:$0x2] =	stream.linear.gather [hbm4b:s10+s7], $0x3E80, $0x38;
	[tilespmem:$0x1F800] =	vst v63  }
0x7c: {  	_ =	swait.ge [sflag:s31], $0x3E80  }
0x7d: {  	[sflag:s31] =	ssyncset.done $0x0  }
0x7e: {  	[sflag:s31] =	ssyncadd.s32 $0xFFFFC180  }
0x7f: {  	s9 =	simm.s32 $0x0;
	[bflag:$0x0] =	sbarrier.arrive $0xFFFF  }
0x80: {  	[tilespmem:s0], [sflag:$0x1] =	stream.indirect.gather [hbm4b:s1+s3], $0x80, s9, s3, $0xb8;
	[tilespmem:$0x1F800] =	vst v63  }
0x81: {  	_ =	swait.ge [sflag:s6], $0x2800  }
0x82: {  	[sflag:s6] =	ssyncset.done $0x0  }
0x83: {  	s10 =	simm.s32 $0x4000;
	[sflag:s6] =	ssyncadd.s32 $0xFFFFD800  }
0x84: {  	[spmem:s2] =	stream.indirect.scatter.add.f32 [tilespmem:s0], [sflag:$0x2], $0x80, s10, s3, $0xb8;
	[tilespmem:$0x1F800] =	vst v63  }
0x85: {  	_ =	swait.ge [sflag:s31], $0x2800  }
0x86: {  	s8 =	simm.s32 $0x400;
	s7 =	simm.s32 $0x200;
	[sflag:s31] =	ssyncset.done $0x0  }
.LBB2_4:
0x87: {  	s9 =	sshra.s32 s7, $0x2  }
0x88: {  	[sflag:s31] =	ssyncadd.s32 $0xFFFFD800;
	s7 =	smov.u32 s8;
	s10 =	sadd.s32 $0x200, s8  }
0x89: {  	[tilespmem:s0], [sflag:$0x1] =	stream.indirect.gather [hbm4b:s1+s3], $0x80, s9, s3, $0xb8;
	[tilespmem:$0x1F800] =	vst v63  }
0x8a: {  	p0 =	sne.s32 s8, $0xF800;
	_ =	swait.ge [sflag:s6], $0x2800  }
.Ltmp1:
0x8b: {  	[sflag:s6] =	ssyncset.done $0x0;
	(pc) =	sbr.rel @p0 .LBB2_4-.Ltmp1, $4  }
0x8c: {  	s8 =	sadd.s32 $0x4000, s9;
	[sflag:s6] =	ssyncadd.s32 $0xFFFFD800  }
0x8d: {  	[spmem:s2] =	stream.indirect.scatter.add.f32 [tilespmem:s0], [sflag:$0x2], $0x80, s8, s3, $0xb8;
	[tilespmem:$0x1F800] =	vst v63  }
0x8e: {  	_ =	swait.ge [sflag:s31], $0x2800  }
0x8f: {  	s8 =	smov.u32 s10;
	[sflag:s31] =	ssyncset.done $0x0  }
0x90: {  	s7 =	sshra.s32 s7, $0x2;
	[sflag:s31] =	ssyncadd.s32 $0xFFFFD800  }
0x91: {  	[tilespmem:s0], [sflag:$0x1] =	stream.indirect.gather [hbm4b:s1+s3], $0x80, s7, s3, $0xb8;
	[tilespmem:$0x1F800] =	vst v63  }
0x92: {  	_ =	swait.ge [sflag:s6], $0x2800  }
0x93: {  	[sflag:s6] =	ssyncset.done $0x0  }
0x94: {  	s7 =	sadd.s32 $0x4000, s7;
	[sflag:s6] =	ssyncadd.s32 $0xFFFFD800  }
0x95: {  	[spmem:s2] =	stream.indirect.scatter.add.f32 [tilespmem:s0], [sflag:$0x2], $0x80, s7, s3, $0xb8;
	[tilespmem:$0x1F800] =	vst v63  }
0x96: {  	_ =	swait.ge [sflag:s31], $0x2800  }
0x97: {  	[sflag:s31] =	ssyncset.done $0x0  }
0x98: {  	s9 =	stileid.u32;
	[sflag:s31] =	ssyncadd.s32 $0xFFFFD800  }
0x99: {  	s7 =	sshll.u32 s9, $0x6;
	[bflag:$0x0] =	sbarrier.arrive $0xFFFF  }
0x9a: {  	s8 =	sshrl.u32 s5, $0x3;
	s7 =	sor.u32 $0x1C02, s7;
	s9 =	rddreg [dreg:$0x6]  }
0x9b: {  	[hbm:s9], [sflag:s7] =	dma.local [spmem:s8], $0x2800  }
0x9c: {  	_ =	swait.ge [sflag:s31], $0x2800  }
0x9d: {  	s4 =	sadd.s32 $0x1, s4;
	s10 =	rddreg [dreg:$0x7]  }
0x9e: {  	p0 =	sne.s32 s4, s10  }
.Ltmp2:
0x9f: {  	_ = 	snop;
	(pc) =	sbr.rel @p0 .LBB2_1-.Ltmp2, $3  }
0xa0: {  	_ =	sdelay $0x1  }
0xa1: {  	[sflag:s31] =	ssyncset.done $0x0  }
0xa2: {  	[sflag:s31] =	ssyncadd.s32 $0xFFFFD800  }
0xa3: {  	_ =	sfence.sel $0x180000  }
0xa4: {  	[bflag:$0x0] =	sbarrier.arrive $0xFFFF  }
0xa5: {  	_ =	strace $0x90000047  }
0xa6: {  	s0 =	stileid.u32;
	[bflag:$0x2] =	sbarrier.arrive $0xFFFF  }
0xa7: {  	p0 =	sne.s32 s0, $0x0;
	s0 =	rddreg [dreg:$0x3]  }
0xa8: {  	s0 =	sadd.s32 @!p0 $0x100000, s0  }
0xa9: {  	[sflag:s0] =	ssyncadd.tile.s32 @!p0 $0x1;
	_ =	shalt  }
.Lfunc_end2:
_tile_overlayer_lowered:
.L_overlay_start_2:
0xaa: {  	(tag) =	ssettag $0x2  }
0xab: {  	s0 =	rddreg [dreg:$0x0];
	s2 =	stileid.u32  }
0xac: {  	s1 =	rddreg [dreg:$0x1];
	p0 =	sne.s32 s2, $0x0  }
0xad: {  	s3 =	rddreg [dreg:$0x2];
	[bflag:$0x3] =	sbarrier.arrive $0xFFFF;
	s2 =	simm.s32 @!p0 $0x1C02  }
0xae: {  	[timem:s3], [sflag:s2] =	dma.local @!p0 [hbm:s0], s1  }
0xaf: {  	s0 =	simm.s32 @!p0 $0x2  }
0xb0: {  	_ =	swait.ge @!p0 [sflag:s0], s1  }
0xb1: {  	s1 =	ssub.s32 @!p0 $0x0, s1;
	[sflag:s0] =	ssyncset.done @!p0 $0x0  }
0xb2: {  	[sflag:s0] =	ssyncadd.s32 @!p0 s1  }
0xb3: {  	[bflag:$0x3] =	sbarrier.arrive $0xFFFF  }
0xb4: {  	_ =	shalt  }

// kernel: kernel.16.cloned.1.call-start
scs
__scs_entry_jumppad:
0x0: {  	(pc) =	sbr.rel $0x88, $3  }
0x1: {  	(tag) =	ssettag $0x0;
	lr =	simm.s32 $0x1  }
0x2: {  	[smem:$0x3F95] =	sst lr;
	_ =	strace $0xD0000000  }
0x3: {  	_ = 	snop  }
0x4: {  	_ = 	snop  }
0x5: {  	_ = 	snop  }
0x6: {  	_ = 	snop  }
0x7: {  	_ = 	snop  }
__scs_overlays_trampoline_lowered:
0x8: {  	[smem:$0x3FA4] =	sst s0  }
0x9: {  	[smem:$0x3FA5] =	sst s1  }
0xa: {  	[smem:$0x3FA6] =	sst s2  }
0xb: {  	[smem:$0x3FA7] =	sst s3  }
0xc: {  	[smem:$0x3FA8] =	sst s4  }
0xd: {  	[smem:$0x3FA9] =	sst s5  }
0xe: {  	[smem:$0x3FAA] =	sst s6  }
0xf: {  	[smem:$0x3FAB] =	sst s7  }
0x10: {  	[smem:$0x3FAC] =	sst s8  }
0x11: {  	[smem:$0x3FAD] =	sst s9;
	s0 =	simm.s32 @!p0 $0x0  }
0x12: {  	s1 =	sld [smem:$0x3F93];
	s0 =	simm.s32 @p0 $0x1  }
0x13: {  	[smem:$0x3FAE] =	sst s0;
	s0 =	simm.s32 @!p1 $0x0  }
0x14: {  	s2 =	sld [smem:$0x3F92];
	s0 =	simm.s32 @p1 $0x1  }
0x15: {  	[smem:$0x3FAF] =	sst s0;
	s0 =	simm.s32 @!p2 $0x0  }
0x16: {  	s3 =	sld [smem:$0x3FDB];
	s0 =	simm.s32 @p2 $0x1  }
0x17: {  	s4 =	simm.s32 $0x1BF5;
	[smem:$0x3FB1] =	sst s0  }
0x18: {  	s0 =	sld [smem:$0x3F94];
	_ =	swait.ge [sflag:s4], $0x0  }
0x19: {  	s7 =	sld [smem:$0x3F95]  }
0x1a: {  	s8 =	sadd.s32 $0xFFFFE003, lr  }
0x1b: {  	s9 =	sadd.s32 $0xFFFFFEF7, lr;
	s5 =	simm.s32 $0xFFFFFFFF;
	p2 =	slt.u32 s8, $0xFFFFF086  }
0x1c: {  	p1 =	slt.u32 s9, $0xF7A;
	s5 =	simm.s32 @!p2 $0x0  }
0x1d: {  	s5 =	simm.s32 @p1 $0x1;
	p0 =	seq.s32 s7, s2  }
0x1e: {  	s7 =	smul.u32 @!p0 $0xF7A, s2;
	p2 =	seq.s32 @!p0 s5, $0x0  }
0x1f: {  	s9 =	smul.u32 $0xF7A, s1;
	s8 =	simm.s32 @!p0 $0x1BF5;
	p2 =	por !p2, p0  }
0x20: {  	[sflag:s8] =	ssyncset.s32 @!p0 $0xFFFFF086;
	s6 =	sadd.s32 @!p0 s3, s7;
	s7 =	simm.s32 @!p0 $0x108  }
0x21: {  	s3 =	sadd.s32 s3, s9;
	s6 =	sadd.s32 @!p0 $0x88, s6;
	s7 =	simm.s32 @p2 $0x1082  }
0x22: {  	[simem:s7], [sflag:s8] =	dma.local @!p0 [hbm:s6], $0xF7A  }
0x23: {  	s9 =	sor.u32 $0xD0000000, s2;
	s6 =	simm.s32 $0x108;
	_ =	swait.ge @!p0 [sflag:s8], $0x0  }
0x24: {  	s3 =	sadd.s32 $0x88, s3;
	s6 =	simm.s32 @!p1 $0x1082;
	[sflag:s4] =	ssyncset.s32 $0xFFFFF086  }
0x25: {  	[simem:s6], [sflag:s4] =	dma.local [hbm:s3], $0xF7A  }
0x26: {  	[smem:$0x3F95] =	sst s1;
	(tag) =	ssettag s2;
	_ =	strace s9  }
0x27: {  	s1 =	sld [smem:$0x3FA5]  }
0x28: {  	s2 =	sld [smem:$0x3FA6]  }
0x29: {  	s4 =	sld [smem:$0x3FA8]  }
0x2a: {  	p0 =	seq.s32 s5, $0x0;
	s5 =	sld [smem:$0x3FA9]  }
0x2b: {  	s6 =	sld [smem:$0x3FAA]  }
0x2c: {  	s7 =	sld [smem:$0x3FAB]  }
0x2d: {  	s3 =	simm.s32 $0x108;
	s8 =	sld [smem:$0x3FAC]  }
0x2e: {  	s3 =	simm.s32 @!p0 $0x1082;
	s9 =	sld [smem:$0x3FAD]  }
0x2f: {  	lr =	sadd.s32 s0, s3;
	s0 =	sld [smem:$0x3FA4]  }
0x30: {  	s3 =	sld [smem:$0x3FA7]  }
0x31: {  	[smem:$0x3FB0] =	sst s10  }
0x32: {  	s10 =	sld [smem:$0x3FAE];
	_ =	sdelay $0x3  }
0x33: {  	p0 =	seq.s32 s10, $0x1;
	s10 =	sld [smem:$0x3FB0];
	_ =	sdelay $0x3  }
0x34: {  	[smem:$0x3FB0] =	sst s10  }
0x35: {  	s10 =	sld [smem:$0x3FAF];
	_ =	sdelay $0x3  }
0x36: {  	p1 =	seq.s32 s10, $0x1;
	s10 =	sld [smem:$0x3FB0];
	_ =	sdelay $0x3  }
0x37: {  	[smem:$0x3FB0] =	sst s10  }
0x38: {  	s10 =	sld [smem:$0x3FB1]  }
0x39: {  	_ = 	snop;
	(pc) =	sbr.ind lr, $3  }
0x3a: {  	_ = 	snop  }
0x3b: {  	_ = 	snop  }
0x3c: {  	p2 =	seq.s32 s10, $0x1;
	s10 =	sld [smem:$0x3FB0]  }
0x3d: {  	_ =	shalt  }
0x3e: {  	_ =	shalt  }
0x3f: {  	_ =	shalt  }
0x40: {  	_ =	shalt  }
0x41: {  	_ =	shalt  }
0x42: {  	_ =	shalt  }
0x43: {  	_ =	shalt  }
0x44: {  	_ =	shalt  }
0x45: {  	_ =	shalt  }
0x46: {  	_ =	shalt  }
0x47: {  	_ =	shalt  }
0x48: {  	_ =	shalt  }
0x49: {  	_ =	shalt  }
0x4a: {  	_ =	shalt  }
0x4b: {  	_ =	shalt  }
0x4c: {  	_ =	shalt  }
0x4d: {  	_ =	shalt  }
0x4e: {  	_ =	shalt  }
0x4f: {  	_ =	shalt  }
0x50: {  	_ =	shalt  }
0x51: {  	_ =	shalt  }
0x52: {  	_ =	shalt  }
0x53: {  	_ =	shalt  }
0x54: {  	_ =	shalt  }
0x55: {  	_ =	shalt  }
0x56: {  	_ =	shalt  }
0x57: {  	_ =	shalt  }
0x58: {  	_ =	shalt  }
0x59: {  	_ =	shalt  }
0x5a: {  	_ =	shalt  }
0x5b: {  	_ =	shalt  }
0x5c: {  	_ =	shalt  }
0x5d: {  	_ =	shalt  }
0x5e: {  	_ =	shalt  }
0x5f: {  	_ =	shalt  }
0x60: {  	_ =	shalt  }
0x61: {  	_ =	shalt  }
0x62: {  	_ =	shalt  }
0x63: {  	_ =	shalt  }
0x64: {  	_ =	shalt  }
0x65: {  	_ =	shalt  }
0x66: {  	_ =	shalt  }
0x67: {  	_ =	shalt  }
0x68: {  	_ =	shalt  }
0x69: {  	_ =	shalt  }
0x6a: {  	_ =	shalt  }
0x6b: {  	_ =	shalt  }
0x6c: {  	_ =	shalt  }
0x6d: {  	_ =	shalt  }
0x6e: {  	_ =	shalt  }
0x6f: {  	_ =	shalt  }
0x70: {  	_ =	shalt  }
0x71: {  	_ =	shalt  }
0x72: {  	_ =	shalt  }
0x73: {  	_ =	shalt  }
0x74: {  	_ =	shalt  }
0x75: {  	_ =	shalt  }
0x76: {  	_ =	shalt  }
0x77: {  	_ =	shalt  }
0x78: {  	_ =	shalt  }
0x79: {  	_ =	shalt  }
0x7a: {  	_ =	shalt  }
0x7b: {  	_ =	shalt  }
0x7c: {  	_ =	shalt  }
0x7d: {  	_ =	shalt  }
0x7e: {  	_ =	shalt  }
0x7f: {  	_ =	shalt  }
0x80: {  	_ =	shalt  }
0x81: {  	_ =	shalt  }
0x82: {  	_ =	shalt  }
0x83: {  	_ =	shalt  }
0x84: {  	_ =	shalt  }
0x85: {  	_ =	shalt  }
0x86: {  	_ =	shalt  }
0x87: {  	_ =	shalt  }
.Lfunc_end0:
.L_simem_size_0:
called_computation.1_lowered:
.L_overlay_start_0:
0x88: {  	s2 =	sld [smem:$0x3FD9]  }
0x89: {  	s3 =	sld [smem:$0x3FFE];
	_ =	sdelay $0x1  }
0x8a: {  	s1 =	srdreg.scid  }
0x8b: {  	s0 =	sand.u32 $0x1, s1  }
0x8c: {  	s16 =	sshll.u32 s0, $0xA;
	s2 =	sadd.s32 s3, s2  }
0x8d: {  	s2 =	sadd.s32 s2, s16  }
0x8e: {  	[smem:$0x3FBC] =	sst s2  }
0x8f: {  	_ = 	snop  }
0x90: {  	(tm) =	ssettm $0x1  }
0x91: {  	s17 =	sld [smem:$0x3FFB];
	_ =	sdelay $0x3  }
0x92: {  	_ =	strace s17  }
0x93: {  	s2 =	sld [smem:$0x3FFC];
	_ =	sdelay $0x3  }
0x94: {  	_ =	strace s2  }
0x95: {  	s2 =	sld [smem:$0x3FFD];
	_ =	sdelay $0x3  }
0x96: {  	_ =	strace s2  }
0x97: {  	_ =	strace $0x8FFFFFFF  }
0x98: {  	s18 =	sld [smem:$0x3FDB];
	_ =	sdelay $0x1  }
0x99: {  	s19 =	simm.s32 $_scs_section_size  }
0x9a: {  	s4 =	simm.s32 $_size__tile_overlayer_lowered;
	s5 =	simm.s32 $_tile_overlayer_lowered  }
0x9b: {  	s22 =	simm.s32 $0x1BFF;
	s21 =	sshll.u32 s5, $0x1;
	s2 =	sadd.s32 s19, s18  }
0x9c: {  	s6 =	simm.s32 $0x0;
	s20 =	sshll.u32 s4, $0x1;
	s4 =	sadd.s32 s21, s2  }
0x9d: {  	[timem:s6], [sflag:s22] =	dma.local [hbm:s4], s20  }
0x9e: {  	_ =	swait.ge [sflag:s22], s20  }
0x9f: {  	s3 =	ssub.s32 $0x0, s20;
	[sflag:s22] =	ssyncset.done $0x0  }
0xa0: {  	[sflag:s22] =	ssyncadd.s32 s3;
	_ =	sdelay $0x1  }
0xa1: {  	s23 =	simm.s32 $0x1B8B  }
0xa2: {  	_ =	swait.ge [sflag:s23], $0x1  }
0xa3: {  	[sflag:s23] =	ssyncset.done $0x0  }
0xa4: {  	s25 =	simm.s32 $0x1B8E;
	s24 =	sld [smem:$0x3FFE];
	[sflag:s23] =	ssyncadd.s32 $0xFFFFFFFF  }
0xa5: {  	s26 =	simm.s32 $execute0_lowered;
	[smem:$0x3FD2] =	sst s25  }
0xa6: {  	s4 =	sshll.u32 s26, $0x1;
	_ =	strace $0x80000049;
	[dreg:$0x1] =	wrdreg $0xFFFFFFFF  }
0xa7: {  	s28 =	simm.s32 $_size_execute0_lowered;
	s2 =	sadd.s32 s2, s4;
	[dreg:$0x0] =	wrdreg $0x0  }
0xa8: {  	s4 =	sshll.u32 s28, $0x1;
	[dreg:$0x2] =	wrdreg s2  }
0xa9: {  	[dreg:$0x3] =	wrdreg s4  }
0xaa: {  	[dreg:$0x4] =	wrdreg $0xC0  }
0xab: {  	_ =	task [dreg:s6], $0x5FFFF  }
0xac: {  	[dreg:$0x1] =	wrdreg $0xFFFFFFFF  }
0xad: {  	[dreg:$0x0] =	wrdreg $0x60  }
0xae: {  	[dreg:$0x2] =	wrdreg s24  }
0xaf: {  	[dreg:$0x3] =	wrdreg $0xB8000  }
0xb0: {  	[dreg:$0x4] =	wrdreg $0x9  }
0xb1: {  	_ =	task.clear_ibuf [dreg:s6], $0x5FFFF;
	_ =	strace $0x90000049  }
0xb2: {  	s29 =	simm.s32 $0x9;
	_ =	strace $0x8000004B  }
0xb3: {  	_ =	swait.ge [sflag:s29], $0x1  }
0xb4: {  	[sflag:s29] =	ssyncadd.s32 $0xFFFFFFFF  }
0xb5: {  	_ =	strace $0x9000004B  }
0xb6: {  	_ =	sfence  }
0xb7: {  	s30 =	sld [smem:$0x0];
	_ =	sdelay $0x2  }
0xb8: {  	s31 =	sshll.u32 s1, $0xD;
	s1 =	sshrl.u32 s1, $0x2  }
0xb9: {  	s3 =	sand.u32 $0x4000, s31;
	s1 =	sadd.s32 s1, s30  }
0xba: {  	s0 =	sor.u32 s3, s0;
	s1 =	sshll.u32 s1, $0x11  }
0xbb: {  	s0 =	sor.u32 s1, s0  }
0xbc: {  	s0 =	sadd.s32 $0x8F2B, s0  }
0xbd: {  	[sflag:s0] =	ssyncadd.remote.s32 $0x1  }
0xbe: {  	_ =	sfence.sel $0xFFFF  }
0xbf: {  	[dreg:$0x0] =	wrdreg $0xFFFFFFFF;
	(pc) =	sbr.abs _section_cstart, $3  }
0xc0: {  	[dreg:$0x1] =	wrdreg $0xFFFFFFFF  }
0xc1: {  	_ =	task.clear_ibuf [dreg:s6], $0x2FFFF;
	_ =	strace $0x9FFFFFFF  }
0xc2: {  	(tm) =	ssettm $0x7FFFFFFF  }
0xc3: {  	_ =	shalt  }
tec
execute0_lowered:
.L_overlay_start_1:
0x0: {  	(tag) =	ssettag $0x1  }
0x1: {  	s0 =	rddreg [dreg:$0x0]  }
0x2: {  	s1 =	rddreg [dreg:$0x1];
	s3 =	simm.s32 $0x0  }
0x3: {  	s2 =	srdreg.scid;
	s9 =	stileid.u32;
	s30 =	simm.s32 $0xA800  }
0x4: {  	s31 =	simm.s32 $0x2;
	[smem:$0x7FF] =	sst s3;
	s8 =	smul.u32 $0x14000, s9  }
0x5: {  	s2 =	sand.u32 $0x1, s2;
	s7 =	sshll.u32 s9, $0xB;
	s21 =	smul.u32 $0x50000, s9  }
0x6: {  	s4 =	sadd.s32 $0x24200, s0;
	s5 =	smul.u32 $0x140000, s2;
	s6 =	sshll.u32 s2, $0xF  }
0x7: {  	_ =	strace $0x8000004A;
	s2 =	ssub.s32 $0x2, s2;
	s6 =	sor.u32 s7, s6  }
0x8: {  	s22 =	sshrl.u32 s2, $0x1;
	s23 =	sshrl.u32 s21, $0x2;
	s6 =	sadd.s32 s6, s0  }
0x9: {  	s5 =	sadd.s32 s8, s5;
	s2 =	ssub.s32 s2, s22;
	s24 =	sadd.s32 $0x4200, s6  }
0xa: {  	s5 =	sshrl.u32 s5, $0x3;
	s6 =	sadd.s32 $0x14200, s6;
	[dreg:$0x3] =	wrdreg s24  }
0xb: {  	s25 =	smax.u32 s2, $0x1;
	s2 =	simm.s32 $0x50;
	[dreg:$0x4] =	wrdreg s6  }
0xc: {  	s0 =	sadd.s32 s5, s0;
	s5 =	sadd.s32 s23, s1;
	[dreg:$0x6] =	wrdreg s25  }
0xd: {  	s6 =	simm.s32 $0x1;
	s0 =	sadd.s32 $0x74A00, s0;
	s26 =	sadd.s32 $0x1000, s5  }
0xe: {  	s11 =	sadd.s32 $0x2000, s5;
	s12 =	sadd.s32 $0x3000, s5;
	s13 =	sadd.s32 $0x4000, s5  }
0xf: {  	s14 =	sadd.s32 $0x5000, s5;
	s15 =	sadd.s32 $0x6000, s5;
	s16 =	sadd.s32 $0x7000, s5  }
0x10: {  	s17 =	sadd.s32 $0x8000, s5;
	s18 =	sadd.s32 $0x9000, s5;
	s19 =	sadd.s32 $0xA000, s5  }
0x11: {  	s20 =	sadd.s32 $0xB000, s5;
	s21 =	sadd.s32 $0xC000, s5;
	s22 =	sadd.s32 $0xD000, s5  }
0x12: {  	s23 =	sadd.s32 $0xE000, s5;
	s24 =	sadd.s32 $0xF000, s5;
	s25 =	sadd.s32 $0x10000, s5  }
0x13: {  	s28 =	sadd.s32 $0x12000, s5;
	s29 =	sadd.s32 $0x13000, s5;
	[dreg:$0x5] =	wrdreg s0  }
0x14: {  	v0 =	vimm.f32 $0.0e+00;
	[dreg:$0x7] =	wrdreg s26;
	s26 =	sadd.s32 $0x11000, s5;
	s0 =	simm.s32 $0x8000  }
.LBB2_1:
0x15: {  	s7 =	simm.s32 $0x0;
	s8 =	simm.s32 $0x200  }
.LBB2_2:
0x16: {  	p0 =	sne.s32 s8, $0x3E00;
	[tilespmem:s7+$0xA870] =	vst v0  }
0x17: {  	[tilespmem:s7+$0xA800] =	vst v0  }
0x18: {  	[tilespmem:s7+$0xA810] =	vst v0  }
.Ltmp0:
0x19: {  	[tilespmem:s7+$0xA820] =	vst v0;
	(pc) =	sbr.rel @p0 .LBB2_2-.Ltmp0, $4  }
0x1a: {  	[tilespmem:s7+$0xA830] =	vst v0  }
0x1b: {  	[tilespmem:s7+$0xA840] =	vst v0  }
0x1c: {  	[tilespmem:s7+$0xA850] =	vst v0  }
0x1d: {  	[tilespmem:s7+$0xA860] =	vst v0;
	s7 =	sshra.s32 s8, $0x2;
	s8 =	sadd.s32 $0x200, s8  }
0x1e: {  	[tilespmem:s7+$0xA870] =	vst v0  }
0x1f: {  	[tilespmem:s7+$0xA800] =	vst v0  }
0x20: {  	[tilespmem:s7+$0xA810] =	vst v0  }
0x21: {  	[tilespmem:s7+$0xA820] =	vst v0  }
0x22: {  	[tilespmem:s7+$0xA830] =	vst v0  }
0x23: {  	[tilespmem:s7+$0xA840] =	vst v0  }
0x24: {  	[tilespmem:s7+$0xA850] =	vst v0  }
0x25: {  	[tilespmem:s7+$0xA860] =	vst v0  }
0x26: {  	[spmem:s5] =	stream.linear.scatter [tilespmem:s30], [sflag:$0x2], $0x1000, $0x38;
	[tilespmem:$0x1F800] =	vst v63  }
0x27: {  	_ =	swait.ge [sflag:s31], $0x1000  }
0x28: {  	[sflag:s31] =	ssyncset.done $0x0  }
0x29: {  	s9 =	rddreg [dreg:$0x7];
	[sflag:s31] =	ssyncadd.s32 $0xFFFFF000  }
0x2a: {  	[spmem:s9] =	stream.linear.scatter [tilespmem:s30], [sflag:$0x2], $0x1000, $0x38;
	[tilespmem:$0x1F800] =	vst v63  }
0x2b: {  	_ =	swait.ge [sflag:s31], $0x1000  }
0x2c: {  	[sflag:s31] =	ssyncset.done $0x0  }
0x2d: {  	[sflag:s31] =	ssyncadd.s32 $0xFFFFF000  }
0x2e: {  	[spmem:s11] =	stream.linear.scatter [tilespmem:s30], [sflag:$0x2], $0x1000, $0x38;
	[tilespmem:$0x1F800] =	vst v63  }
0x2f: {  	_ =	swait.ge [sflag:s31], $0x1000  }
0x30: {  	[sflag:s31] =	ssyncset.done $0x0  }
0x31: {  	[sflag:s31] =	ssyncadd.s32 $0xFFFFF000  }
0x32: {  	[spmem:s12] =	stream.linear.scatter [tilespmem:s30], [sflag:$0x2], $0x1000, $0x38;
	[tilespmem:$0x1F800] =	vst v63  }
0x33: {  	_ =	swait.ge [sflag:s31], $0x1000  }
0x34: {  	[sflag:s31] =	ssyncset.done $0x0  }
0x35: {  	[sflag:s31] =	ssyncadd.s32 $0xFFFFF000  }
0x36: {  	[spmem:s13] =	stream.linear.scatter [tilespmem:s30], [sflag:$0x2], $0x1000, $0x38;
	[tilespmem:$0x1F800] =	vst v63  }
0x37: {  	_ =	swait.ge [sflag:s31], $0x1000  }
0x38: {  	[sflag:s31] =	ssyncset.done $0x0  }
0x39: {  	[sflag:s31] =	ssyncadd.s32 $0xFFFFF000  }
0x3a: {  	[spmem:s14] =	stream.linear.scatter [tilespmem:s30], [sflag:$0x2], $0x1000, $0x38;
	[tilespmem:$0x1F800] =	vst v63  }
0x3b: {  	_ =	swait.ge [sflag:s31], $0x1000  }
0x3c: {  	[sflag:s31] =	ssyncset.done $0x0  }
0x3d: {  	[sflag:s31] =	ssyncadd.s32 $0xFFFFF000  }
0x3e: {  	[spmem:s15] =	stream.linear.scatter [tilespmem:s30], [sflag:$0x2], $0x1000, $0x38;
	[tilespmem:$0x1F800] =	vst v63  }
0x3f: {  	_ =	swait.ge [sflag:s31], $0x1000  }
0x40: {  	[sflag:s31] =	ssyncset.done $0x0  }
0x41: {  	[sflag:s31] =	ssyncadd.s32 $0xFFFFF000  }
0x42: {  	[spmem:s16] =	stream.linear.scatter [tilespmem:s30], [sflag:$0x2], $0x1000, $0x38;
	[tilespmem:$0x1F800] =	vst v63  }
0x43: {  	_ =	swait.ge [sflag:s31], $0x1000  }
0x44: {  	[sflag:s31] =	ssyncset.done $0x0  }
0x45: {  	[sflag:s31] =	ssyncadd.s32 $0xFFFFF000  }
0x46: {  	[spmem:s17] =	stream.linear.scatter [tilespmem:s30], [sflag:$0x2], $0x1000, $0x38;
	[tilespmem:$0x1F800] =	vst v63  }
0x47: {  	_ =	swait.ge [sflag:s31], $0x1000  }
0x48: {  	[sflag:s31] =	ssyncset.done $0x0  }
0x49: {  	[sflag:s31] =	ssyncadd.s32 $0xFFFFF000  }
0x4a: {  	[spmem:s18] =	stream.linear.scatter [tilespmem:s30], [sflag:$0x2], $0x1000, $0x38;
	[tilespmem:$0x1F800] =	vst v63  }
0x4b: {  	_ =	swait.ge [sflag:s31], $0x1000  }
0x4c: {  	[sflag:s31] =	ssyncset.done $0x0  }
0x4d: {  	[sflag:s31] =	ssyncadd.s32 $0xFFFFF000  }
0x4e: {  	[spmem:s19] =	stream.linear.scatter [tilespmem:s30], [sflag:$0x2], $0x1000, $0x38;
	[tilespmem:$0x1F800] =	vst v63  }
0x4f: {  	_ =	swait.ge [sflag:s31], $0x1000  }
0x50: {  	[sflag:s31] =	ssyncset.done $0x0  }
0x51: {  	[sflag:s31] =	ssyncadd.s32 $0xFFFFF000  }
0x52: {  	[spmem:s20] =	stream.linear.scatter [tilespmem:s30], [sflag:$0x2], $0x1000, $0x38;
	[tilespmem:$0x1F800] =	vst v63  }
0x53: {  	_ =	swait.ge [sflag:s31], $0x1000  }
0x54: {  	[sflag:s31] =	ssyncset.done $0x0  }
0x55: {  	[sflag:s31] =	ssyncadd.s32 $0xFFFFF000  }
0x56: {  	[spmem:s21] =	stream.linear.scatter [tilespmem:s30], [sflag:$0x2], $0x1000, $0x38;
	[tilespmem:$0x1F800] =	vst v63  }
0x57: {  	_ =	swait.ge [sflag:s31], $0x1000  }
0x58: {  	[sflag:s31] =	ssyncset.done $0x0  }
0x59: {  	[sflag:s31] =	ssyncadd.s32 $0xFFFFF000  }
0x5a: {  	[spmem:s22] =	stream.linear.scatter [tilespmem:s30], [sflag:$0x2], $0x1000, $0x38;
	[tilespmem:$0x1F800] =	vst v63  }
0x5b: {  	_ =	swait.ge [sflag:s31], $0x1000  }
0x5c: {  	[sflag:s31] =	ssyncset.done $0x0  }
0x5d: {  	[sflag:s31] =	ssyncadd.s32 $0xFFFFF000  }
0x5e: {  	[spmem:s23] =	stream.linear.scatter [tilespmem:s30], [sflag:$0x2], $0x1000, $0x38;
	[tilespmem:$0x1F800] =	vst v63  }
0x5f: {  	_ =	swait.ge [sflag:s31], $0x1000  }
0x60: {  	[sflag:s31] =	ssyncset.done $0x0  }
0x61: {  	[sflag:s31] =	ssyncadd.s32 $0xFFFFF000  }
0x62: {  	[spmem:s24] =	stream.linear.scatter [tilespmem:s30], [sflag:$0x2], $0x1000, $0x38;
	[tilespmem:$0x1F800] =	vst v63  }
0x63: {  	_ =	swait.ge [sflag:s31], $0x1000  }
0x64: {  	[sflag:s31] =	ssyncset.done $0x0  }
0x65: {  	[sflag:s31] =	ssyncadd.s32 $0xFFFFF000  }
0x66: {  	[spmem:s25] =	stream.linear.scatter [tilespmem:s30], [sflag:$0x2], $0x1000, $0x38;
	[tilespmem:$0x1F800] =	vst v63  }
0x67: {  	_ =	swait.ge [sflag:s31], $0x1000  }
0x68: {  	[sflag:s31] =	ssyncset.done $0x0  }
0x69: {  	[sflag:s31] =	ssyncadd.s32 $0xFFFFF000  }
0x6a: {  	[spmem:s26] =	stream.linear.scatter [tilespmem:s30], [sflag:$0x2], $0x1000, $0x38;
	[tilespmem:$0x1F800] =	vst v63  }
0x6b: {  	_ =	swait.ge [sflag:s31], $0x1000  }
0x6c: {  	[sflag:s31] =	ssyncset.done $0x0  }
0x6d: {  	[sflag:s31] =	ssyncadd.s32 $0xFFFFF000  }
0x6e: {  	[spmem:s28] =	stream.linear.scatter [tilespmem:s30], [sflag:$0x2], $0x1000, $0x38;
	[tilespmem:$0x1F800] =	vst v63  }
0x6f: {  	_ =	swait.ge [sflag:s31], $0x1000  }
0x70: {  	[sflag:s31] =	ssyncset.done $0x0  }
0x71: {  	[sflag:s31] =	ssyncadd.s32 $0xFFFFF000  }
0x72: {  	[spmem:s29] =	stream.linear.scatter [tilespmem:s30], [sflag:$0x2], $0x1000, $0x38;
	[tilespmem:$0x1F800] =	vst v63  }
0x73: {  	_ =	swait.ge [sflag:s31], $0x1000  }
0x74: {  	[sflag:s31] =	ssyncset.done $0x0  }
0x75: {  	s7 =	simm.s32 $0x0;
	s8 =	rddreg [dreg:$0x3];
	[sflag:s31] =	ssyncadd.s32 $0xFFFFF000  }
0x76: {  	[tilespmem:s7], [sflag:$0x2] =	stream.linear.gather [hbm4b:s8+s7], $0x3E80, $0x38;
	[tilespmem:$0x1F800] =	vst v63  }
0x77: {  	_ =	swait.ge [sflag:s31], $0x3E80  }
0x78: {  	[sflag:s31] =	ssyncset.done $0x0  }
0x79: {  	s9 =	simm.s32 $0x4000;
	s10 =	rddreg [dreg:$0x4];
	[sflag:s31] =	ssyncadd.s32 $0xFFFFC180  }
0x7a: {  	[tilespmem:s9], [sflag:$0x2] =	stream.linear.gather [hbm4b:s10+s7], $0x3E80, $0x38;
	[tilespmem:$0x1F800] =	vst v63  }
0x7b: {  	_ =	swait.ge [sflag:s31], $0x3E80  }
0x7c: {  	[sflag:s31] =	ssyncset.done $0x0  }
0x7d: {  	[sflag:s31] =	ssyncadd.s32 $0xFFFFC180  }
0x7e: {  	s9 =	simm.s32 $0x0;
	[bflag:$0x0] =	sbarrier.arrive $0xFFFF  }
0x7f: {  	[tilespmem:s0], [sflag:$0x1] =	stream.indirect.gather [hbm4b:s4+s2], $0x80, s9, s2, $0xb8;
	[tilespmem:$0x1F800] =	vst v63  }
0x80: {  	_ =	swait.ge [sflag:s6], $0x2800  }
0x81: {  	[sflag:s6] =	ssyncset.done $0x0  }
0x82: {  	s10 =	simm.s32 $0x4000;
	[sflag:s6] =	ssyncadd.s32 $0xFFFFD800  }
0x83: {  	[spmem:s1] =	stream.indirect.scatter.add.f32 [tilespmem:s0], [sflag:$0x2], $0x80, s10, s2, $0xb8;
	[tilespmem:$0x1F800] =	vst v63  }
0x84: {  	_ =	swait.ge [sflag:s31], $0x2800  }
0x85: {  	s8 =	simm.s32 $0x400;
	s7 =	simm.s32 $0x200;
	[sflag:s31] =	ssyncset.done $0x0  }
.LBB2_4:
0x86: {  	s9 =	sshra.s32 s7, $0x2  }
0x87: {  	[sflag:s31] =	ssyncadd.s32 $0xFFFFD800;
	s7 =	smov.u32 s8;
	s10 =	sadd.s32 $0x200, s8  }
0x88: {  	[tilespmem:s0], [sflag:$0x1] =	stream.indirect.gather [hbm4b:s4+s2], $0x80, s9, s2, $0xb8;
	[tilespmem:$0x1F800] =	vst v63  }
0x89: {  	p0 =	sne.s32 s8, $0xF800;
	_ =	swait.ge [sflag:s6], $0x2800  }
.Ltmp1:
0x8a: {  	[sflag:s6] =	ssyncset.done $0x0;
	(pc) =	sbr.rel @p0 .LBB2_4-.Ltmp1, $4  }
0x8b: {  	s8 =	sadd.s32 $0x4000, s9;
	[sflag:s6] =	ssyncadd.s32 $0xFFFFD800  }
0x8c: {  	[spmem:s1] =	stream.indirect.scatter.add.f32 [tilespmem:s0], [sflag:$0x2], $0x80, s8, s2, $0xb8;
	[tilespmem:$0x1F800] =	vst v63  }
0x8d: {  	_ =	swait.ge [sflag:s31], $0x2800  }
0x8e: {  	s8 =	smov.u32 s10;
	[sflag:s31] =	ssyncset.done $0x0  }
0x8f: {  	s7 =	sshra.s32 s7, $0x2;
	[sflag:s31] =	ssyncadd.s32 $0xFFFFD800  }
0x90: {  	[tilespmem:s0], [sflag:$0x1] =	stream.indirect.gather [hbm4b:s4+s2], $0x80, s7, s2, $0xb8;
	[tilespmem:$0x1F800] =	vst v63  }
0x91: {  	_ =	swait.ge [sflag:s6], $0x2800  }
0x92: {  	[sflag:s6] =	ssyncset.done $0x0  }
0x93: {  	s7 =	sadd.s32 $0x4000, s7;
	[sflag:s6] =	ssyncadd.s32 $0xFFFFD800  }
0x94: {  	[spmem:s1] =	stream.indirect.scatter.add.f32 [tilespmem:s0], [sflag:$0x2], $0x80, s7, s2, $0xb8;
	[tilespmem:$0x1F800] =	vst v63  }
0x95: {  	_ =	swait.ge [sflag:s31], $0x2800  }
0x96: {  	[sflag:s31] =	ssyncset.done $0x0  }
0x97: {  	s9 =	stileid.u32;
	[sflag:s31] =	ssyncadd.s32 $0xFFFFD800  }
0x98: {  	s7 =	sshll.u32 s9, $0x6;
	[bflag:$0x0] =	sbarrier.arrive $0xFFFF  }
0x99: {  	s8 =	sshrl.u32 s5, $0x3;
	s7 =	sor.u32 $0x1C02, s7;
	s9 =	rddreg [dreg:$0x5]  }
0x9a: {  	[hbm:s9], [sflag:s7] =	dma.local [spmem:s8], $0x2800  }
0x9b: {  	_ =	swait.ge [sflag:s31], $0x2800  }
0x9c: {  	s3 =	sadd.s32 $0x1, s3;
	s10 =	rddreg [dreg:$0x6]  }
0x9d: {  	p0 =	sne.s32 s3, s10  }
.Ltmp2:
0x9e: {  	_ = 	snop;
	(pc) =	sbr.rel @p0 .LBB2_1-.Ltmp2, $3  }
0x9f: {  	_ =	sdelay $0x1  }
0xa0: {  	[sflag:s31] =	ssyncset.done $0x0  }
0xa1: {  	[sflag:s31] =	ssyncadd.s32 $0xFFFFD800  }
0xa2: {  	_ =	sfence.sel $0x180000  }
0xa3: {  	[bflag:$0x0] =	sbarrier.arrive $0xFFFF  }
0xa4: {  	_ =	strace $0x9000004A  }
0xa5: {  	s0 =	stileid.u32;
	[bflag:$0x2] =	sbarrier.arrive $0xFFFF  }
0xa6: {  	p0 =	sne.s32 s0, $0x0;
	s0 =	rddreg [dreg:$0x2]  }
0xa7: {  	s0 =	sadd.s32 @!p0 $0x100000, s0  }
0xa8: {  	[sflag:s0] =	ssyncadd.tile.s32 @!p0 $0x1;
	_ =	shalt  }
.Lfunc_end2:
_tile_overlayer_lowered:
.L_overlay_start_2:
0xa9: {  	(tag) =	ssettag $0x2  }
0xaa: {  	s0 =	rddreg [dreg:$0x0];
	s2 =	stileid.u32  }
0xab: {  	s1 =	rddreg [dreg:$0x1];
	p0 =	sne.s32 s2, $0x0  }
0xac: {  	s3 =	rddreg [dreg:$0x2];
	[bflag:$0x3] =	sbarrier.arrive $0xFFFF;
	s2 =	simm.s32 @!p0 $0x1C02  }
0xad: {  	[timem:s3], [sflag:s2] =	dma.local @!p0 [hbm:s0], s1  }
0xae: {  	s0 =	simm.s32 @!p0 $0x2  }
0xaf: {  	_ =	swait.ge @!p0 [sflag:s0], s1  }
0xb0: {  	s1 =	ssub.s32 @!p0 $0x0, s1;
	[sflag:s0] =	ssyncset.done @!p0 $0x0  }
0xb1: {  	[sflag:s0] =	ssyncadd.s32 @!p0 s1  }
0xb2: {  	[bflag:$0x3] =	sbarrier.arrive $0xFFFF  }
0xb3: {  	_ =	shalt  }

// kernel: kernel.19.cloned.1.call-start
scs
__scs_entry_jumppad:
0x0: {  	(pc) =	sbr.rel $0x88, $3  }
0x1: {  	(tag) =	ssettag $0x0;
	lr =	simm.s32 $0x1  }
0x2: {  	[smem:$0x3F95] =	sst lr;
	_ =	strace $0xD0000000  }
0x3: {  	_ = 	snop  }
0x4: {  	_ = 	snop  }
0x5: {  	_ = 	snop  }
0x6: {  	_ = 	snop  }
0x7: {  	_ = 	snop  }
__scs_overlays_trampoline_lowered:
0x8: {  	[smem:$0x3FA4] =	sst s0  }
0x9: {  	[smem:$0x3FA5] =	sst s1  }
0xa: {  	[smem:$0x3FA6] =	sst s2  }
0xb: {  	[smem:$0x3FA7] =	sst s3  }
0xc: {  	[smem:$0x3FA8] =	sst s4  }
0xd: {  	[smem:$0x3FA9] =	sst s5  }
0xe: {  	[smem:$0x3FAA] =	sst s6  }
0xf: {  	[smem:$0x3FAB] =	sst s7  }
0x10: {  	[smem:$0x3FAC] =	sst s8  }
0x11: {  	[smem:$0x3FAD] =	sst s9;
	s0 =	simm.s32 @!p0 $0x0  }
0x12: {  	s1 =	sld [smem:$0x3F93];
	s0 =	simm.s32 @p0 $0x1  }
0x13: {  	[smem:$0x3FAE] =	sst s0;
	s0 =	simm.s32 @!p1 $0x0  }
0x14: {  	s2 =	sld [smem:$0x3F92];
	s0 =	simm.s32 @p1 $0x1  }
0x15: {  	[smem:$0x3FAF] =	sst s0;
	s0 =	simm.s32 @!p2 $0x0  }
0x16: {  	s3 =	sld [smem:$0x3FDB];
	s0 =	simm.s32 @p2 $0x1  }
0x17: {  	s4 =	simm.s32 $0x1BF5;
	[smem:$0x3FB1] =	sst s0  }
0x18: {  	s0 =	sld [smem:$0x3F94];
	_ =	swait.ge [sflag:s4], $0x0  }
0x19: {  	s7 =	sld [smem:$0x3F95]  }
0x1a: {  	s8 =	sadd.s32 $0xFFFFE003, lr  }
0x1b: {  	s9 =	sadd.s32 $0xFFFFFEF7, lr;
	s5 =	simm.s32 $0xFFFFFFFF;
	p2 =	slt.u32 s8, $0xFFFFF086  }
0x1c: {  	p1 =	slt.u32 s9, $0xF7A;
	s5 =	simm.s32 @!p2 $0x0  }
0x1d: {  	s5 =	simm.s32 @p1 $0x1;
	p0 =	seq.s32 s7, s2  }
0x1e: {  	s7 =	smul.u32 @!p0 $0xF7A, s2;
	p2 =	seq.s32 @!p0 s5, $0x0  }
0x1f: {  	s9 =	smul.u32 $0xF7A, s1;
	s8 =	simm.s32 @!p0 $0x1BF5;
	p2 =	por !p2, p0  }
0x20: {  	[sflag:s8] =	ssyncset.s32 @!p0 $0xFFFFF086;
	s6 =	sadd.s32 @!p0 s3, s7;
	s7 =	simm.s32 @!p0 $0x108  }
0x21: {  	s3 =	sadd.s32 s3, s9;
	s6 =	sadd.s32 @!p0 $0x88, s6;
	s7 =	simm.s32 @p2 $0x1082  }
0x22: {  	[simem:s7], [sflag:s8] =	dma.local @!p0 [hbm:s6], $0xF7A  }
0x23: {  	s9 =	sor.u32 $0xD0000000, s2;
	s6 =	simm.s32 $0x108;
	_ =	swait.ge @!p0 [sflag:s8], $0x0  }
0x24: {  	s3 =	sadd.s32 $0x88, s3;
	s6 =	simm.s32 @!p1 $0x1082;
	[sflag:s4] =	ssyncset.s32 $0xFFFFF086  }
0x25: {  	[simem:s6], [sflag:s4] =	dma.local [hbm:s3], $0xF7A  }
0x26: {  	[smem:$0x3F95] =	sst s1;
	(tag) =	ssettag s2;
	_ =	strace s9  }
0x27: {  	s1 =	sld [smem:$0x3FA5]  }
0x28: {  	s2 =	sld [smem:$0x3FA6]  }
0x29: {  	s4 =	sld [smem:$0x3FA8]  }
0x2a: {  	p0 =	seq.s32 s5, $0x0;
	s5 =	sld [smem:$0x3FA9]  }
0x2b: {  	s6 =	sld [smem:$0x3FAA]  }
0x2c: {  	s7 =	sld [smem:$0x3FAB]  }
0x2d: {  	s3 =	simm.s32 $0x108;
	s8 =	sld [smem:$0x3FAC]  }
0x2e: {  	s3 =	simm.s32 @!p0 $0x1082;
	s9 =	sld [smem:$0x3FAD]  }
0x2f: {  	lr =	sadd.s32 s0, s3;
	s0 =	sld [smem:$0x3FA4]  }
0x30: {  	s3 =	sld [smem:$0x3FA7]  }
0x31: {  	[smem:$0x3FB0] =	sst s10  }
0x32: {  	s10 =	sld [smem:$0x3FAE];
	_ =	sdelay $0x3  }
0x33: {  	p0 =	seq.s32 s10, $0x1;
	s10 =	sld [smem:$0x3FB0];
	_ =	sdelay $0x3  }
0x34: {  	[smem:$0x3FB0] =	sst s10  }
0x35: {  	s10 =	sld [smem:$0x3FAF];
	_ =	sdelay $0x3  }
0x36: {  	p1 =	seq.s32 s10, $0x1;
	s10 =	sld [smem:$0x3FB0];
	_ =	sdelay $0x3  }
0x37: {  	[smem:$0x3FB0] =	sst s10  }
0x38: {  	s10 =	sld [smem:$0x3FB1]  }
0x39: {  	_ = 	snop;
	(pc) =	sbr.ind lr, $3  }
0x3a: {  	_ = 	snop  }
0x3b: {  	_ = 	snop  }
0x3c: {  	p2 =	seq.s32 s10, $0x1;
	s10 =	sld [smem:$0x3FB0]  }
0x3d: {  	_ =	shalt  }
0x3e: {  	_ =	shalt  }
0x3f: {  	_ =	shalt  }
0x40: {  	_ =	shalt  }
0x41: {  	_ =	shalt  }
0x42: {  	_ =	shalt  }
0x43: {  	_ =	shalt  }
0x44: {  	_ =	shalt  }
0x45: {  	_ =	shalt  }
0x46: {  	_ =	shalt  }
0x47: {  	_ =	shalt  }
0x48: {  	_ =	shalt  }
0x49: {  	_ =	shalt  }
0x4a: {  	_ =	shalt  }
0x4b: {  	_ =	shalt  }
0x4c: {  	_ =	shalt  }
0x4d: {  	_ =	shalt  }
0x4e: {  	_ =	shalt  }
0x4f: {  	_ =	shalt  }
0x50: {  	_ =	shalt  }
0x51: {  	_ =	shalt  }
0x52: {  	_ =	shalt  }
0x53: {  	_ =	shalt  }
0x54: {  	_ =	shalt  }
0x55: {  	_ =	shalt  }
0x56: {  	_ =	shalt  }
0x57: {  	_ =	shalt  }
0x58: {  	_ =	shalt  }
0x59: {  	_ =	shalt  }
0x5a: {  	_ =	shalt  }
0x5b: {  	_ =	shalt  }
0x5c: {  	_ =	shalt  }
0x5d: {  	_ =	shalt  }
0x5e: {  	_ =	shalt  }
0x5f: {  	_ =	shalt  }
0x60: {  	_ =	shalt  }
0x61: {  	_ =	shalt  }
0x62: {  	_ =	shalt  }
0x63: {  	_ =	shalt  }
0x64: {  	_ =	shalt  }
0x65: {  	_ =	shalt  }
0x66: {  	_ =	shalt  }
0x67: {  	_ =	shalt  }
0x68: {  	_ =	shalt  }
0x69: {  	_ =	shalt  }
0x6a: {  	_ =	shalt  }
0x6b: {  	_ =	shalt  }
0x6c: {  	_ =	shalt  }
0x6d: {  	_ =	shalt  }
0x6e: {  	_ =	shalt  }
0x6f: {  	_ =	shalt  }
0x70: {  	_ =	shalt  }
0x71: {  	_ =	shalt  }
0x72: {  	_ =	shalt  }
0x73: {  	_ =	shalt  }
0x74: {  	_ =	shalt  }
0x75: {  	_ =	shalt  }
0x76: {  	_ =	shalt  }
0x77: {  	_ =	shalt  }
0x78: {  	_ =	shalt  }
0x79: {  	_ =	shalt  }
0x7a: {  	_ =	shalt  }
0x7b: {  	_ =	shalt  }
0x7c: {  	_ =	shalt  }
0x7d: {  	_ =	shalt  }
0x7e: {  	_ =	shalt  }
0x7f: {  	_ =	shalt  }
0x80: {  	_ =	shalt  }
0x81: {  	_ =	shalt  }
0x82: {  	_ =	shalt  }
0x83: {  	_ =	shalt  }
0x84: {  	_ =	shalt  }
0x85: {  	_ =	shalt  }
0x86: {  	_ =	shalt  }
0x87: {  	_ =	shalt  }
.Lfunc_end0:
.L_simem_size_0:
called_computation.2_lowered:
.L_overlay_start_0:
0x88: {  	s2 =	sld [smem:$0x3FD9]  }
0x89: {  	s3 =	sld [smem:$0x3FFE];
	_ =	sdelay $0x1  }
0x8a: {  	s1 =	srdreg.scid  }
0x8b: {  	s0 =	sand.u32 $0x1, s1  }
0x8c: {  	s16 =	sshll.u32 s0, $0xA;
	s2 =	sadd.s32 s3, s2  }
0x8d: {  	s2 =	sadd.s32 s2, s16  }
0x8e: {  	[smem:$0x3FBC] =	sst s2  }
0x8f: {  	_ = 	snop  }
0x90: {  	(tm) =	ssettm $0x1  }
0x91: {  	s17 =	sld [smem:$0x3FFB];
	_ =	sdelay $0x3  }
0x92: {  	_ =	strace s17  }
0x93: {  	s2 =	sld [smem:$0x3FFC];
	_ =	sdelay $0x3  }
0x94: {  	_ =	strace s2  }
0x95: {  	s2 =	sld [smem:$0x3FFD];
	_ =	sdelay $0x3  }
0x96: {  	_ =	strace s2  }
0x97: {  	_ =	strace $0x8FFFFFFF  }
0x98: {  	s18 =	sld [smem:$0x3FDB];
	_ =	sdelay $0x1  }
0x99: {  	s19 =	simm.s32 $_scs_section_size  }
0x9a: {  	s4 =	simm.s32 $_size__tile_overlayer_lowered;
	s5 =	simm.s32 $_tile_overlayer_lowered  }
0x9b: {  	s22 =	simm.s32 $0x1BFF;
	s21 =	sshll.u32 s5, $0x1;
	s2 =	sadd.s32 s19, s18  }
0x9c: {  	s6 =	simm.s32 $0x0;
	s20 =	sshll.u32 s4, $0x1;
	s4 =	sadd.s32 s21, s2  }
0x9d: {  	[timem:s6], [sflag:s22] =	dma.local [hbm:s4], s20  }
0x9e: {  	_ =	swait.ge [sflag:s22], s20  }
0x9f: {  	s3 =	ssub.s32 $0x0, s20;
	[sflag:s22] =	ssyncset.done $0x0  }
0xa0: {  	[sflag:s22] =	ssyncadd.s32 s3;
	_ =	sdelay $0x1  }
0xa1: {  	s23 =	simm.s32 $0x1B8B  }
0xa2: {  	_ =	swait.ge [sflag:s23], $0x1  }
0xa3: {  	[sflag:s23] =	ssyncset.done $0x0  }
0xa4: {  	s25 =	simm.s32 $0x1B8E;
	s24 =	sld [smem:$0x3FFE];
	[sflag:s23] =	ssyncadd.s32 $0xFFFFFFFF  }
0xa5: {  	s26 =	simm.s32 $execute0_lowered;
	[smem:$0x3FD2] =	sst s25  }
0xa6: {  	s4 =	sshll.u32 s26, $0x1;
	_ =	strace $0x8000004C;
	[dreg:$0x1] =	wrdreg $0xFFFFFFFF  }
0xa7: {  	s28 =	simm.s32 $_size_execute0_lowered;
	s2 =	sadd.s32 s2, s4;
	[dreg:$0x0] =	wrdreg $0x0  }
0xa8: {  	s4 =	sshll.u32 s28, $0x1;
	[dreg:$0x2] =	wrdreg s2  }
0xa9: {  	[dreg:$0x3] =	wrdreg s4  }
0xaa: {  	[dreg:$0x4] =	wrdreg $0xC0  }
0xab: {  	_ =	task [dreg:s6], $0x5FFFF  }
0xac: {  	[dreg:$0x1] =	wrdreg $0xFFFFFFFF  }
0xad: {  	[dreg:$0x0] =	wrdreg $0x60  }
0xae: {  	[dreg:$0x2] =	wrdreg s24  }
0xaf: {  	[dreg:$0x3] =	wrdreg $0xB8000  }
0xb0: {  	[dreg:$0x4] =	wrdreg $0x9  }
0xb1: {  	_ =	task.clear_ibuf [dreg:s6], $0x5FFFF;
	_ =	strace $0x9000004C  }
0xb2: {  	s29 =	simm.s32 $0x9;
	_ =	strace $0x8000004E  }
0xb3: {  	_ =	swait.ge [sflag:s29], $0x1  }
0xb4: {  	[sflag:s29] =	ssyncadd.s32 $0xFFFFFFFF  }
0xb5: {  	_ =	strace $0x9000004E  }
0xb6: {  	_ =	sfence  }
0xb7: {  	s30 =	sld [smem:$0x0];
	_ =	sdelay $0x2  }
0xb8: {  	s31 =	sshll.u32 s1, $0xD;
	s1 =	sshrl.u32 s1, $0x2  }
0xb9: {  	s3 =	sand.u32 $0x4000, s31;
	s1 =	sadd.s32 s1, s30  }
0xba: {  	s0 =	sor.u32 s3, s0;
	s1 =	sshll.u32 s1, $0x11  }
0xbb: {  	s0 =	sor.u32 s1, s0  }
0xbc: {  	s0 =	sadd.s32 $0x8F2B, s0  }
0xbd: {  	[sflag:s0] =	ssyncadd.remote.s32 $0x1  }
0xbe: {  	_ =	sfence.sel $0xFFFF  }
0xbf: {  	[dreg:$0x0] =	wrdreg $0xFFFFFFFF;
	(pc) =	sbr.abs _section_cstart, $3  }
0xc0: {  	[dreg:$0x1] =	wrdreg $0xFFFFFFFF  }
0xc1: {  	_ =	task.clear_ibuf [dreg:s6], $0x2FFFF;
	_ =	strace $0x9FFFFFFF  }
0xc2: {  	(tm) =	ssettm $0x7FFFFFFF  }
0xc3: {  	_ =	shalt  }
tec
execute0_lowered:
.L_overlay_start_1:
0x0: {  	(tag) =	ssettag $0x1  }
0x1: {  	s0 =	rddreg [dreg:$0x0]  }
0x2: {  	s1 =	rddreg [dreg:$0x1];
	s3 =	simm.s32 $0x0  }
0x3: {  	s2 =	srdreg.scid;
	s9 =	stileid.u32;
	s30 =	simm.s32 $0xA800  }
0x4: {  	s31 =	simm.s32 $0x2;
	[smem:$0x7FF] =	sst s3;
	s8 =	smul.u32 $0x14000, s9  }
0x5: {  	s2 =	sand.u32 $0x1, s2;
	s7 =	sshll.u32 s9, $0xB;
	s21 =	smul.u32 $0x50000, s9  }
0x6: {  	s4 =	sadd.s32 $0x24200, s0;
	s5 =	smul.u32 $0x140000, s2;
	s6 =	sshll.u32 s2, $0xF  }
0x7: {  	_ =	strace $0x8000004D;
	s2 =	ssub.s32 $0x2, s2;
	s6 =	sor.u32 s7, s6  }
0x8: {  	s22 =	sshrl.u32 s2, $0x1;
	s23 =	sshrl.u32 s21, $0x2;
	s6 =	sadd.s32 s6, s0  }
0x9: {  	s5 =	sadd.s32 s8, s5;
	s2 =	ssub.s32 s2, s22;
	s24 =	sadd.s32 $0x4200, s6  }
0xa: {  	s5 =	sshrl.u32 s5, $0x3;
	s6 =	sadd.s32 $0x14200, s6;
	[dreg:$0x3] =	wrdreg s24  }
0xb: {  	s25 =	smax.u32 s2, $0x1;
	s2 =	simm.s32 $0x50;
	[dreg:$0x4] =	wrdreg s6  }
0xc: {  	s0 =	sadd.s32 s5, s0;
	s5 =	sadd.s32 s23, s1;
	[dreg:$0x6] =	wrdreg s25  }
0xd: {  	s6 =	simm.s32 $0x1;
	s0 =	sadd.s32 $0x74A00, s0;
	s26 =	sadd.s32 $0x1000, s5  }
0xe: {  	s11 =	sadd.s32 $0x2000, s5;
	s12 =	sadd.s32 $0x3000, s5;
	s13 =	sadd.s32 $0x4000, s5  }
0xf: {  	s14 =	sadd.s32 $0x5000, s5;
	s15 =	sadd.s32 $0x6000, s5;
	s16 =	sadd.s32 $0x7000, s5  }
0x10: {  	s17 =	sadd.s32 $0x8000, s5;
	s18 =	sadd.s32 $0x9000, s5;
	s19 =	sadd.s32 $0xA000, s5  }
0x11: {  	s20 =	sadd.s32 $0xB000, s5;
	s21 =	sadd.s32 $0xC000, s5;
	s22 =	sadd.s32 $0xD000, s5  }
0x12: {  	s23 =	sadd.s32 $0xE000, s5;
	s24 =	sadd.s32 $0xF000, s5;
	s25 =	sadd.s32 $0x10000, s5  }
0x13: {  	s28 =	sadd.s32 $0x12000, s5;
	s29 =	sadd.s32 $0x13000, s5;
	[dreg:$0x5] =	wrdreg s0  }
0x14: {  	v0 =	vimm.f32 $0.0e+00;
	[dreg:$0x7] =	wrdreg s26;
	s26 =	sadd.s32 $0x11000, s5;
	s0 =	simm.s32 $0x8000  }
.LBB2_1:
0x15: {  	s7 =	simm.s32 $0x0;
	s8 =	simm.s32 $0x200  }
.LBB2_2:
0x16: {  	p0 =	sne.s32 s8, $0x3E00;
	[tilespmem:s7+$0xA870] =	vst v0  }
0x17: {  	[tilespmem:s7+$0xA800] =	vst v0  }
0x18: {  	[tilespmem:s7+$0xA810] =	vst v0  }
.Ltmp0:
0x19: {  	[tilespmem:s7+$0xA820] =	vst v0;
	(pc) =	sbr.rel @p0 .LBB2_2-.Ltmp0, $4  }
0x1a: {  	[tilespmem:s7+$0xA830] =	vst v0  }
0x1b: {  	[tilespmem:s7+$0xA840] =	vst v0  }
0x1c: {  	[tilespmem:s7+$0xA850] =	vst v0  }
0x1d: {  	[tilespmem:s7+$0xA860] =	vst v0;
	s7 =	sshra.s32 s8, $0x2;
	s8 =	sadd.s32 $0x200, s8  }
0x1e: {  	[tilespmem:s7+$0xA870] =	vst v0  }
0x1f: {  	[tilespmem:s7+$0xA800] =	vst v0  }
0x20: {  	[tilespmem:s7+$0xA810] =	vst v0  }
0x21: {  	[tilespmem:s7+$0xA820] =	vst v0  }
0x22: {  	[tilespmem:s7+$0xA830] =	vst v0  }
0x23: {  	[tilespmem:s7+$0xA840] =	vst v0  }
0x24: {  	[tilespmem:s7+$0xA850] =	vst v0  }
0x25: {  	[tilespmem:s7+$0xA860] =	vst v0  }
0x26: {  	[spmem:s5] =	stream.linear.scatter [tilespmem:s30], [sflag:$0x2], $0x1000, $0x38;
	[tilespmem:$0x1F800] =	vst v63  }
0x27: {  	_ =	swait.ge [sflag:s31], $0x1000  }
0x28: {  	[sflag:s31] =	ssyncset.done $0x0  }
0x29: {  	s9 =	rddreg [dreg:$0x7];
	[sflag:s31] =	ssyncadd.s32 $0xFFFFF000  }
0x2a: {  	[spmem:s9] =	stream.linear.scatter [tilespmem:s30], [sflag:$0x2], $0x1000, $0x38;
	[tilespmem:$0x1F800] =	vst v63  }
0x2b: {  	_ =	swait.ge [sflag:s31], $0x1000  }
0x2c: {  	[sflag:s31] =	ssyncset.done $0x0  }
0x2d: {  	[sflag:s31] =	ssyncadd.s32 $0xFFFFF000  }
0x2e: {  	[spmem:s11] =	stream.linear.scatter [tilespmem:s30], [sflag:$0x2], $0x1000, $0x38;
	[tilespmem:$0x1F800] =	vst v63  }
0x2f: {  	_ =	swait.ge [sflag:s31], $0x1000  }
0x30: {  	[sflag:s31] =	ssyncset.done $0x0  }
0x31: {  	[sflag:s31] =	ssyncadd.s32 $0xFFFFF000  }
0x32: {  	[spmem:s12] =	stream.linear.scatter [tilespmem:s30], [sflag:$0x2], $0x1000, $0x38;
	[tilespmem:$0x1F800] =	vst v63  }
0x33: {  	_ =	swait.ge [sflag:s31], $0x1000  }
0x34: {  	[sflag:s31] =	ssyncset.done $0x0  }
0x35: {  	[sflag:s31] =	ssyncadd.s32 $0xFFFFF000  }
0x36: {  	[spmem:s13] =	stream.linear.scatter [tilespmem:s30], [sflag:$0x2], $0x1000, $0x38;
	[tilespmem:$0x1F800] =	vst v63  }
0x37: {  	_ =	swait.ge [sflag:s31], $0x1000  }
0x38: {  	[sflag:s31] =	ssyncset.done $0x0  }
0x39: {  	[sflag:s31] =	ssyncadd.s32 $0xFFFFF000  }
0x3a: {  	[spmem:s14] =	stream.linear.scatter [tilespmem:s30], [sflag:$0x2], $0x1000, $0x38;
	[tilespmem:$0x1F800] =	vst v63  }
0x3b: {  	_ =	swait.ge [sflag:s31], $0x1000  }
0x3c: {  	[sflag:s31] =	ssyncset.done $0x0  }
0x3d: {  	[sflag:s31] =	ssyncadd.s32 $0xFFFFF000  }
0x3e: {  	[spmem:s15] =	stream.linear.scatter [tilespmem:s30], [sflag:$0x2], $0x1000, $0x38;
	[tilespmem:$0x1F800] =	vst v63  }
0x3f: {  	_ =	swait.ge [sflag:s31], $0x1000  }
0x40: {  	[sflag:s31] =	ssyncset.done $0x0  }
0x41: {  	[sflag:s31] =	ssyncadd.s32 $0xFFFFF000  }
0x42: {  	[spmem:s16] =	stream.linear.scatter [tilespmem:s30], [sflag:$0x2], $0x1000, $0x38;
	[tilespmem:$0x1F800] =	vst v63  }
0x43: {  	_ =	swait.ge [sflag:s31], $0x1000  }
0x44: {  	[sflag:s31] =	ssyncset.done $0x0  }
0x45: {  	[sflag:s31] =	ssyncadd.s32 $0xFFFFF000  }
0x46: {  	[spmem:s17] =	stream.linear.scatter [tilespmem:s30], [sflag:$0x2], $0x1000, $0x38;
	[tilespmem:$0x1F800] =	vst v63  }
0x47: {  	_ =	swait.ge [sflag:s31], $0x1000  }
0x48: {  	[sflag:s31] =	ssyncset.done $0x0  }
0x49: {  	[sflag:s31] =	ssyncadd.s32 $0xFFFFF000  }
0x4a: {  	[spmem:s18] =	stream.linear.scatter [tilespmem:s30], [sflag:$0x2], $0x1000, $0x38;
	[tilespmem:$0x1F800] =	vst v63  }
0x4b: {  	_ =	swait.ge [sflag:s31], $0x1000  }
0x4c: {  	[sflag:s31] =	ssyncset.done $0x0  }
0x4d: {  	[sflag:s31] =	ssyncadd.s32 $0xFFFFF000  }
0x4e: {  	[spmem:s19] =	stream.linear.scatter [tilespmem:s30], [sflag:$0x2], $0x1000, $0x38;
	[tilespmem:$0x1F800] =	vst v63  }
0x4f: {  	_ =	swait.ge [sflag:s31], $0x1000  }
0x50: {  	[sflag:s31] =	ssyncset.done $0x0  }
0x51: {  	[sflag:s31] =	ssyncadd.s32 $0xFFFFF000  }
0x52: {  	[spmem:s20] =	stream.linear.scatter [tilespmem:s30], [sflag:$0x2], $0x1000, $0x38;
	[tilespmem:$0x1F800] =	vst v63  }
0x53: {  	_ =	swait.ge [sflag:s31], $0x1000  }
0x54: {  	[sflag:s31] =	ssyncset.done $0x0  }
0x55: {  	[sflag:s31] =	ssyncadd.s32 $0xFFFFF000  }
0x56: {  	[spmem:s21] =	stream.linear.scatter [tilespmem:s30], [sflag:$0x2], $0x1000, $0x38;
	[tilespmem:$0x1F800] =	vst v63  }
0x57: {  	_ =	swait.ge [sflag:s31], $0x1000  }
0x58: {  	[sflag:s31] =	ssyncset.done $0x0  }
0x59: {  	[sflag:s31] =	ssyncadd.s32 $0xFFFFF000  }
0x5a: {  	[spmem:s22] =	stream.linear.scatter [tilespmem:s30], [sflag:$0x2], $0x1000, $0x38;
	[tilespmem:$0x1F800] =	vst v63  }
0x5b: {  	_ =	swait.ge [sflag:s31], $0x1000  }
0x5c: {  	[sflag:s31] =	ssyncset.done $0x0  }
0x5d: {  	[sflag:s31] =	ssyncadd.s32 $0xFFFFF000  }
0x5e: {  	[spmem:s23] =	stream.linear.scatter [tilespmem:s30], [sflag:$0x2], $0x1000, $0x38;
	[tilespmem:$0x1F800] =	vst v63  }
0x5f: {  	_ =	swait.ge [sflag:s31], $0x1000  }
0x60: {  	[sflag:s31] =	ssyncset.done $0x0  }
0x61: {  	[sflag:s31] =	ssyncadd.s32 $0xFFFFF000  }
0x62: {  	[spmem:s24] =	stream.linear.scatter [tilespmem:s30], [sflag:$0x2], $0x1000, $0x38;
	[tilespmem:$0x1F800] =	vst v63  }
0x63: {  	_ =	swait.ge [sflag:s31], $0x1000  }
0x64: {  	[sflag:s31] =	ssyncset.done $0x0  }
0x65: {  	[sflag:s31] =	ssyncadd.s32 $0xFFFFF000  }
0x66: {  	[spmem:s25] =	stream.linear.scatter [tilespmem:s30], [sflag:$0x2], $0x1000, $0x38;
	[tilespmem:$0x1F800] =	vst v63  }
0x67: {  	_ =	swait.ge [sflag:s31], $0x1000  }
0x68: {  	[sflag:s31] =	ssyncset.done $0x0  }
0x69: {  	[sflag:s31] =	ssyncadd.s32 $0xFFFFF000  }
0x6a: {  	[spmem:s26] =	stream.linear.scatter [tilespmem:s30], [sflag:$0x2], $0x1000, $0x38;
	[tilespmem:$0x1F800] =	vst v63  }
0x6b: {  	_ =	swait.ge [sflag:s31], $0x1000  }
0x6c: {  	[sflag:s31] =	ssyncset.done $0x0  }
0x6d: {  	[sflag:s31] =	ssyncadd.s32 $0xFFFFF000  }
0x6e: {  	[spmem:s28] =	stream.linear.scatter [tilespmem:s30], [sflag:$0x2], $0x1000, $0x38;
	[tilespmem:$0x1F800] =	vst v63  }
0x6f: {  	_ =	swait.ge [sflag:s31], $0x1000  }
0x70: {  	[sflag:s31] =	ssyncset.done $0x0  }
0x71: {  	[sflag:s31] =	ssyncadd.s32 $0xFFFFF000  }
0x72: {  	[spmem:s29] =	stream.linear.scatter [tilespmem:s30], [sflag:$0x2], $0x1000, $0x38;
	[tilespmem:$0x1F800] =	vst v63  }
0x73: {  	_ =	swait.ge [sflag:s31], $0x1000  }
0x74: {  	[sflag:s31] =	ssyncset.done $0x0  }
0x75: {  	s7 =	simm.s32 $0x0;
	s8 =	rddreg [dreg:$0x3];
	[sflag:s31] =	ssyncadd.s32 $0xFFFFF000  }
0x76: {  	[tilespmem:s7], [sflag:$0x2] =	stream.linear.gather [hbm4b:s8+s7], $0x3E80, $0x38;
	[tilespmem:$0x1F800] =	vst v63  }
0x77: {  	_ =	swait.ge [sflag:s31], $0x3E80  }
0x78: {  	[sflag:s31] =	ssyncset.done $0x0  }
0x79: {  	s9 =	simm.s32 $0x4000;
	s10 =	rddreg [dreg:$0x4];
	[sflag:s31] =	ssyncadd.s32 $0xFFFFC180  }
0x7a: {  	[tilespmem:s9], [sflag:$0x2] =	stream.linear.gather [hbm4b:s10+s7], $0x3E80, $0x38;
	[tilespmem:$0x1F800] =	vst v63  }
0x7b: {  	_ =	swait.ge [sflag:s31], $0x3E80  }
0x7c: {  	[sflag:s31] =	ssyncset.done $0x0  }
0x7d: {  	[sflag:s31] =	ssyncadd.s32 $0xFFFFC180  }
0x7e: {  	s9 =	simm.s32 $0x0;
	[bflag:$0x0] =	sbarrier.arrive $0xFFFF  }
0x7f: {  	[tilespmem:s0], [sflag:$0x1] =	stream.indirect.gather [hbm4b:s4+s2], $0x80, s9, s2, $0xb8;
	[tilespmem:$0x1F800] =	vst v63  }
0x80: {  	_ =	swait.ge [sflag:s6], $0x2800  }
0x81: {  	[sflag:s6] =	ssyncset.done $0x0  }
0x82: {  	s10 =	simm.s32 $0x4000;
	[sflag:s6] =	ssyncadd.s32 $0xFFFFD800  }
0x83: {  	[spmem:s1] =	stream.indirect.scatter.add.f32 [tilespmem:s0], [sflag:$0x2], $0x80, s10, s2, $0xb8;
	[tilespmem:$0x1F800] =	vst v63  }
0x84: {  	_ =	swait.ge [sflag:s31], $0x2800  }
0x85: {  	s8 =	simm.s32 $0x400;
	s7 =	simm.s32 $0x200;
	[sflag:s31] =	ssyncset.done $0x0  }
.LBB2_4:
0x86: {  	s9 =	sshra.s32 s7, $0x2  }
0x87: {  	[sflag:s31] =	ssyncadd.s32 $0xFFFFD800;
	s7 =	smov.u32 s8;
	s10 =	sadd.s32 $0x200, s8  }
0x88: {  	[tilespmem:s0], [sflag:$0x1] =	stream.indirect.gather [hbm4b:s4+s2], $0x80, s9, s2, $0xb8;
	[tilespmem:$0x1F800] =	vst v63  }
0x89: {  	p0 =	sne.s32 s8, $0xF800;
	_ =	swait.ge [sflag:s6], $0x2800  }
.Ltmp1:
0x8a: {  	[sflag:s6] =	ssyncset.done $0x0;
	(pc) =	sbr.rel @p0 .LBB2_4-.Ltmp1, $4  }
0x8b: {  	s8 =	sadd.s32 $0x4000, s9;
	[sflag:s6] =	ssyncadd.s32 $0xFFFFD800  }
0x8c: {  	[spmem:s1] =	stream.indirect.scatter.add.f32 [tilespmem:s0], [sflag:$0x2], $0x80, s8, s2, $0xb8;
	[tilespmem:$0x1F800] =	vst v63  }
0x8d: {  	_ =	swait.ge [sflag:s31], $0x2800  }
0x8e: {  	s8 =	smov.u32 s10;
	[sflag:s31] =	ssyncset.done $0x0  }
0x8f: {  	s7 =	sshra.s32 s7, $0x2;
	[sflag:s31] =	ssyncadd.s32 $0xFFFFD800  }
0x90: {  	[tilespmem:s0], [sflag:$0x1] =	stream.indirect.gather [hbm4b:s4+s2], $0x80, s7, s2, $0xb8;
	[tilespmem:$0x1F800] =	vst v63  }
0x91: {  	_ =	swait.ge [sflag:s6], $0x2800  }
0x92: {  	[sflag:s6] =	ssyncset.done $0x0  }
0x93: {  	s7 =	sadd.s32 $0x4000, s7;
	[sflag:s6] =	ssyncadd.s32 $0xFFFFD800  }
0x94: {  	[spmem:s1] =	stream.indirect.scatter.add.f32 [tilespmem:s0], [sflag:$0x2], $0x80, s7, s2, $0xb8;
	[tilespmem:$0x1F800] =	vst v63  }
0x95: {  	_ =	swait.ge [sflag:s31], $0x2800  }
0x96: {  	[sflag:s31] =	ssyncset.done $0x0  }
0x97: {  	s9 =	stileid.u32;
	[sflag:s31] =	ssyncadd.s32 $0xFFFFD800  }
0x98: {  	s7 =	sshll.u32 s9, $0x6;
	[bflag:$0x0] =	sbarrier.arrive $0xFFFF  }
0x99: {  	s8 =	sshrl.u32 s5, $0x3;
	s7 =	sor.u32 $0x1C02, s7;
	s9 =	rddreg [dreg:$0x5]  }
0x9a: {  	[hbm:s9], [sflag:s7] =	dma.local [spmem:s8], $0x2800  }
0x9b: {  	_ =	swait.ge [sflag:s31], $0x2800  }
0x9c: {  	s3 =	sadd.s32 $0x1, s3;
	s10 =	rddreg [dreg:$0x6]  }
0x9d: {  	p0 =	sne.s32 s3, s10  }
.Ltmp2:
0x9e: {  	_ = 	snop;
	(pc) =	sbr.rel @p0 .LBB2_1-.Ltmp2, $3  }
0x9f: {  	_ =	sdelay $0x1  }
0xa0: {  	[sflag:s31] =	ssyncset.done $0x0  }
0xa1: {  	[sflag:s31] =	ssyncadd.s32 $0xFFFFD800  }
0xa2: {  	_ =	sfence.sel $0x180000  }
0xa3: {  	[bflag:$0x0] =	sbarrier.arrive $0xFFFF  }
0xa4: {  	_ =	strace $0x9000004D  }
0xa5: {  	s0 =	stileid.u32;
	[bflag:$0x2] =	sbarrier.arrive $0xFFFF  }
0xa6: {  	p0 =	sne.s32 s0, $0x0;
	s0 =	rddreg [dreg:$0x2]  }
0xa7: {  	s0 =	sadd.s32 @!p0 $0x100000, s0  }
0xa8: {  	[sflag:s0] =	ssyncadd.tile.s32 @!p0 $0x1;
	_ =	shalt  }
.Lfunc_end2:
_tile_overlayer_lowered:
.L_overlay_start_2:
0xa9: {  	(tag) =	ssettag $0x2  }
0xaa: {  	s0 =	rddreg [dreg:$0x0];
	s2 =	stileid.u32  }
0xab: {  	s1 =	rddreg [dreg:$0x1];
	p0 =	sne.s32 s2, $0x0  }
0xac: {  	s3 =	rddreg [dreg:$0x2];
	[bflag:$0x3] =	sbarrier.arrive $0xFFFF;
	s2 =	simm.s32 @!p0 $0x1C02  }
0xad: {  	[timem:s3], [sflag:s2] =	dma.local @!p0 [hbm:s0], s1  }
0xae: {  	s0 =	simm.s32 @!p0 $0x2  }
0xaf: {  	_ =	swait.ge @!p0 [sflag:s0], s1  }
0xb0: {  	s1 =	ssub.s32 @!p0 $0x0, s1;
	[sflag:s0] =	ssyncset.done @!p0 $0x0  }
0xb1: {  	[sflag:s0] =	ssyncadd.s32 @!p0 s1  }
0xb2: {  	[bflag:$0x3] =	sbarrier.arrive $0xFFFF  }
0xb3: {  	_ =	shalt  }

// kernel: kernel.22.cloned.1.call-start
scs
__scs_entry_jumppad:
0x0: {  	(pc) =	sbr.rel $0x88, $3  }
0x1: {  	(tag) =	ssettag $0x0;
	lr =	simm.s32 $0x1  }
0x2: {  	[smem:$0x3F95] =	sst lr;
	_ =	strace $0xD0000000  }
0x3: {  	_ = 	snop  }
0x4: {  	_ = 	snop  }
0x5: {  	_ = 	snop  }
0x6: {  	_ = 	snop  }
0x7: {  	_ = 	snop  }
__scs_overlays_trampoline_lowered:
0x8: {  	[smem:$0x3FA4] =	sst s0  }
0x9: {  	[smem:$0x3FA5] =	sst s1  }
0xa: {  	[smem:$0x3FA6] =	sst s2  }
0xb: {  	[smem:$0x3FA7] =	sst s3  }
0xc: {  	[smem:$0x3FA8] =	sst s4  }
0xd: {  	[smem:$0x3FA9] =	sst s5  }
0xe: {  	[smem:$0x3FAA] =	sst s6  }
0xf: {  	[smem:$0x3FAB] =	sst s7  }
0x10: {  	[smem:$0x3FAC] =	sst s8  }
0x11: {  	[smem:$0x3FAD] =	sst s9;
	s0 =	simm.s32 @!p0 $0x0  }
0x12: {  	s1 =	sld [smem:$0x3F93];
	s0 =	simm.s32 @p0 $0x1  }
0x13: {  	[smem:$0x3FAE] =	sst s0;
	s0 =	simm.s32 @!p1 $0x0  }
0x14: {  	s2 =	sld [smem:$0x3F92];
	s0 =	simm.s32 @p1 $0x1  }
0x15: {  	[smem:$0x3FAF] =	sst s0;
	s0 =	simm.s32 @!p2 $0x0  }
0x16: {  	s3 =	sld [smem:$0x3FDB];
	s0 =	simm.s32 @p2 $0x1  }
0x17: {  	s4 =	simm.s32 $0x1BF5;
	[smem:$0x3FB1] =	sst s0  }
0x18: {  	s0 =	sld [smem:$0x3F94];
	_ =	swait.ge [sflag:s4], $0x0  }
0x19: {  	s7 =	sld [smem:$0x3F95]  }
0x1a: {  	s8 =	sadd.s32 $0xFFFFE003, lr  }
0x1b: {  	s9 =	sadd.s32 $0xFFFFFEF7, lr;
	s5 =	simm.s32 $0xFFFFFFFF;
	p2 =	slt.u32 s8, $0xFFFFF086  }
0x1c: {  	p1 =	slt.u32 s9, $0xF7A;
	s5 =	simm.s32 @!p2 $0x0  }
0x1d: {  	s5 =	simm.s32 @p1 $0x1;
	p0 =	seq.s32 s7, s2  }
0x1e: {  	s7 =	smul.u32 @!p0 $0xF7A, s2;
	p2 =	seq.s32 @!p0 s5, $0x0  }
0x1f: {  	s9 =	smul.u32 $0xF7A, s1;
	s8 =	simm.s32 @!p0 $0x1BF5;
	p2 =	por !p2, p0  }
0x20: {  	[sflag:s8] =	ssyncset.s32 @!p0 $0xFFFFF086;
	s6 =	sadd.s32 @!p0 s3, s7;
	s7 =	simm.s32 @!p0 $0x108  }
0x21: {  	s3 =	sadd.s32 s3, s9;
	s6 =	sadd.s32 @!p0 $0x88, s6;
	s7 =	simm.s32 @p2 $0x1082  }
0x22: {  	[simem:s7], [sflag:s8] =	dma.local @!p0 [hbm:s6], $0xF7A  }
0x23: {  	s9 =	sor.u32 $0xD0000000, s2;
	s6 =	simm.s32 $0x108;
	_ =	swait.ge @!p0 [sflag:s8], $0x0  }
0x24: {  	s3 =	sadd.s32 $0x88, s3;
	s6 =	simm.s32 @!p1 $0x1082;
	[sflag:s4] =	ssyncset.s32 $0xFFFFF086  }
0x25: {  	[simem:s6], [sflag:s4] =	dma.local [hbm:s3], $0xF7A  }
0x26: {  	[smem:$0x3F95] =	sst s1;
	(tag) =	ssettag s2;
	_ =	strace s9  }
0x27: {  	s1 =	sld [smem:$0x3FA5]  }
0x28: {  	s2 =	sld [smem:$0x3FA6]  }
0x29: {  	s4 =	sld [smem:$0x3FA8]  }
0x2a: {  	p0 =	seq.s32 s5, $0x0;
	s5 =	sld [smem:$0x3FA9]  }
0x2b: {  	s6 =	sld [smem:$0x3FAA]  }
0x2c: {  	s7 =	sld [smem:$0x3FAB]  }
0x2d: {  	s3 =	simm.s32 $0x108;
	s8 =	sld [smem:$0x3FAC]  }
0x2e: {  	s3 =	simm.s32 @!p0 $0x1082;
	s9 =	sld [smem:$0x3FAD]  }
0x2f: {  	lr =	sadd.s32 s0, s3;
	s0 =	sld [smem:$0x3FA4]  }
0x30: {  	s3 =	sld [smem:$0x3FA7]  }
0x31: {  	[smem:$0x3FB0] =	sst s10  }
0x32: {  	s10 =	sld [smem:$0x3FAE];
	_ =	sdelay $0x3  }
0x33: {  	p0 =	seq.s32 s10, $0x1;
	s10 =	sld [smem:$0x3FB0];
	_ =	sdelay $0x3  }
0x34: {  	[smem:$0x3FB0] =	sst s10  }
0x35: {  	s10 =	sld [smem:$0x3FAF];
	_ =	sdelay $0x3  }
0x36: {  	p1 =	seq.s32 s10, $0x1;
	s10 =	sld [smem:$0x3FB0];
	_ =	sdelay $0x3  }
0x37: {  	[smem:$0x3FB0] =	sst s10  }
0x38: {  	s10 =	sld [smem:$0x3FB1]  }
0x39: {  	_ = 	snop;
	(pc) =	sbr.ind lr, $3  }
0x3a: {  	_ = 	snop  }
0x3b: {  	_ = 	snop  }
0x3c: {  	p2 =	seq.s32 s10, $0x1;
	s10 =	sld [smem:$0x3FB0]  }
0x3d: {  	_ =	shalt  }
0x3e: {  	_ =	shalt  }
0x3f: {  	_ =	shalt  }
0x40: {  	_ =	shalt  }
0x41: {  	_ =	shalt  }
0x42: {  	_ =	shalt  }
0x43: {  	_ =	shalt  }
0x44: {  	_ =	shalt  }
0x45: {  	_ =	shalt  }
0x46: {  	_ =	shalt  }
0x47: {  	_ =	shalt  }
0x48: {  	_ =	shalt  }
0x49: {  	_ =	shalt  }
0x4a: {  	_ =	shalt  }
0x4b: {  	_ =	shalt  }
0x4c: {  	_ =	shalt  }
0x4d: {  	_ =	shalt  }
0x4e: {  	_ =	shalt  }
0x4f: {  	_ =	shalt  }
0x50: {  	_ =	shalt  }
0x51: {  	_ =	shalt  }
0x52: {  	_ =	shalt  }
0x53: {  	_ =	shalt  }
0x54: {  	_ =	shalt  }
0x55: {  	_ =	shalt  }
0x56: {  	_ =	shalt  }
0x57: {  	_ =	shalt  }
0x58: {  	_ =	shalt  }
0x59: {  	_ =	shalt  }
0x5a: {  	_ =	shalt  }
0x5b: {  	_ =	shalt  }
0x5c: {  	_ =	shalt  }
0x5d: {  	_ =	shalt  }
0x5e: {  	_ =	shalt  }
0x5f: {  	_ =	shalt  }
0x60: {  	_ =	shalt  }
0x61: {  	_ =	shalt  }
0x62: {  	_ =	shalt  }
0x63: {  	_ =	shalt  }
0x64: {  	_ =	shalt  }
0x65: {  	_ =	shalt  }
0x66: {  	_ =	shalt  }
0x67: {  	_ =	shalt  }
0x68: {  	_ =	shalt  }
0x69: {  	_ =	shalt  }
0x6a: {  	_ =	shalt  }
0x6b: {  	_ =	shalt  }
0x6c: {  	_ =	shalt  }
0x6d: {  	_ =	shalt  }
0x6e: {  	_ =	shalt  }
0x6f: {  	_ =	shalt  }
0x70: {  	_ =	shalt  }
0x71: {  	_ =	shalt  }
0x72: {  	_ =	shalt  }
0x73: {  	_ =	shalt  }
0x74: {  	_ =	shalt  }
0x75: {  	_ =	shalt  }
0x76: {  	_ =	shalt  }
0x77: {  	_ =	shalt  }
0x78: {  	_ =	shalt  }
0x79: {  	_ =	shalt  }
0x7a: {  	_ =	shalt  }
0x7b: {  	_ =	shalt  }
0x7c: {  	_ =	shalt  }
0x7d: {  	_ =	shalt  }
0x7e: {  	_ =	shalt  }
0x7f: {  	_ =	shalt  }
0x80: {  	_ =	shalt  }
0x81: {  	_ =	shalt  }
0x82: {  	_ =	shalt  }
0x83: {  	_ =	shalt  }
0x84: {  	_ =	shalt  }
0x85: {  	_ =	shalt  }
0x86: {  	_ =	shalt  }
0x87: {  	_ =	shalt  }
.Lfunc_end0:
.L_simem_size_0:
called_computation.3_lowered:
.L_overlay_start_0:
0x88: {  	s2 =	sld [smem:$0x3FD9]  }
0x89: {  	s3 =	sld [smem:$0x3FFE];
	_ =	sdelay $0x1  }
0x8a: {  	s1 =	srdreg.scid  }
0x8b: {  	s0 =	sand.u32 $0x1, s1  }
0x8c: {  	s16 =	sshll.u32 s0, $0xA;
	s2 =	sadd.s32 s3, s2  }
0x8d: {  	s2 =	sadd.s32 s2, s16  }
0x8e: {  	[smem:$0x3FBC] =	sst s2  }
0x8f: {  	_ = 	snop  }
0x90: {  	(tm) =	ssettm $0x1  }
0x91: {  	s17 =	sld [smem:$0x3FFB];
	_ =	sdelay $0x3  }
0x92: {  	_ =	strace s17  }
0x93: {  	s2 =	sld [smem:$0x3FFC];
	_ =	sdelay $0x3  }
0x94: {  	_ =	strace s2  }
0x95: {  	s2 =	sld [smem:$0x3FFD];
	_ =	sdelay $0x3  }
0x96: {  	_ =	strace s2  }
0x97: {  	_ =	strace $0x8FFFFFFF  }
0x98: {  	s18 =	sld [smem:$0x3FDB];
	_ =	sdelay $0x1  }
0x99: {  	s19 =	simm.s32 $_scs_section_size  }
0x9a: {  	s4 =	simm.s32 $_size__tile_overlayer_lowered;
	s5 =	simm.s32 $_tile_overlayer_lowered  }
0x9b: {  	s22 =	simm.s32 $0x1BFF;
	s21 =	sshll.u32 s5, $0x1;
	s2 =	sadd.s32 s19, s18  }
0x9c: {  	s6 =	simm.s32 $0x0;
	s20 =	sshll.u32 s4, $0x1;
	s4 =	sadd.s32 s21, s2  }
0x9d: {  	[timem:s6], [sflag:s22] =	dma.local [hbm:s4], s20  }
0x9e: {  	_ =	swait.ge [sflag:s22], s20  }
0x9f: {  	s3 =	ssub.s32 $0x0, s20;
	[sflag:s22] =	ssyncset.done $0x0  }
0xa0: {  	[sflag:s22] =	ssyncadd.s32 s3;
	_ =	sdelay $0x1  }
0xa1: {  	s23 =	simm.s32 $0x1B8B  }
0xa2: {  	_ =	swait.ge [sflag:s23], $0x1  }
0xa3: {  	[sflag:s23] =	ssyncset.done $0x0  }
0xa4: {  	s25 =	simm.s32 $0x1B8E;
	s24 =	sld [smem:$0x3FFE];
	[sflag:s23] =	ssyncadd.s32 $0xFFFFFFFF  }
0xa5: {  	s26 =	simm.s32 $execute0_lowered;
	[smem:$0x3FD2] =	sst s25  }
0xa6: {  	s4 =	sshll.u32 s26, $0x1;
	_ =	strace $0x8000004F;
	[dreg:$0x1] =	wrdreg $0xFFFFFFFF  }
0xa7: {  	s28 =	simm.s32 $_size_execute0_lowered;
	s2 =	sadd.s32 s2, s4;
	[dreg:$0x0] =	wrdreg $0x0  }
0xa8: {  	s4 =	sshll.u32 s28, $0x1;
	[dreg:$0x2] =	wrdreg s2  }
0xa9: {  	[dreg:$0x3] =	wrdreg s4  }
0xaa: {  	[dreg:$0x4] =	wrdreg $0xC0  }
0xab: {  	_ =	task [dreg:s6], $0x5FFFF  }
0xac: {  	[dreg:$0x1] =	wrdreg $0xFFFFFFFF  }
0xad: {  	[dreg:$0x0] =	wrdreg $0x60  }
0xae: {  	[dreg:$0x2] =	wrdreg s24  }
0xaf: {  	[dreg:$0x3] =	wrdreg $0xB8000  }
0xb0: {  	[dreg:$0x4] =	wrdreg $0x9  }
0xb1: {  	_ =	task.clear_ibuf [dreg:s6], $0x5FFFF;
	_ =	strace $0x9000004F  }
0xb2: {  	s29 =	simm.s32 $0x9;
	_ =	strace $0x80000051  }
0xb3: {  	_ =	swait.ge [sflag:s29], $0x1  }
0xb4: {  	[sflag:s29] =	ssyncadd.s32 $0xFFFFFFFF  }
0xb5: {  	_ =	strace $0x90000051  }
0xb6: {  	_ =	sfence  }
0xb7: {  	s30 =	sld [smem:$0x0];
	_ =	sdelay $0x2  }
0xb8: {  	s31 =	sshll.u32 s1, $0xD;
	s1 =	sshrl.u32 s1, $0x2  }
0xb9: {  	s3 =	sand.u32 $0x4000, s31;
	s1 =	sadd.s32 s1, s30  }
0xba: {  	s0 =	sor.u32 s3, s0;
	s1 =	sshll.u32 s1, $0x11  }
0xbb: {  	s0 =	sor.u32 s1, s0  }
0xbc: {  	s0 =	sadd.s32 $0x8F2B, s0  }
0xbd: {  	[sflag:s0] =	ssyncadd.remote.s32 $0x1  }
0xbe: {  	_ =	sfence.sel $0xFFFF  }
0xbf: {  	[dreg:$0x0] =	wrdreg $0xFFFFFFFF;
	(pc) =	sbr.abs _section_cstart, $3  }
0xc0: {  	[dreg:$0x1] =	wrdreg $0xFFFFFFFF  }
0xc1: {  	_ =	task.clear_ibuf [dreg:s6], $0x2FFFF;
	_ =	strace $0x9FFFFFFF  }
0xc2: {  	(tm) =	ssettm $0x7FFFFFFF  }
0xc3: {  	_ =	shalt  }
tec
execute0_lowered:
.L_overlay_start_1:
0x0: {  	(tag) =	ssettag $0x1  }
0x1: {  	s0 =	rddreg [dreg:$0x0]  }
0x2: {  	s1 =	rddreg [dreg:$0x1];
	s3 =	simm.s32 $0x0  }
0x3: {  	s2 =	srdreg.scid;
	s9 =	stileid.u32;
	s30 =	simm.s32 $0xA800  }
0x4: {  	s31 =	simm.s32 $0x2;
	[smem:$0x7FF] =	sst s3;
	s8 =	smul.u32 $0x14000, s9  }
0x5: {  	s2 =	sand.u32 $0x1, s2;
	s7 =	sshll.u32 s9, $0xB;
	s21 =	smul.u32 $0x50000, s9  }
0x6: {  	s4 =	sadd.s32 $0x24200, s0;
	s5 =	smul.u32 $0x140000, s2;
	s6 =	sshll.u32 s2, $0xF  }
0x7: {  	_ =	strace $0x80000050;
	s2 =	ssub.s32 $0x2, s2;
	s6 =	sor.u32 s7, s6  }
0x8: {  	s22 =	sshrl.u32 s2, $0x1;
	s23 =	sshrl.u32 s21, $0x2;
	s6 =	sadd.s32 s6, s0  }
0x9: {  	s5 =	sadd.s32 s8, s5;
	s2 =	ssub.s32 s2, s22;
	s24 =	sadd.s32 $0x4200, s6  }
0xa: {  	s5 =	sshrl.u32 s5, $0x3;
	s6 =	sadd.s32 $0x14200, s6;
	[dreg:$0x3] =	wrdreg s24  }
0xb: {  	s25 =	smax.u32 s2, $0x1;
	s2 =	simm.s32 $0x50;
	[dreg:$0x4] =	wrdreg s6  }
0xc: {  	s0 =	sadd.s32 s5, s0;
	s5 =	sadd.s32 s23, s1;
	[dreg:$0x6] =	wrdreg s25  }
0xd: {  	s6 =	simm.s32 $0x1;
	s0 =	sadd.s32 $0x74A00, s0;
	s26 =	sadd.s32 $0x1000, s5  }
0xe: {  	s11 =	sadd.s32 $0x2000, s5;
	s12 =	sadd.s32 $0x3000, s5;
	s13 =	sadd.s32 $0x4000, s5  }
0xf: {  	s14 =	sadd.s32 $0x5000, s5;
	s15 =	sadd.s32 $0x6000, s5;
	s16 =	sadd.s32 $0x7000, s5  }
0x10: {  	s17 =	sadd.s32 $0x8000, s5;
	s18 =	sadd.s32 $0x9000, s5;
	s19 =	sadd.s32 $0xA000, s5  }
0x11: {  	s20 =	sadd.s32 $0xB000, s5;
	s21 =	sadd.s32 $0xC000, s5;
	s22 =	sadd.s32 $0xD000, s5  }
0x12: {  	s23 =	sadd.s32 $0xE000, s5;
	s24 =	sadd.s32 $0xF000, s5;
	s25 =	sadd.s32 $0x10000, s5  }
0x13: {  	s28 =	sadd.s32 $0x12000, s5;
	s29 =	sadd.s32 $0x13000, s5;
	[dreg:$0x5] =	wrdreg s0  }
0x14: {  	v0 =	vimm.f32 $0.0e+00;
	[dreg:$0x7] =	wrdreg s26;
	s26 =	sadd.s32 $0x11000, s5;
	s0 =	simm.s32 $0x8000  }
.LBB2_1:
0x15: {  	s7 =	simm.s32 $0x0;
	s8 =	simm.s32 $0x200  }
.LBB2_2:
0x16: {  	p0 =	sne.s32 s8, $0x3E00;
	[tilespmem:s7+$0xA870] =	vst v0  }
0x17: {  	[tilespmem:s7+$0xA800] =	vst v0  }
0x18: {  	[tilespmem:s7+$0xA810] =	vst v0  }
.Ltmp0:
0x19: {  	[tilespmem:s7+$0xA820] =	vst v0;
	(pc) =	sbr.rel @p0 .LBB2_2-.Ltmp0, $4  }
0x1a: {  	[tilespmem:s7+$0xA830] =	vst v0  }
0x1b: {  	[tilespmem:s7+$0xA840] =	vst v0  }
0x1c: {  	[tilespmem:s7+$0xA850] =	vst v0  }
0x1d: {  	[tilespmem:s7+$0xA860] =	vst v0;
	s7 =	sshra.s32 s8, $0x2;
	s8 =	sadd.s32 $0x200, s8  }
0x1e: {  	[tilespmem:s7+$0xA870] =	vst v0  }
0x1f: {  	[tilespmem:s7+$0xA800] =	vst v0  }
0x20: {  	[tilespmem:s7+$0xA810] =	vst v0  }
0x21: {  	[tilespmem:s7+$0xA820] =	vst v0  }
0x22: {  	[tilespmem:s7+$0xA830] =	vst v0  }
0x23: {  	[tilespmem:s7+$0xA840] =	vst v0  }
0x24: {  	[tilespmem:s7+$0xA850] =	vst v0  }
0x25: {  	[tilespmem:s7+$0xA860] =	vst v0  }
0x26: {  	[spmem:s5] =	stream.linear.scatter [tilespmem:s30], [sflag:$0x2], $0x1000, $0x38;
	[tilespmem:$0x1F800] =	vst v63  }
0x27: {  	_ =	swait.ge [sflag:s31], $0x1000  }
0x28: {  	[sflag:s31] =	ssyncset.done $0x0  }
0x29: {  	s9 =	rddreg [dreg:$0x7];
	[sflag:s31] =	ssyncadd.s32 $0xFFFFF000  }
0x2a: {  	[spmem:s9] =	stream.linear.scatter [tilespmem:s30], [sflag:$0x2], $0x1000, $0x38;
	[tilespmem:$0x1F800] =	vst v63  }
0x2b: {  	_ =	swait.ge [sflag:s31], $0x1000  }
0x2c: {  	[sflag:s31] =	ssyncset.done $0x0  }
0x2d: {  	[sflag:s31] =	ssyncadd.s32 $0xFFFFF000  }
0x2e: {  	[spmem:s11] =	stream.linear.scatter [tilespmem:s30], [sflag:$0x2], $0x1000, $0x38;
	[tilespmem:$0x1F800] =	vst v63  }
0x2f: {  	_ =	swait.ge [sflag:s31], $0x1000  }
0x30: {  	[sflag:s31] =	ssyncset.done $0x0  }
0x31: {  	[sflag:s31] =	ssyncadd.s32 $0xFFFFF000  }
0x32: {  	[spmem:s12] =	stream.linear.scatter [tilespmem:s30], [sflag:$0x2], $0x1000, $0x38;
	[tilespmem:$0x1F800] =	vst v63  }
0x33: {  	_ =	swait.ge [sflag:s31], $0x1000  }
0x34: {  	[sflag:s31] =	ssyncset.done $0x0  }
0x35: {  	[sflag:s31] =	ssyncadd.s32 $0xFFFFF000  }
0x36: {  	[spmem:s13] =	stream.linear.scatter [tilespmem:s30], [sflag:$0x2], $0x1000, $0x38;
	[tilespmem:$0x1F800] =	vst v63  }
0x37: {  	_ =	swait.ge [sflag:s31], $0x1000  }
0x38: {  	[sflag:s31] =	ssyncset.done $0x0  }
0x39: {  	[sflag:s31] =	ssyncadd.s32 $0xFFFFF000  }
0x3a: {  	[spmem:s14] =	stream.linear.scatter [tilespmem:s30], [sflag:$0x2], $0x1000, $0x38;
	[tilespmem:$0x1F800] =	vst v63  }
0x3b: {  	_ =	swait.ge [sflag:s31], $0x1000  }
0x3c: {  	[sflag:s31] =	ssyncset.done $0x0  }
0x3d: {  	[sflag:s31] =	ssyncadd.s32 $0xFFFFF000  }
0x3e: {  	[spmem:s15] =	stream.linear.scatter [tilespmem:s30], [sflag:$0x2], $0x1000, $0x38;
	[tilespmem:$0x1F800] =	vst v63  }
0x3f: {  	_ =	swait.ge [sflag:s31], $0x1000  }
0x40: {  	[sflag:s31] =	ssyncset.done $0x0  }
0x41: {  	[sflag:s31] =	ssyncadd.s32 $0xFFFFF000  }
0x42: {  	[spmem:s16] =	stream.linear.scatter [tilespmem:s30], [sflag:$0x2], $0x1000, $0x38;
	[tilespmem:$0x1F800] =	vst v63  }
0x43: {  	_ =	swait.ge [sflag:s31], $0x1000  }
0x44: {  	[sflag:s31] =	ssyncset.done $0x0  }
0x45: {  	[sflag:s31] =	ssyncadd.s32 $0xFFFFF000  }
0x46: {  	[spmem:s17] =	stream.linear.scatter [tilespmem:s30], [sflag:$0x2], $0x1000, $0x38;
	[tilespmem:$0x1F800] =	vst v63  }
0x47: {  	_ =	swait.ge [sflag:s31], $0x1000  }
0x48: {  	[sflag:s31] =	ssyncset.done $0x0  }
0x49: {  	[sflag:s31] =	ssyncadd.s32 $0xFFFFF000  }
0x4a: {  	[spmem:s18] =	stream.linear.scatter [tilespmem:s30], [sflag:$0x2], $0x1000, $0x38;
	[tilespmem:$0x1F800] =	vst v63  }
0x4b: {  	_ =	swait.ge [sflag:s31], $0x1000  }
0x4c: {  	[sflag:s31] =	ssyncset.done $0x0  }
0x4d: {  	[sflag:s31] =	ssyncadd.s32 $0xFFFFF000  }
0x4e: {  	[spmem:s19] =	stream.linear.scatter [tilespmem:s30], [sflag:$0x2], $0x1000, $0x38;
	[tilespmem:$0x1F800] =	vst v63  }
0x4f: {  	_ =	swait.ge [sflag:s31], $0x1000  }
0x50: {  	[sflag:s31] =	ssyncset.done $0x0  }
0x51: {  	[sflag:s31] =	ssyncadd.s32 $0xFFFFF000  }
0x52: {  	[spmem:s20] =	stream.linear.scatter [tilespmem:s30], [sflag:$0x2], $0x1000, $0x38;
	[tilespmem:$0x1F800] =	vst v63  }
0x53: {  	_ =	swait.ge [sflag:s31], $0x1000  }
0x54: {  	[sflag:s31] =	ssyncset.done $0x0  }
0x55: {  	[sflag:s31] =	ssyncadd.s32 $0xFFFFF000  }
0x56: {  	[spmem:s21] =	stream.linear.scatter [tilespmem:s30], [sflag:$0x2], $0x1000, $0x38;
	[tilespmem:$0x1F800] =	vst v63  }
0x57: {  	_ =	swait.ge [sflag:s31], $0x1000  }
0x58: {  	[sflag:s31] =	ssyncset.done $0x0  }
0x59: {  	[sflag:s31] =	ssyncadd.s32 $0xFFFFF000  }
0x5a: {  	[spmem:s22] =	stream.linear.scatter [tilespmem:s30], [sflag:$0x2], $0x1000, $0x38;
	[tilespmem:$0x1F800] =	vst v63  }
0x5b: {  	_ =	swait.ge [sflag:s31], $0x1000  }
0x5c: {  	[sflag:s31] =	ssyncset.done $0x0  }
0x5d: {  	[sflag:s31] =	ssyncadd.s32 $0xFFFFF000  }
0x5e: {  	[spmem:s23] =	stream.linear.scatter [tilespmem:s30], [sflag:$0x2], $0x1000, $0x38;
	[tilespmem:$0x1F800] =	vst v63  }
0x5f: {  	_ =	swait.ge [sflag:s31], $0x1000  }
0x60: {  	[sflag:s31] =	ssyncset.done $0x0  }
0x61: {  	[sflag:s31] =	ssyncadd.s32 $0xFFFFF000  }
0x62: {  	[spmem:s24] =	stream.linear.scatter [tilespmem:s30], [sflag:$0x2], $0x1000, $0x38;
	[tilespmem:$0x1F800] =	vst v63  }
0x63: {  	_ =	swait.ge [sflag:s31], $0x1000  }
0x64: {  	[sflag:s31] =	ssyncset.done $0x0  }
0x65: {  	[sflag:s31] =	ssyncadd.s32 $0xFFFFF000  }
0x66: {  	[spmem:s25] =	stream.linear.scatter [tilespmem:s30], [sflag:$0x2], $0x1000, $0x38;
	[tilespmem:$0x1F800] =	vst v63  }
0x67: {  	_ =	swait.ge [sflag:s31], $0x1000  }
0x68: {  	[sflag:s31] =	ssyncset.done $0x0  }
0x69: {  	[sflag:s31] =	ssyncadd.s32 $0xFFFFF000  }
0x6a: {  	[spmem:s26] =	stream.linear.scatter [tilespmem:s30], [sflag:$0x2], $0x1000, $0x38;
	[tilespmem:$0x1F800] =	vst v63  }
0x6b: {  	_ =	swait.ge [sflag:s31], $0x1000  }
0x6c: {  	[sflag:s31] =	ssyncset.done $0x0  }
0x6d: {  	[sflag:s31] =	ssyncadd.s32 $0xFFFFF000  }
0x6e: {  	[spmem:s28] =	stream.linear.scatter [tilespmem:s30], [sflag:$0x2], $0x1000, $0x38;
	[tilespmem:$0x1F800] =	vst v63  }
0x6f: {  	_ =	swait.ge [sflag:s31], $0x1000  }
0x70: {  	[sflag:s31] =	ssyncset.done $0x0  }
0x71: {  	[sflag:s31] =	ssyncadd.s32 $0xFFFFF000  }
0x72: {  	[spmem:s29] =	stream.linear.scatter [tilespmem:s30], [sflag:$0x2], $0x1000, $0x38;
	[tilespmem:$0x1F800] =	vst v63  }
0x73: {  	_ =	swait.ge [sflag:s31], $0x1000  }
0x74: {  	[sflag:s31] =	ssyncset.done $0x0  }
0x75: {  	s7 =	simm.s32 $0x0;
	s8 =	rddreg [dreg:$0x3];
	[sflag:s31] =	ssyncadd.s32 $0xFFFFF000  }
0x76: {  	[tilespmem:s7], [sflag:$0x2] =	stream.linear.gather [hbm4b:s8+s7], $0x3E80, $0x38;
	[tilespmem:$0x1F800] =	vst v63  }
0x77: {  	_ =	swait.ge [sflag:s31], $0x3E80  }
0x78: {  	[sflag:s31] =	ssyncset.done $0x0  }
0x79: {  	s9 =	simm.s32 $0x4000;
	s10 =	rddreg [dreg:$0x4];
	[sflag:s31] =	ssyncadd.s32 $0xFFFFC180  }
0x7a: {  	[tilespmem:s9], [sflag:$0x2] =	stream.linear.gather [hbm4b:s10+s7], $0x3E80, $0x38;
	[tilespmem:$0x1F800] =	vst v63  }
0x7b: {  	_ =	swait.ge [sflag:s31], $0x3E80  }
0x7c: {  	[sflag:s31] =	ssyncset.done $0x0  }
0x7d: {  	[sflag:s31] =	ssyncadd.s32 $0xFFFFC180  }
0x7e: {  	s9 =	simm.s32 $0x0;
	[bflag:$0x0] =	sbarrier.arrive $0xFFFF  }
0x7f: {  	[tilespmem:s0], [sflag:$0x1] =	stream.indirect.gather [hbm4b:s4+s2], $0x80, s9, s2, $0xb8;
	[tilespmem:$0x1F800] =	vst v63  }
0x80: {  	_ =	swait.ge [sflag:s6], $0x2800  }
0x81: {  	[sflag:s6] =	ssyncset.done $0x0  }
0x82: {  	s10 =	simm.s32 $0x4000;
	[sflag:s6] =	ssyncadd.s32 $0xFFFFD800  }
0x83: {  	[spmem:s1] =	stream.indirect.scatter.add.f32 [tilespmem:s0], [sflag:$0x2], $0x80, s10, s2, $0xb8;
	[tilespmem:$0x1F800] =	vst v63  }
0x84: {  	_ =	swait.ge [sflag:s31], $0x2800  }
0x85: {  	s8 =	simm.s32 $0x400;
	s7 =	simm.s32 $0x200;
	[sflag:s31] =	ssyncset.done $0x0  }
.LBB2_4:
0x86: {  	s9 =	sshra.s32 s7, $0x2  }
0x87: {  	[sflag:s31] =	ssyncadd.s32 $0xFFFFD800;
	s7 =	smov.u32 s8;
	s10 =	sadd.s32 $0x200, s8  }
0x88: {  	[tilespmem:s0], [sflag:$0x1] =	stream.indirect.gather [hbm4b:s4+s2], $0x80, s9, s2, $0xb8;
	[tilespmem:$0x1F800] =	vst v63  }
0x89: {  	p0 =	sne.s32 s8, $0xF800;
	_ =	swait.ge [sflag:s6], $0x2800  }
.Ltmp1:
0x8a: {  	[sflag:s6] =	ssyncset.done $0x0;
	(pc) =	sbr.rel @p0 .LBB2_4-.Ltmp1, $4  }
0x8b: {  	s8 =	sadd.s32 $0x4000, s9;
	[sflag:s6] =	ssyncadd.s32 $0xFFFFD800  }
0x8c: {  	[spmem:s1] =	stream.indirect.scatter.add.f32 [tilespmem:s0], [sflag:$0x2], $0x80, s8, s2, $0xb8;
	[tilespmem:$0x1F800] =	vst v63  }
0x8d: {  	_ =	swait.ge [sflag:s31], $0x2800  }
0x8e: {  	s8 =	smov.u32 s10;
	[sflag:s31] =	ssyncset.done $0x0  }
0x8f: {  	s7 =	sshra.s32 s7, $0x2;
	[sflag:s31] =	ssyncadd.s32 $0xFFFFD800  }
0x90: {  	[tilespmem:s0], [sflag:$0x1] =	stream.indirect.gather [hbm4b:s4+s2], $0x80, s7, s2, $0xb8;
	[tilespmem:$0x1F800] =	vst v63  }
0x91: {  	_ =	swait.ge [sflag:s6], $0x2800  }
0x92: {  	[sflag:s6] =	ssyncset.done $0x0  }
0x93: {  	s7 =	sadd.s32 $0x4000, s7;
	[sflag:s6] =	ssyncadd.s32 $0xFFFFD800  }
0x94: {  	[spmem:s1] =	stream.indirect.scatter.add.f32 [tilespmem:s0], [sflag:$0x2], $0x80, s7, s2, $0xb8;
	[tilespmem:$0x1F800] =	vst v63  }
0x95: {  	_ =	swait.ge [sflag:s31], $0x2800  }
0x96: {  	[sflag:s31] =	ssyncset.done $0x0  }
0x97: {  	s9 =	stileid.u32;
	[sflag:s31] =	ssyncadd.s32 $0xFFFFD800  }
0x98: {  	s7 =	sshll.u32 s9, $0x6;
	[bflag:$0x0] =	sbarrier.arrive $0xFFFF  }
0x99: {  	s8 =	sshrl.u32 s5, $0x3;
	s7 =	sor.u32 $0x1C02, s7;
	s9 =	rddreg [dreg:$0x5]  }
0x9a: {  	[hbm:s9], [sflag:s7] =	dma.local [spmem:s8], $0x2800  }
0x9b: {  	_ =	swait.ge [sflag:s31], $0x2800  }
0x9c: {  	s3 =	sadd.s32 $0x1, s3;
	s10 =	rddreg [dreg:$0x6]  }
0x9d: {  	p0 =	sne.s32 s3, s10  }
.Ltmp2:
0x9e: {  	_ = 	snop;
	(pc) =	sbr.rel @p0 .LBB2_1-.Ltmp2, $3  }
0x9f: {  	_ =	sdelay $0x1  }
0xa0: {  	[sflag:s31] =	ssyncset.done $0x0  }
0xa1: {  	[sflag:s31] =	ssyncadd.s32 $0xFFFFD800  }
0xa2: {  	_ =	sfence.sel $0x180000  }
0xa3: {  	[bflag:$0x0] =	sbarrier.arrive $0xFFFF  }
0xa4: {  	_ =	strace $0x90000050  }
0xa5: {  	s0 =	stileid.u32;
	[bflag:$0x2] =	sbarrier.arrive $0xFFFF  }
0xa6: {  	p0 =	sne.s32 s0, $0x0;
	s0 =	rddreg [dreg:$0x2]  }
0xa7: {  	s0 =	sadd.s32 @!p0 $0x100000, s0  }
0xa8: {  	[sflag:s0] =	ssyncadd.tile.s32 @!p0 $0x1;
	_ =	shalt  }
.Lfunc_end2:
_tile_overlayer_lowered:
.L_overlay_start_2:
0xa9: {  	(tag) =	ssettag $0x2  }
0xaa: {  	s0 =	rddreg [dreg:$0x0];
	s2 =	stileid.u32  }
0xab: {  	s1 =	rddreg [dreg:$0x1];
	p0 =	sne.s32 s2, $0x0  }
0xac: {  	s3 =	rddreg [dreg:$0x2];
	[bflag:$0x3] =	sbarrier.arrive $0xFFFF;
	s2 =	simm.s32 @!p0 $0x1C02  }
0xad: {  	[timem:s3], [sflag:s2] =	dma.local @!p0 [hbm:s0], s1  }
0xae: {  	s0 =	simm.s32 @!p0 $0x2  }
0xaf: {  	_ =	swait.ge @!p0 [sflag:s0], s1  }
0xb0: {  	s1 =	ssub.s32 @!p0 $0x0, s1;
	[sflag:s0] =	ssyncset.done @!p0 $0x0  }
0xb1: {  	[sflag:s0] =	ssyncadd.s32 @!p0 s1  }
0xb2: {  	[bflag:$0x3] =	sbarrier.arrive $0xFFFF  }
0xb3: {  	_ =	shalt  }

// kernel: kernel.25.cloned.1.call-start
scs
__scs_entry_jumppad:
0x0: {  	(pc) =	sbr.rel $0x88, $3  }
0x1: {  	(tag) =	ssettag $0x0;
	lr =	simm.s32 $0x1  }
0x2: {  	[smem:$0x3F95] =	sst lr;
	_ =	strace $0xD0000000  }
0x3: {  	_ = 	snop  }
0x4: {  	_ = 	snop  }
0x5: {  	_ = 	snop  }
0x6: {  	_ = 	snop  }
0x7: {  	_ = 	snop  }
__scs_overlays_trampoline_lowered:
0x8: {  	[smem:$0x3FA4] =	sst s0  }
0x9: {  	[smem:$0x3FA5] =	sst s1  }
0xa: {  	[smem:$0x3FA6] =	sst s2  }
0xb: {  	[smem:$0x3FA7] =	sst s3  }
0xc: {  	[smem:$0x3FA8] =	sst s4  }
0xd: {  	[smem:$0x3FA9] =	sst s5  }
0xe: {  	[smem:$0x3FAA] =	sst s6  }
0xf: {  	[smem:$0x3FAB] =	sst s7  }
0x10: {  	[smem:$0x3FAC] =	sst s8  }
0x11: {  	[smem:$0x3FAD] =	sst s9;
	s0 =	simm.s32 @!p0 $0x0  }
0x12: {  	s1 =	sld [smem:$0x3F93];
	s0 =	simm.s32 @p0 $0x1  }
0x13: {  	[smem:$0x3FAE] =	sst s0;
	s0 =	simm.s32 @!p1 $0x0  }
0x14: {  	s2 =	sld [smem:$0x3F92];
	s0 =	simm.s32 @p1 $0x1  }
0x15: {  	[smem:$0x3FAF] =	sst s0;
	s0 =	simm.s32 @!p2 $0x0  }
0x16: {  	s3 =	sld [smem:$0x3FDB];
	s0 =	simm.s32 @p2 $0x1  }
0x17: {  	s4 =	simm.s32 $0x1BF5;
	[smem:$0x3FB1] =	sst s0  }
0x18: {  	s0 =	sld [smem:$0x3F94];
	_ =	swait.ge [sflag:s4], $0x0  }
0x19: {  	s7 =	sld [smem:$0x3F95]  }
0x1a: {  	s8 =	sadd.s32 $0xFFFFE003, lr  }
0x1b: {  	s9 =	sadd.s32 $0xFFFFFEF7, lr;
	s5 =	simm.s32 $0xFFFFFFFF;
	p2 =	slt.u32 s8, $0xFFFFF086  }
0x1c: {  	p1 =	slt.u32 s9, $0xF7A;
	s5 =	simm.s32 @!p2 $0x0  }
0x1d: {  	s5 =	simm.s32 @p1 $0x1;
	p0 =	seq.s32 s7, s2  }
0x1e: {  	s7 =	smul.u32 @!p0 $0xF7A, s2;
	p2 =	seq.s32 @!p0 s5, $0x0  }
0x1f: {  	s9 =	smul.u32 $0xF7A, s1;
	s8 =	simm.s32 @!p0 $0x1BF5;
	p2 =	por !p2, p0  }
0x20: {  	[sflag:s8] =	ssyncset.s32 @!p0 $0xFFFFF086;
	s6 =	sadd.s32 @!p0 s3, s7;
	s7 =	simm.s32 @!p0 $0x108  }
0x21: {  	s3 =	sadd.s32 s3, s9;
	s6 =	sadd.s32 @!p0 $0x88, s6;
	s7 =	simm.s32 @p2 $0x1082  }
0x22: {  	[simem:s7], [sflag:s8] =	dma.local @!p0 [hbm:s6], $0xF7A  }
0x23: {  	s9 =	sor.u32 $0xD0000000, s2;
	s6 =	simm.s32 $0x108;
	_ =	swait.ge @!p0 [sflag:s8], $0x0  }
0x24: {  	s3 =	sadd.s32 $0x88, s3;
	s6 =	simm.s32 @!p1 $0x1082;
	[sflag:s4] =	ssyncset.s32 $0xFFFFF086  }
0x25: {  	[simem:s6], [sflag:s4] =	dma.local [hbm:s3], $0xF7A  }
0x26: {  	[smem:$0x3F95] =	sst s1;
	(tag) =	ssettag s2;
	_ =	strace s9  }
0x27: {  	s1 =	sld [smem:$0x3FA5]  }
0x28: {  	s2 =	sld [smem:$0x3FA6]  }
0x29: {  	s4 =	sld [smem:$0x3FA8]  }
0x2a: {  	p0 =	seq.s32 s5, $0x0;
	s5 =	sld [smem:$0x3FA9]  }
0x2b: {  	s6 =	sld [smem:$0x3FAA]  }
0x2c: {  	s7 =	sld [smem:$0x3FAB]  }
0x2d: {  	s3 =	simm.s32 $0x108;
	s8 =	sld [smem:$0x3FAC]  }
0x2e: {  	s3 =	simm.s32 @!p0 $0x1082;
	s9 =	sld [smem:$0x3FAD]  }
0x2f: {  	lr =	sadd.s32 s0, s3;
	s0 =	sld [smem:$0x3FA4]  }
0x30: {  	s3 =	sld [smem:$0x3FA7]  }
0x31: {  	[smem:$0x3FB0] =	sst s10  }
0x32: {  	s10 =	sld [smem:$0x3FAE];
	_ =	sdelay $0x3  }
0x33: {  	p0 =	seq.s32 s10, $0x1;
	s10 =	sld [smem:$0x3FB0];
	_ =	sdelay $0x3  }
0x34: {  	[smem:$0x3FB0] =	sst s10  }
0x35: {  	s10 =	sld [smem:$0x3FAF];
	_ =	sdelay $0x3  }
0x36: {  	p1 =	seq.s32 s10, $0x1;
	s10 =	sld [smem:$0x3FB0];
	_ =	sdelay $0x3  }
0x37: {  	[smem:$0x3FB0] =	sst s10  }
0x38: {  	s10 =	sld [smem:$0x3FB1]  }
0x39: {  	_ = 	snop;
	(pc) =	sbr.ind lr, $3  }
0x3a: {  	_ = 	snop  }
0x3b: {  	_ = 	snop  }
0x3c: {  	p2 =	seq.s32 s10, $0x1;
	s10 =	sld [smem:$0x3FB0]  }
0x3d: {  	_ =	shalt  }
0x3e: {  	_ =	shalt  }
0x3f: {  	_ =	shalt  }
0x40: {  	_ =	shalt  }
0x41: {  	_ =	shalt  }
0x42: {  	_ =	shalt  }
0x43: {  	_ =	shalt  }
0x44: {  	_ =	shalt  }
0x45: {  	_ =	shalt  }
0x46: {  	_ =	shalt  }
0x47: {  	_ =	shalt  }
0x48: {  	_ =	shalt  }
0x49: {  	_ =	shalt  }
0x4a: {  	_ =	shalt  }
0x4b: {  	_ =	shalt  }
0x4c: {  	_ =	shalt  }
0x4d: {  	_ =	shalt  }
0x4e: {  	_ =	shalt  }
0x4f: {  	_ =	shalt  }
0x50: {  	_ =	shalt  }
0x51: {  	_ =	shalt  }
0x52: {  	_ =	shalt  }
0x53: {  	_ =	shalt  }
0x54: {  	_ =	shalt  }
0x55: {  	_ =	shalt  }
0x56: {  	_ =	shalt  }
0x57: {  	_ =	shalt  }
0x58: {  	_ =	shalt  }
0x59: {  	_ =	shalt  }
0x5a: {  	_ =	shalt  }
0x5b: {  	_ =	shalt  }
0x5c: {  	_ =	shalt  }
0x5d: {  	_ =	shalt  }
0x5e: {  	_ =	shalt  }
0x5f: {  	_ =	shalt  }
0x60: {  	_ =	shalt  }
0x61: {  	_ =	shalt  }
0x62: {  	_ =	shalt  }
0x63: {  	_ =	shalt  }
0x64: {  	_ =	shalt  }
0x65: {  	_ =	shalt  }
0x66: {  	_ =	shalt  }
0x67: {  	_ =	shalt  }
0x68: {  	_ =	shalt  }
0x69: {  	_ =	shalt  }
0x6a: {  	_ =	shalt  }
0x6b: {  	_ =	shalt  }
0x6c: {  	_ =	shalt  }
0x6d: {  	_ =	shalt  }
0x6e: {  	_ =	shalt  }
0x6f: {  	_ =	shalt  }
0x70: {  	_ =	shalt  }
0x71: {  	_ =	shalt  }
0x72: {  	_ =	shalt  }
0x73: {  	_ =	shalt  }
0x74: {  	_ =	shalt  }
0x75: {  	_ =	shalt  }
0x76: {  	_ =	shalt  }
0x77: {  	_ =	shalt  }
0x78: {  	_ =	shalt  }
0x79: {  	_ =	shalt  }
0x7a: {  	_ =	shalt  }
0x7b: {  	_ =	shalt  }
0x7c: {  	_ =	shalt  }
0x7d: {  	_ =	shalt  }
0x7e: {  	_ =	shalt  }
0x7f: {  	_ =	shalt  }
0x80: {  	_ =	shalt  }
0x81: {  	_ =	shalt  }
0x82: {  	_ =	shalt  }
0x83: {  	_ =	shalt  }
0x84: {  	_ =	shalt  }
0x85: {  	_ =	shalt  }
0x86: {  	_ =	shalt  }
0x87: {  	_ =	shalt  }
.Lfunc_end0:
.L_simem_size_0:
called_computation.4_lowered:
.L_overlay_start_0:
0x88: {  	s2 =	sld [smem:$0x3FD9]  }
0x89: {  	s3 =	sld [smem:$0x3FFE];
	_ =	sdelay $0x1  }
0x8a: {  	s1 =	srdreg.scid  }
0x8b: {  	s0 =	sand.u32 $0x1, s1  }
0x8c: {  	s16 =	sshll.u32 s0, $0xA;
	s2 =	sadd.s32 s3, s2  }
0x8d: {  	s2 =	sadd.s32 s2, s16  }
0x8e: {  	[smem:$0x3FBC] =	sst s2  }
0x8f: {  	_ = 	snop  }
0x90: {  	(tm) =	ssettm $0x1  }
0x91: {  	s17 =	sld [smem:$0x3FFB];
	_ =	sdelay $0x3  }
0x92: {  	_ =	strace s17  }
0x93: {  	s2 =	sld [smem:$0x3FFC];
	_ =	sdelay $0x3  }
0x94: {  	_ =	strace s2  }
0x95: {  	s2 =	sld [smem:$0x3FFD];
	_ =	sdelay $0x3  }
0x96: {  	_ =	strace s2  }
0x97: {  	_ =	strace $0x8FFFFFFF  }
0x98: {  	s18 =	sld [smem:$0x3FDB];
	_ =	sdelay $0x1  }
0x99: {  	s19 =	simm.s32 $_scs_section_size  }
0x9a: {  	s4 =	simm.s32 $_size__tile_overlayer_lowered;
	s5 =	simm.s32 $_tile_overlayer_lowered  }
0x9b: {  	s22 =	simm.s32 $0x1BFF;
	s21 =	sshll.u32 s5, $0x1;
	s2 =	sadd.s32 s19, s18  }
0x9c: {  	s6 =	simm.s32 $0x0;
	s20 =	sshll.u32 s4, $0x1;
	s4 =	sadd.s32 s21, s2  }
0x9d: {  	[timem:s6], [sflag:s22] =	dma.local [hbm:s4], s20  }
0x9e: {  	_ =	swait.ge [sflag:s22], s20  }
0x9f: {  	s3 =	ssub.s32 $0x0, s20;
	[sflag:s22] =	ssyncset.done $0x0  }
0xa0: {  	[sflag:s22] =	ssyncadd.s32 s3;
	_ =	sdelay $0x1  }
0xa1: {  	s23 =	simm.s32 $0x1B8B  }
0xa2: {  	_ =	swait.ge [sflag:s23], $0x1  }
0xa3: {  	[sflag:s23] =	ssyncset.done $0x0  }
0xa4: {  	s25 =	simm.s32 $0x1B8E;
	s24 =	sld [smem:$0x3FFE];
	[sflag:s23] =	ssyncadd.s32 $0xFFFFFFFF  }
0xa5: {  	s26 =	simm.s32 $execute0_lowered;
	[smem:$0x3FD2] =	sst s25  }
0xa6: {  	s4 =	sshll.u32 s26, $0x1;
	_ =	strace $0x80000052;
	[dreg:$0x1] =	wrdreg $0xFFFFFFFF  }
0xa7: {  	s28 =	simm.s32 $_size_execute0_lowered;
	s2 =	sadd.s32 s2, s4;
	[dreg:$0x0] =	wrdreg $0x0  }
0xa8: {  	s4 =	sshll.u32 s28, $0x1;
	[dreg:$0x2] =	wrdreg s2  }
0xa9: {  	[dreg:$0x3] =	wrdreg s4  }
0xaa: {  	[dreg:$0x4] =	wrdreg $0xC0  }
0xab: {  	_ =	task [dreg:s6], $0x5FFFF  }
0xac: {  	[dreg:$0x1] =	wrdreg $0xFFFFFFFF  }
0xad: {  	[dreg:$0x0] =	wrdreg $0x60  }
0xae: {  	[dreg:$0x2] =	wrdreg s24  }
0xaf: {  	[dreg:$0x3] =	wrdreg $0xB8000  }
0xb0: {  	[dreg:$0x4] =	wrdreg $0x9  }
0xb1: {  	_ =	task.clear_ibuf [dreg:s6], $0x5FFFF;
	_ =	strace $0x90000052  }
0xb2: {  	s29 =	simm.s32 $0x9;
	_ =	strace $0x80000054  }
0xb3: {  	_ =	swait.ge [sflag:s29], $0x1  }
0xb4: {  	[sflag:s29] =	ssyncadd.s32 $0xFFFFFFFF  }
0xb5: {  	_ =	strace $0x90000054  }
0xb6: {  	_ =	sfence  }
0xb7: {  	s30 =	sld [smem:$0x0];
	_ =	sdelay $0x2  }
0xb8: {  	s31 =	sshll.u32 s1, $0xD;
	s1 =	sshrl.u32 s1, $0x2  }
0xb9: {  	s3 =	sand.u32 $0x4000, s31;
	s1 =	sadd.s32 s1, s30  }
0xba: {  	s0 =	sor.u32 s3, s0;
	s1 =	sshll.u32 s1, $0x11  }
0xbb: {  	s0 =	sor.u32 s1, s0  }
0xbc: {  	s0 =	sadd.s32 $0x8F2B, s0  }
0xbd: {  	[sflag:s0] =	ssyncadd.remote.s32 $0x1  }
0xbe: {  	_ =	sfence.sel $0xFFFF  }
0xbf: {  	[dreg:$0x0] =	wrdreg $0xFFFFFFFF;
	(pc) =	sbr.abs _section_cstart, $3  }
0xc0: {  	[dreg:$0x1] =	wrdreg $0xFFFFFFFF  }
0xc1: {  	_ =	task.clear_ibuf [dreg:s6], $0x2FFFF;
	_ =	strace $0x9FFFFFFF  }
0xc2: {  	(tm) =	ssettm $0x7FFFFFFF  }
0xc3: {  	_ =	shalt  }
tec
execute0_lowered:
.L_overlay_start_1:
0x0: {  	(tag) =	ssettag $0x1  }
0x1: {  	s0 =	rddreg [dreg:$0x0]  }
0x2: {  	s1 =	rddreg [dreg:$0x1];
	s3 =	simm.s32 $0x0  }
0x3: {  	s2 =	srdreg.scid;
	s9 =	stileid.u32;
	s30 =	simm.s32 $0xA800  }
0x4: {  	s31 =	simm.s32 $0x2;
	[smem:$0x7FF] =	sst s3;
	s8 =	smul.u32 $0x14000, s9  }
0x5: {  	s2 =	sand.u32 $0x1, s2;
	s7 =	sshll.u32 s9, $0xB;
	s21 =	smul.u32 $0x50000, s9  }
0x6: {  	s4 =	sadd.s32 $0x24200, s0;
	s5 =	smul.u32 $0x140000, s2;
	s6 =	sshll.u32 s2, $0xF  }
0x7: {  	_ =	strace $0x80000053;
	s2 =	ssub.s32 $0x2, s2;
	s6 =	sor.u32 s7, s6  }
0x8: {  	s22 =	sshrl.u32 s2, $0x1;
	s23 =	sshrl.u32 s21, $0x2;
	s6 =	sadd.s32 s6, s0  }
0x9: {  	s5 =	sadd.s32 s8, s5;
	s2 =	ssub.s32 s2, s22;
	s24 =	sadd.s32 $0x4200, s6  }
0xa: {  	s5 =	sshrl.u32 s5, $0x3;
	s6 =	sadd.s32 $0x14200, s6;
	[dreg:$0x3] =	wrdreg s24  }
0xb: {  	s25 =	smax.u32 s2, $0x1;
	s2 =	simm.s32 $0x50;
	[dreg:$0x4] =	wrdreg s6  }
0xc: {  	s0 =	sadd.s32 s5, s0;
	s5 =	sadd.s32 s23, s1;
	[dreg:$0x6] =	wrdreg s25  }
0xd: {  	s6 =	simm.s32 $0x1;
	s0 =	sadd.s32 $0x74A00, s0;
	s26 =	sadd.s32 $0x1000, s5  }
0xe: {  	s11 =	sadd.s32 $0x2000, s5;
	s12 =	sadd.s32 $0x3000, s5;
	s13 =	sadd.s32 $0x4000, s5  }
0xf: {  	s14 =	sadd.s32 $0x5000, s5;
	s15 =	sadd.s32 $0x6000, s5;
	s16 =	sadd.s32 $0x7000, s5  }
0x10: {  	s17 =	sadd.s32 $0x8000, s5;
	s18 =	sadd.s32 $0x9000, s5;
	s19 =	sadd.s32 $0xA000, s5  }
0x11: {  	s20 =	sadd.s32 $0xB000, s5;
	s21 =	sadd.s32 $0xC000, s5;
	s22 =	sadd.s32 $0xD000, s5  }
0x12: {  	s23 =	sadd.s32 $0xE000, s5;
	s24 =	sadd.s32 $0xF000, s5;
	s25 =	sadd.s32 $0x10000, s5  }
0x13: {  	s28 =	sadd.s32 $0x12000, s5;
	s29 =	sadd.s32 $0x13000, s5;
	[dreg:$0x5] =	wrdreg s0  }
0x14: {  	v0 =	vimm.f32 $0.0e+00;
	[dreg:$0x7] =	wrdreg s26;
	s26 =	sadd.s32 $0x11000, s5;
	s0 =	simm.s32 $0x8000  }
.LBB2_1:
0x15: {  	s7 =	simm.s32 $0x0;
	s8 =	simm.s32 $0x200  }
.LBB2_2:
0x16: {  	p0 =	sne.s32 s8, $0x3E00;
	[tilespmem:s7+$0xA870] =	vst v0  }
0x17: {  	[tilespmem:s7+$0xA800] =	vst v0  }
0x18: {  	[tilespmem:s7+$0xA810] =	vst v0  }
.Ltmp0:
0x19: {  	[tilespmem:s7+$0xA820] =	vst v0;
	(pc) =	sbr.rel @p0 .LBB2_2-.Ltmp0, $4  }
0x1a: {  	[tilespmem:s7+$0xA830] =	vst v0  }
0x1b: {  	[tilespmem:s7+$0xA840] =	vst v0  }
0x1c: {  	[tilespmem:s7+$0xA850] =	vst v0  }
0x1d: {  	[tilespmem:s7+$0xA860] =	vst v0;
	s7 =	sshra.s32 s8, $0x2;
	s8 =	sadd.s32 $0x200, s8  }
0x1e: {  	[tilespmem:s7+$0xA870] =	vst v0  }
0x1f: {  	[tilespmem:s7+$0xA800] =	vst v0  }
0x20: {  	[tilespmem:s7+$0xA810] =	vst v0  }
0x21: {  	[tilespmem:s7+$0xA820] =	vst v0  }
0x22: {  	[tilespmem:s7+$0xA830] =	vst v0  }
0x23: {  	[tilespmem:s7+$0xA840] =	vst v0  }
0x24: {  	[tilespmem:s7+$0xA850] =	vst v0  }
0x25: {  	[tilespmem:s7+$0xA860] =	vst v0  }
0x26: {  	[spmem:s5] =	stream.linear.scatter [tilespmem:s30], [sflag:$0x2], $0x1000, $0x38;
	[tilespmem:$0x1F800] =	vst v63  }
0x27: {  	_ =	swait.ge [sflag:s31], $0x1000  }
0x28: {  	[sflag:s31] =	ssyncset.done $0x0  }
0x29: {  	s9 =	rddreg [dreg:$0x7];
	[sflag:s31] =	ssyncadd.s32 $0xFFFFF000  }
0x2a: {  	[spmem:s9] =	stream.linear.scatter [tilespmem:s30], [sflag:$0x2], $0x1000, $0x38;
	[tilespmem:$0x1F800] =	vst v63  }
0x2b: {  	_ =	swait.ge [sflag:s31], $0x1000  }
0x2c: {  	[sflag:s31] =	ssyncset.done $0x0  }
0x2d: {  	[sflag:s31] =	ssyncadd.s32 $0xFFFFF000  }
0x2e: {  	[spmem:s11] =	stream.linear.scatter [tilespmem:s30], [sflag:$0x2], $0x1000, $0x38;
	[tilespmem:$0x1F800] =	vst v63  }
0x2f: {  	_ =	swait.ge [sflag:s31], $0x1000  }
0x30: {  	[sflag:s31] =	ssyncset.done $0x0  }
0x31: {  	[sflag:s31] =	ssyncadd.s32 $0xFFFFF000  }
0x32: {  	[spmem:s12] =	stream.linear.scatter [tilespmem:s30], [sflag:$0x2], $0x1000, $0x38;
	[tilespmem:$0x1F800] =	vst v63  }
0x33: {  	_ =	swait.ge [sflag:s31], $0x1000  }
0x34: {  	[sflag:s31] =	ssyncset.done $0x0  }
0x35: {  	[sflag:s31] =	ssyncadd.s32 $0xFFFFF000  }
0x36: {  	[spmem:s13] =	stream.linear.scatter [tilespmem:s30], [sflag:$0x2], $0x1000, $0x38;
	[tilespmem:$0x1F800] =	vst v63  }
0x37: {  	_ =	swait.ge [sflag:s31], $0x1000  }
0x38: {  	[sflag:s31] =	ssyncset.done $0x0  }
0x39: {  	[sflag:s31] =	ssyncadd.s32 $0xFFFFF000  }
0x3a: {  	[spmem:s14] =	stream.linear.scatter [tilespmem:s30], [sflag:$0x2], $0x1000, $0x38;
	[tilespmem:$0x1F800] =	vst v63  }
0x3b: {  	_ =	swait.ge [sflag:s31], $0x1000  }
0x3c: {  	[sflag:s31] =	ssyncset.done $0x0  }
0x3d: {  	[sflag:s31] =	ssyncadd.s32 $0xFFFFF000  }
0x3e: {  	[spmem:s15] =	stream.linear.scatter [tilespmem:s30], [sflag:$0x2], $0x1000, $0x38;
	[tilespmem:$0x1F800] =	vst v63  }
0x3f: {  	_ =	swait.ge [sflag:s31], $0x1000  }
0x40: {  	[sflag:s31] =	ssyncset.done $0x0  }
0x41: {  	[sflag:s31] =	ssyncadd.s32 $0xFFFFF000  }
0x42: {  	[spmem:s16] =	stream.linear.scatter [tilespmem:s30], [sflag:$0x2], $0x1000, $0x38;
	[tilespmem:$0x1F800] =	vst v63  }
0x43: {  	_ =	swait.ge [sflag:s31], $0x1000  }
0x44: {  	[sflag:s31] =	ssyncset.done $0x0  }
0x45: {  	[sflag:s31] =	ssyncadd.s32 $0xFFFFF000  }
0x46: {  	[spmem:s17] =	stream.linear.scatter [tilespmem:s30], [sflag:$0x2], $0x1000, $0x38;
	[tilespmem:$0x1F800] =	vst v63  }
0x47: {  	_ =	swait.ge [sflag:s31], $0x1000  }
0x48: {  	[sflag:s31] =	ssyncset.done $0x0  }
0x49: {  	[sflag:s31] =	ssyncadd.s32 $0xFFFFF000  }
0x4a: {  	[spmem:s18] =	stream.linear.scatter [tilespmem:s30], [sflag:$0x2], $0x1000, $0x38;
	[tilespmem:$0x1F800] =	vst v63  }
0x4b: {  	_ =	swait.ge [sflag:s31], $0x1000  }
0x4c: {  	[sflag:s31] =	ssyncset.done $0x0  }
0x4d: {  	[sflag:s31] =	ssyncadd.s32 $0xFFFFF000  }
0x4e: {  	[spmem:s19] =	stream.linear.scatter [tilespmem:s30], [sflag:$0x2], $0x1000, $0x38;
	[tilespmem:$0x1F800] =	vst v63  }
0x4f: {  	_ =	swait.ge [sflag:s31], $0x1000  }
0x50: {  	[sflag:s31] =	ssyncset.done $0x0  }
0x51: {  	[sflag:s31] =	ssyncadd.s32 $0xFFFFF000  }
0x52: {  	[spmem:s20] =	stream.linear.scatter [tilespmem:s30], [sflag:$0x2], $0x1000, $0x38;
	[tilespmem:$0x1F800] =	vst v63  }
0x53: {  	_ =	swait.ge [sflag:s31], $0x1000  }
0x54: {  	[sflag:s31] =	ssyncset.done $0x0  }
0x55: {  	[sflag:s31] =	ssyncadd.s32 $0xFFFFF000  }
0x56: {  	[spmem:s21] =	stream.linear.scatter [tilespmem:s30], [sflag:$0x2], $0x1000, $0x38;
	[tilespmem:$0x1F800] =	vst v63  }
0x57: {  	_ =	swait.ge [sflag:s31], $0x1000  }
0x58: {  	[sflag:s31] =	ssyncset.done $0x0  }
0x59: {  	[sflag:s31] =	ssyncadd.s32 $0xFFFFF000  }
0x5a: {  	[spmem:s22] =	stream.linear.scatter [tilespmem:s30], [sflag:$0x2], $0x1000, $0x38;
	[tilespmem:$0x1F800] =	vst v63  }
0x5b: {  	_ =	swait.ge [sflag:s31], $0x1000  }
0x5c: {  	[sflag:s31] =	ssyncset.done $0x0  }
0x5d: {  	[sflag:s31] =	ssyncadd.s32 $0xFFFFF000  }
0x5e: {  	[spmem:s23] =	stream.linear.scatter [tilespmem:s30], [sflag:$0x2], $0x1000, $0x38;
	[tilespmem:$0x1F800] =	vst v63  }
0x5f: {  	_ =	swait.ge [sflag:s31], $0x1000  }
0x60: {  	[sflag:s31] =	ssyncset.done $0x0  }
0x61: {  	[sflag:s31] =	ssyncadd.s32 $0xFFFFF000  }
0x62: {  	[spmem:s24] =	stream.linear.scatter [tilespmem:s30], [sflag:$0x2], $0x1000, $0x38;
	[tilespmem:$0x1F800] =	vst v63  }
0x63: {  	_ =	swait.ge [sflag:s31], $0x1000  }
0x64: {  	[sflag:s31] =	ssyncset.done $0x0  }
0x65: {  	[sflag:s31] =	ssyncadd.s32 $0xFFFFF000  }
0x66: {  	[spmem:s25] =	stream.linear.scatter [tilespmem:s30], [sflag:$0x2], $0x1000, $0x38;
	[tilespmem:$0x1F800] =	vst v63  }
0x67: {  	_ =	swait.ge [sflag:s31], $0x1000  }
0x68: {  	[sflag:s31] =	ssyncset.done $0x0  }
0x69: {  	[sflag:s31] =	ssyncadd.s32 $0xFFFFF000  }
0x6a: {  	[spmem:s26] =	stream.linear.scatter [tilespmem:s30], [sflag:$0x2], $0x1000, $0x38;
	[tilespmem:$0x1F800] =	vst v63  }
0x6b: {  	_ =	swait.ge [sflag:s31], $0x1000  }
0x6c: {  	[sflag:s31] =	ssyncset.done $0x0  }
0x6d: {  	[sflag:s31] =	ssyncadd.s32 $0xFFFFF000  }
0x6e: {  	[spmem:s28] =	stream.linear.scatter [tilespmem:s30], [sflag:$0x2], $0x1000, $0x38;
	[tilespmem:$0x1F800] =	vst v63  }
0x6f: {  	_ =	swait.ge [sflag:s31], $0x1000  }
0x70: {  	[sflag:s31] =	ssyncset.done $0x0  }
0x71: {  	[sflag:s31] =	ssyncadd.s32 $0xFFFFF000  }
0x72: {  	[spmem:s29] =	stream.linear.scatter [tilespmem:s30], [sflag:$0x2], $0x1000, $0x38;
	[tilespmem:$0x1F800] =	vst v63  }
0x73: {  	_ =	swait.ge [sflag:s31], $0x1000  }
0x74: {  	[sflag:s31] =	ssyncset.done $0x0  }
0x75: {  	s7 =	simm.s32 $0x0;
	s8 =	rddreg [dreg:$0x3];
	[sflag:s31] =	ssyncadd.s32 $0xFFFFF000  }
0x76: {  	[tilespmem:s7], [sflag:$0x2] =	stream.linear.gather [hbm4b:s8+s7], $0x3E80, $0x38;
	[tilespmem:$0x1F800] =	vst v63  }
0x77: {  	_ =	swait.ge [sflag:s31], $0x3E80  }
0x78: {  	[sflag:s31] =	ssyncset.done $0x0  }
0x79: {  	s9 =	simm.s32 $0x4000;
	s10 =	rddreg [dreg:$0x4];
	[sflag:s31] =	ssyncadd.s32 $0xFFFFC180  }
0x7a: {  	[tilespmem:s9], [sflag:$0x2] =	stream.linear.gather [hbm4b:s10+s7], $0x3E80, $0x38;
	[tilespmem:$0x1F800] =	vst v63  }
0x7b: {  	_ =	swait.ge [sflag:s31], $0x3E80  }
0x7c: {  	[sflag:s31] =	ssyncset.done $0x0  }
0x7d: {  	[sflag:s31] =	ssyncadd.s32 $0xFFFFC180  }
0x7e: {  	s9 =	simm.s32 $0x0;
	[bflag:$0x0] =	sbarrier.arrive $0xFFFF  }
0x7f: {  	[tilespmem:s0], [sflag:$0x1] =	stream.indirect.gather [hbm4b:s4+s2], $0x80, s9, s2, $0xb8;
	[tilespmem:$0x1F800] =	vst v63  }
0x80: {  	_ =	swait.ge [sflag:s6], $0x2800  }
0x81: {  	[sflag:s6] =	ssyncset.done $0x0  }
0x82: {  	s10 =	simm.s32 $0x4000;
	[sflag:s6] =	ssyncadd.s32 $0xFFFFD800  }
0x83: {  	[spmem:s1] =	stream.indirect.scatter.add.f32 [tilespmem:s0], [sflag:$0x2], $0x80, s10, s2, $0xb8;
	[tilespmem:$0x1F800] =	vst v63  }
0x84: {  	_ =	swait.ge [sflag:s31], $0x2800  }
0x85: {  	s8 =	simm.s32 $0x400;
	s7 =	simm.s32 $0x200;
	[sflag:s31] =	ssyncset.done $0x0  }
.LBB2_4:
0x86: {  	s9 =	sshra.s32 s7, $0x2  }
0x87: {  	[sflag:s31] =	ssyncadd.s32 $0xFFFFD800;
	s7 =	smov.u32 s8;
	s10 =	sadd.s32 $0x200, s8  }
0x88: {  	[tilespmem:s0], [sflag:$0x1] =	stream.indirect.gather [hbm4b:s4+s2], $0x80, s9, s2, $0xb8;
	[tilespmem:$0x1F800] =	vst v63  }
0x89: {  	p0 =	sne.s32 s8, $0xF800;
	_ =	swait.ge [sflag:s6], $0x2800  }
.Ltmp1:
0x8a: {  	[sflag:s6] =	ssyncset.done $0x0;
	(pc) =	sbr.rel @p0 .LBB2_4-.Ltmp1, $4  }
0x8b: {  	s8 =	sadd.s32 $0x4000, s9;
	[sflag:s6] =	ssyncadd.s32 $0xFFFFD800  }
0x8c: {  	[spmem:s1] =	stream.indirect.scatter.add.f32 [tilespmem:s0], [sflag:$0x2], $0x80, s8, s2, $0xb8;
	[tilespmem:$0x1F800] =	vst v63  }
0x8d: {  	_ =	swait.ge [sflag:s31], $0x2800  }
0x8e: {  	s8 =	smov.u32 s10;
	[sflag:s31] =	ssyncset.done $0x0  }
0x8f: {  	s7 =	sshra.s32 s7, $0x2;
	[sflag:s31] =	ssyncadd.s32 $0xFFFFD800  }
0x90: {  	[tilespmem:s0], [sflag:$0x1] =	stream.indirect.gather [hbm4b:s4+s2], $0x80, s7, s2, $0xb8;
	[tilespmem:$0x1F800] =	vst v63  }
0x91: {  	_ =	swait.ge [sflag:s6], $0x2800  }
0x92: {  	[sflag:s6] =	ssyncset.done $0x0  }
0x93: {  	s7 =	sadd.s32 $0x4000, s7;
	[sflag:s6] =	ssyncadd.s32 $0xFFFFD800  }
0x94: {  	[spmem:s1] =	stream.indirect.scatter.add.f32 [tilespmem:s0], [sflag:$0x2], $0x80, s7, s2, $0xb8;
	[tilespmem:$0x1F800] =	vst v63  }
0x95: {  	_ =	swait.ge [sflag:s31], $0x2800  }
0x96: {  	[sflag:s31] =	ssyncset.done $0x0  }
0x97: {  	s9 =	stileid.u32;
	[sflag:s31] =	ssyncadd.s32 $0xFFFFD800  }
0x98: {  	s7 =	sshll.u32 s9, $0x6;
	[bflag:$0x0] =	sbarrier.arrive $0xFFFF  }
0x99: {  	s8 =	sshrl.u32 s5, $0x3;
	s7 =	sor.u32 $0x1C02, s7;
	s9 =	rddreg [dreg:$0x5]  }
0x9a: {  	[hbm:s9], [sflag:s7] =	dma.local [spmem:s8], $0x2800  }
0x9b: {  	_ =	swait.ge [sflag:s31], $0x2800  }
0x9c: {  	s3 =	sadd.s32 $0x1, s3;
	s10 =	rddreg [dreg:$0x6]  }
0x9d: {  	p0 =	sne.s32 s3, s10  }
.Ltmp2:
0x9e: {  	_ = 	snop;
	(pc) =	sbr.rel @p0 .LBB2_1-.Ltmp2, $3  }
0x9f: {  	_ =	sdelay $0x1  }
0xa0: {  	[sflag:s31] =	ssyncset.done $0x0  }
0xa1: {  	[sflag:s31] =	ssyncadd.s32 $0xFFFFD800  }
0xa2: {  	_ =	sfence.sel $0x180000  }
0xa3: {  	[bflag:$0x0] =	sbarrier.arrive $0xFFFF  }
0xa4: {  	_ =	strace $0x90000053  }
0xa5: {  	s0 =	stileid.u32;
	[bflag:$0x2] =	sbarrier.arrive $0xFFFF  }
0xa6: {  	p0 =	sne.s32 s0, $0x0;
	s0 =	rddreg [dreg:$0x2]  }
0xa7: {  	s0 =	sadd.s32 @!p0 $0x100000, s0  }
0xa8: {  	[sflag:s0] =	ssyncadd.tile.s32 @!p0 $0x1;
	_ =	shalt  }
.Lfunc_end2:
_tile_overlayer_lowered:
.L_overlay_start_2:
0xa9: {  	(tag) =	ssettag $0x2  }
0xaa: {  	s0 =	rddreg [dreg:$0x0];
	s2 =	stileid.u32  }
0xab: {  	s1 =	rddreg [dreg:$0x1];
	p0 =	sne.s32 s2, $0x0  }
0xac: {  	s3 =	rddreg [dreg:$0x2];
	[bflag:$0x3] =	sbarrier.arrive $0xFFFF;
	s2 =	simm.s32 @!p0 $0x1C02  }
0xad: {  	[timem:s3], [sflag:s2] =	dma.local @!p0 [hbm:s0], s1  }
0xae: {  	s0 =	simm.s32 @!p0 $0x2  }
0xaf: {  	_ =	swait.ge @!p0 [sflag:s0], s1  }
0xb0: {  	s1 =	ssub.s32 @!p0 $0x0, s1;
	[sflag:s0] =	ssyncset.done @!p0 $0x0  }
0xb1: {  	[sflag:s0] =	ssyncadd.s32 @!p0 s1  }
0xb2: {  	[bflag:$0x3] =	sbarrier.arrive $0xFFFF  }
0xb3: {  	_ =	shalt  }

</sc_bundles>
